<compile_context>
chip_gen: v7x
topology: tpu7x:2x2x1
jax: 0.10.2.dev20260603
libtpu: 0.0.44.dev20260713+nightly
codegen_flags: <defaults>
</compile_context>

<pallas_src>
import functools

import jax
import jax.numpy as jnp
from jax import lax
from jax.experimental import pallas as pl
from jax.experimental.pallas import tpu as pltpu
from jax.experimental.pallas import tpu_sc as plsc

_NUM_VOCAB = 1000000
_MAXLEN = 200
_NUM_HID = 64
_BATCH = 4096
_SEQ = 200

_NC = 2
_NS = 16
_NW = _NC * _NS
_TOTAL = _BATCH * _SEQ
_ROWS_PER_W = _TOTAL // _NW
_CHUNK = _MAXLEN
_NCHUNK = _ROWS_PER_W // _CHUNK
_LANES = 16
_SLICES = _NUM_HID // _LANES


def _body(idx2_hbm, hoff_hbm, emb2_hbm, pos_hbm, out_hbm,
          pos_v, idx0, idx1, hof0, hof1, raw0, raw1, cmp0, cmp1,
          g0, g1, o0, o1, i0, i1):
    cid = lax.axis_index("c")
    sid = lax.axis_index("s")
    wid = sid * _NC + cid
    base = pl.multiple_of(wid * _ROWS_PER_W, _CHUNK)
    row0 = wid * _NCHUNK

    pltpu.sync_copy(pos_hbm, pos_v)

    bufs = ((idx0, hof0, raw0, cmp0, g0, o0, i0),
            (idx1, hof1, raw1, cmp1, g1, o1, i1))

    def ifill(g, idx_v, hof_v, isem):
        off = pl.multiple_of(base + g * _CHUNK, _CHUNK)
        pltpu.async_copy(idx2_hbm.at[pl.ds(off, _CHUNK)], idx_v, isem)
        pltpu.async_copy(hoff_hbm.at[pl.ds(off, _CHUNK)],
                         hof_v.at[pl.ds(0, _CHUNK)], isem)

    def iwait(idx_v, hof_v, isem):
        pltpu.make_async_copy(idx2_hbm.at[pl.ds(base, _CHUNK)],
                              idx_v, isem).wait()
        pltpu.make_async_copy(hoff_hbm.at[pl.ds(base, _CHUNK)],
                              hof_v.at[pl.ds(0, _CHUNK)], isem).wait()

    def compact(raw_v, hof_v, cmp_v):
        @plsc.parallel_loop(0, _CHUNK, step=8, unroll=8)
        def _(t0):
            hb16 = hof_v[pl.ds(t0, _LANES)]
            for j in range(8):
                h = pl.multiple_of(hb16[j], _NUM_HID)
                t = t0 + j
                for c in range(_SLICES):
                    cmp_v[t, pl.ds(c * _LANES, _LANES)] = (
                        raw_v[t, pl.ds(h + c * _LANES, _LANES)]
                        + pos_v[t, pl.ds(c * _LANES, _LANES)])

    ifill(0, idx0, hof0, i0)
    ifill(1, idx1, hof1, i1)
    iwait(idx0, hof0, i0)
    pltpu.async_copy(emb2_hbm.at[idx0], raw0, g0)
    iwait(idx1, hof1, i1)
    pltpu.async_copy(emb2_hbm.at[idx1], raw1, g1)

    def step(i, carry):
        for b, (idx_v, hof_v, raw_v, cmp_v, gsem, osem, isem) in (
                enumerate(bufs)):
            g = 2 * i + b

            @pl.when(g >= 2)
            def _():
                pltpu.make_async_copy(cmp_v, out_hbm.at[row0], osem).wait()

            pltpu.make_async_copy(emb2_hbm.at[idx_v], raw_v, gsem).wait()

            nxt = g + 2

            @pl.when(nxt < _NCHUNK)
            def _():
                off = pl.multiple_of(base + nxt * _CHUNK, _CHUNK)
                pltpu.async_copy(idx2_hbm.at[pl.ds(off, _CHUNK)], idx_v, isem)

            compact(raw_v, hof_v, cmp_v)
            pltpu.async_copy(cmp_v, out_hbm.at[row0 + g], osem)

            @pl.when(nxt < _NCHUNK)
            def _():
                off = pl.multiple_of(base + nxt * _CHUNK, _CHUNK)
                pltpu.async_copy(hoff_hbm.at[pl.ds(off, _CHUNK)],
                                 hof_v.at[pl.ds(0, _CHUNK)], isem)
                iwait(idx_v, hof_v, isem)
                pltpu.async_copy(emb2_hbm.at[idx_v], raw_v, gsem)
        return carry

    lax.fori_loop(0, _NCHUNK // 2, step, 0)

    for idx_v, hof_v, raw_v, cmp_v, gsem, osem, isem in bufs:
        pltpu.make_async_copy(cmp_v, out_hbm.at[row0], osem).wait()


_mesh = plsc.VectorSubcoreMesh(core_axis_name="c", subcore_axis_name="s")

_tok_kernel = functools.partial(
    pl.kernel,
    mesh=_mesh,
    compiler_params=pltpu.CompilerParams(needs_layout_passes=False,
                                         use_tc_tiling_on_sc=True),
    out_type=jax.ShapeDtypeStruct((_BATCH, _SEQ, _NUM_HID), jnp.float32),
    scratch_types=[
        pltpu.VMEM((_MAXLEN, _NUM_HID), jnp.float32),
        pltpu.VMEM((_CHUNK,), jnp.int32),
        pltpu.VMEM((_CHUNK,), jnp.int32),
        pltpu.VMEM((_CHUNK + _LANES,), jnp.int32),
        pltpu.VMEM((_CHUNK + _LANES,), jnp.int32),
        pltpu.VMEM((_CHUNK, 2 * _NUM_HID), jnp.float32),
        pltpu.VMEM((_CHUNK, 2 * _NUM_HID), jnp.float32),
        pltpu.VMEM((_CHUNK, _NUM_HID), jnp.float32),
        pltpu.VMEM((_CHUNK, _NUM_HID), jnp.float32),
        pltpu.SemaphoreType.DMA,
        pltpu.SemaphoreType.DMA,
        pltpu.SemaphoreType.DMA,
        pltpu.SemaphoreType.DMA,
        pltpu.SemaphoreType.DMA,
        pltpu.SemaphoreType.DMA,
    ],
)(_body)


@jax.jit
def kernel(x, emb_table, pos_table):
    x_flat = x.reshape(-1).astype(jnp.int32)
    idx2 = x_flat >> 1
    hoff = (x_flat & 1) * _NUM_HID
    emb2 = emb_table.reshape(_NUM_VOCAB // 2, 2 * _NUM_HID)
    return _tok_kernel(idx2, hoff, emb2, pos_table)

# --- scband reference (transcript-rebuilt; emitter-appended) ---
"""Pipeline reference for scband-token-embedding-63574105915392 (READ-ONLY COPY).

The authoritative reference and input builder live on the scoring server;
editing this copy changes nothing except your own understanding.
"""

import jax, jax.numpy as jnp
import numpy as np

NUM_VOCAB = 1000000
MAXLEN = 200
NUM_HID = 64
BATCH = 4096
SEQ = 200

def setup_inputs(seed: int = 0) -> dict:
    key = jax.random.key(seed)
    k1, k2, k3 = jax.random.split(key, 3)
    x = jax.random.randint(k1, (BATCH, SEQ), 0, NUM_VOCAB, dtype=jnp.int64 if jax.config.jax_enable_x64 else jnp.int32)
    emb_table = jax.random.normal(k2, (NUM_VOCAB, NUM_HID), dtype=jnp.float32) * 0.05
    pos_table = jax.random.normal(k3, (MAXLEN, NUM_HID), dtype=jnp.float32) * 0.05
    return {"x": x, "emb_table": emb_table, "pos_table": pos_table}

def reference(x, emb_table, pos_table):
    # TokenEmbedding.call: token embedding lookup + positional embedding lookup, broadcast-add
    seq_len = x.shape[-1]
    tok = jnp.take(emb_table, x, axis=0)               # [B, S, H]
    positions = jnp.arange(0, seq_len)                  # [S]
    pos = jnp.take(pos_table, positions, axis=0)        # [S, H]
    return tok + pos                                    # broadcast over batch

if __name__ == "__main__":
    import jax
    _d = setup_inputs()
    print(jax.jit(kernel)(*tuple(_d.values())))

</pallas_src>

<mosaic_0001>
#map = affine_map<(d0, d1) -> (0)>
#map1 = affine_map<(d0, d1) -> (0, 0)>
#map2 = affine_map<(d0, d1) -> (0, 0, 0)>
module attributes {stable_mosaic.version = 14 : i64} {
  func.func @_body(%arg0: i32, %arg1: i32, %arg2: memref<819200xi32, #tpu.memory_space<hbm>>, %arg3: memref<819200xi32, #tpu.memory_space<hbm>>, %arg4: memref<500000x128xf32, #tpu.memory_space<hbm>>, %arg5: memref<200x64xf32, #tpu.memory_space<hbm>>, %arg6: memref<4096x200x64xf32, #tpu.memory_space<hbm>>, %arg7: memref<200x64xf32, #tpu.memory_space<vmem>>, %arg8: memref<200xi32, #tpu.memory_space<vmem>>, %arg9: memref<200xi32, #tpu.memory_space<vmem>>, %arg10: memref<216xi32, #tpu.memory_space<vmem>>, %arg11: memref<216xi32, #tpu.memory_space<vmem>>, %arg12: memref<200x128xf32, #tpu.memory_space<vmem>>, %arg13: memref<200x128xf32, #tpu.memory_space<vmem>>, %arg14: memref<200x64xf32, #tpu.memory_space<vmem>>, %arg15: memref<200x64xf32, #tpu.memory_space<vmem>>, %arg16: memref<!tpu.dma_semaphore, #tpu.memory_space<semaphore_mem>>, %arg17: memref<!tpu.dma_semaphore, #tpu.memory_space<semaphore_mem>>, %arg18: memref<!tpu.dma_semaphore, #tpu.memory_space<semaphore_mem>>, %arg19: memref<!tpu.dma_semaphore, #tpu.memory_space<semaphore_mem>>, %arg20: memref<!tpu.dma_semaphore, #tpu.memory_space<semaphore_mem>>, %arg21: memref<!tpu.dma_semaphore, #tpu.memory_space<semaphore_mem>>) attributes {dimension_semantics = [#tpu.dimension_semantics<core_parallel>, #tpu.dimension_semantics<subcore_parallel>], iteration_bounds = array<i64: 2, 16>, scalar_prefetch = 0 : i64, scratch_operands = 15 : i64, tpu.core_type = #tpu.core_type<sc_vector_subcore>, window_params = [{transform_indices = #map}, {transform_indices = #map}, {transform_indices = #map1}, {transform_indices = #map1}, {transform_indices = #map2}]} {
    %mul3A = arith.constant 2 : i32
    %mul3A_0 = arith.muli %arg1, %mul3A : i32
    %add3A = arith.addi %mul3A_0, %arg0 : i32
    %mul3A_1 = arith.constant 25600 : i32
    %mul3A_2 = arith.muli %add3A, %mul3A_1 : i32
    %multiple_of3A = tpu.assume_multiple %mul3A_2, 200 : i32
    %mul3A_3 = arith.constant 128 : i32
    %mul3A_4 = arith.muli %add3A, %mul3A_3 : i32
    "tpu.region"() ({
      %run_scoped3A = tpu.sem_alloc : memref<!tpu.dma_semaphore, #tpu.memory_space<semaphore_mem>>
      tpu.enqueue_dma source(%arg5 : memref<200x64xf32, #tpu.memory_space<hbm>>) target(%arg7 : memref<200x64xf32, #tpu.memory_space<vmem>>) target_semaphore(%run_scoped3A : memref<!tpu.dma_semaphore, #tpu.memory_space<semaphore_mem>>)
      tpu.wait_dma2 semaphore(%run_scoped3A : memref<!tpu.dma_semaphore, #tpu.memory_space<semaphore_mem>>) src(%arg5 : memref<200x64xf32, #tpu.memory_space<hbm>>) dst(%arg7 : memref<200x64xf32, #tpu.memory_space<vmem>>)
      tpu.yield
    }) : () -> ()
    %add3A_5 = arith.constant 0 : i32
    %add3A_6 = arith.addi %multiple_of3A, %add3A_5 : i32
    %multiple_of3A_7 = tpu.assume_multiple %add3A_6, 200 : i32
    %dma_start3A = tpu.memref_slice %arg2[%multiple_of3A_7] : memref<819200xi32, #tpu.memory_space<hbm>> -> memref<200xi32, #tpu.memory_space<hbm>>
    %dma_start3A_8 = tpu.memref_slice %arg2[%multiple_of3A_7] : memref<819200xi32, #tpu.memory_space<hbm>> -> memref<200xi32, #tpu.memory_space<hbm>>
    tpu.enqueue_dma source(%dma_start3A_8 : memref<200xi32, #tpu.memory_space<hbm>>) target(%arg8 : memref<200xi32, #tpu.memory_space<vmem>>) target_semaphore(%arg20 : memref<!tpu.dma_semaphore, #tpu.memory_space<semaphore_mem>>)
    %dma_start3A_9 = arith.constant 0 : i32
    %dma_start3A_10 = tpu.memref_slice %arg10[%dma_start3A_9] : memref<216xi32, #tpu.memory_space<vmem>> -> memref<200xi32, #tpu.memory_space<vmem>>
    %dma_start3A_11 = tpu.memref_slice %arg3[%multiple_of3A_7] : memref<819200xi32, #tpu.memory_space<hbm>> -> memref<200xi32, #tpu.memory_space<hbm>>
    %dma_start3A_12 = arith.constant 0 : i32
    %dma_start3A_13 = tpu.memref_slice %arg10[%dma_start3A_12] : memref<216xi32, #tpu.memory_space<vmem>> -> memref<200xi32, #tpu.memory_space<vmem>>
    %dma_start3A_14 = tpu.memref_slice %arg3[%multiple_of3A_7] : memref<819200xi32, #tpu.memory_space<hbm>> -> memref<200xi32, #tpu.memory_space<hbm>>
    tpu.enqueue_dma source(%dma_start3A_14 : memref<200xi32, #tpu.memory_space<hbm>>) target(%dma_start3A_13 : memref<200xi32, #tpu.memory_space<vmem>>) target_semaphore(%arg20 : memref<!tpu.dma_semaphore, #tpu.memory_space<semaphore_mem>>)
    %add3A_15 = arith.constant 200 : i32
    %add3A_16 = arith.addi %multiple_of3A, %add3A_15 : i32
    %multiple_of3A_17 = tpu.assume_multiple %add3A_16, 200 : i32
    %dma_start3A_18 = tpu.memref_slice %arg2[%multiple_of3A_17] : memref<819200xi32, #tpu.memory_space<hbm>> -> memref<200xi32, #tpu.memory_space<hbm>>
    %dma_start3A_19 = tpu.memref_slice %arg2[%multiple_of3A_17] : memref<819200xi32, #tpu.memory_space<hbm>> -> memref<200xi32, #tpu.memory_space<hbm>>
    tpu.enqueue_dma source(%dma_start3A_19 : memref<200xi32, #tpu.memory_space<hbm>>) target(%arg9 : memref<200xi32, #tpu.memory_space<vmem>>) target_semaphore(%arg21 : memref<!tpu.dma_semaphore, #tpu.memory_space<semaphore_mem>>)
    %dma_start3A_20 = arith.constant 0 : i32
    %dma_start3A_21 = tpu.memref_slice %arg11[%dma_start3A_20] : memref<216xi32, #tpu.memory_space<vmem>> -> memref<200xi32, #tpu.memory_space<vmem>>
    %dma_start3A_22 = tpu.memref_slice %arg3[%multiple_of3A_17] : memref<819200xi32, #tpu.memory_space<hbm>> -> memref<200xi32, #tpu.memory_space<hbm>>
    %dma_start3A_23 = arith.constant 0 : i32
    %dma_start3A_24 = tpu.memref_slice %arg11[%dma_start3A_23] : memref<216xi32, #tpu.memory_space<vmem>> -> memref<200xi32, #tpu.memory_space<vmem>>
    %dma_start3A_25 = tpu.memref_slice %arg3[%multiple_of3A_17] : memref<819200xi32, #tpu.memory_space<hbm>> -> memref<200xi32, #tpu.memory_space<hbm>>
    tpu.enqueue_dma source(%dma_start3A_25 : memref<200xi32, #tpu.memory_space<hbm>>) target(%dma_start3A_24 : memref<200xi32, #tpu.memory_space<vmem>>) target_semaphore(%arg21 : memref<!tpu.dma_semaphore, #tpu.memory_space<semaphore_mem>>)
    %dma_wait3A = tpu.memref_slice %arg2[%multiple_of3A] : memref<819200xi32, #tpu.memory_space<hbm>> -> memref<200xi32, #tpu.memory_space<hbm>>
    %dma_wait3A_26 = tpu.memref_slice %arg2[%multiple_of3A] : memref<819200xi32, #tpu.memory_space<hbm>> -> memref<200xi32, #tpu.memory_space<hbm>>
    tpu.wait_dma2 semaphore(%arg20 : memref<!tpu.dma_semaphore, #tpu.memory_space<semaphore_mem>>) src(%dma_wait3A_26 : memref<200xi32, #tpu.memory_space<hbm>>) dst(%arg8 : memref<200xi32, #tpu.memory_space<vmem>>)
    %dma_wait3A_27 = arith.constant 0 : i32
    %dma_wait3A_28 = tpu.memref_slice %arg10[%dma_wait3A_27] : memref<216xi32, #tpu.memory_space<vmem>> -> memref<200xi32, #tpu.memory_space<vmem>>
    %dma_wait3A_29 = tpu.memref_slice %arg3[%multiple_of3A] : memref<819200xi32, #tpu.memory_space<hbm>> -> memref<200xi32, #tpu.memory_space<hbm>>
    %dma_wait3A_30 = arith.constant 0 : i32
    %dma_wait3A_31 = tpu.memref_slice %arg10[%dma_wait3A_30] : memref<216xi32, #tpu.memory_space<vmem>> -> memref<200xi32, #tpu.memory_space<vmem>>
    %dma_wait3A_32 = tpu.memref_slice %arg3[%multiple_of3A] : memref<819200xi32, #tpu.memory_space<hbm>> -> memref<200xi32, #tpu.memory_space<hbm>>
    tpu.wait_dma2 semaphore(%arg20 : memref<!tpu.dma_semaphore, #tpu.memory_space<semaphore_mem>>) src(%dma_wait3A_32 : memref<200xi32, #tpu.memory_space<hbm>>) dst(%dma_wait3A_31 : memref<200xi32, #tpu.memory_space<vmem>>)
    %dma_start3A_33 = arith.constant 0 : i32
    %dma_start3A_34 = arith.constant 0 : i32
    %dma_start3A_35 = tpu.memref_slice %arg4[%dma_start3A_33, %dma_start3A_34] : memref<500000x128xf32, #tpu.memory_space<hbm>> -> memref<500000x128xf32, #tpu.memory_space<hbm>>
    tpu.enqueue_indirect_dma source(%dma_start3A_35 : memref<500000x128xf32, #tpu.memory_space<hbm>>) target(%arg12 : memref<200x128xf32, #tpu.memory_space<vmem>>) offsets(%arg8 : memref<200xi32, #tpu.memory_space<vmem>>) semaphore(%arg16 : memref<!tpu.dma_semaphore, #tpu.memory_space<semaphore_mem>>)
    %dma_wait3A_36 = tpu.memref_slice %arg2[%multiple_of3A] : memref<819200xi32, #tpu.memory_space<hbm>> -> memref<200xi32, #tpu.memory_space<hbm>>
    %dma_wait3A_37 = tpu.memref_slice %arg2[%multiple_of3A] : memref<819200xi32, #tpu.memory_space<hbm>> -> memref<200xi32, #tpu.memory_space<hbm>>
    tpu.wait_dma2 semaphore(%arg21 : memref<!tpu.dma_semaphore, #tpu.memory_space<semaphore_mem>>) src(%dma_wait3A_37 : memref<200xi32, #tpu.memory_space<hbm>>) dst(%arg9 : memref<200xi32, #tpu.memory_space<vmem>>)
    %dma_wait3A_38 = arith.constant 0 : i32
    %dma_wait3A_39 = tpu.memref_slice %arg11[%dma_wait3A_38] : memref<216xi32, #tpu.memory_space<vmem>> -> memref<200xi32, #tpu.memory_space<vmem>>
    %dma_wait3A_40 = tpu.memref_slice %arg3[%multiple_of3A] : memref<819200xi32, #tpu.memory_space<hbm>> -> memref<200xi32, #tpu.memory_space<hbm>>
    %dma_wait3A_41 = arith.constant 0 : i32
    %dma_wait3A_42 = tpu.memref_slice %arg11[%dma_wait3A_41] : memref<216xi32, #tpu.memory_space<vmem>> -> memref<200xi32, #tpu.memory_space<vmem>>
    %dma_wait3A_43 = tpu.memref_slice %arg3[%multiple_of3A] : memref<819200xi32, #tpu.memory_space<hbm>> -> memref<200xi32, #tpu.memory_space<hbm>>
    tpu.wait_dma2 semaphore(%arg21 : memref<!tpu.dma_semaphore, #tpu.memory_space<semaphore_mem>>) src(%dma_wait3A_43 : memref<200xi32, #tpu.memory_space<hbm>>) dst(%dma_wait3A_42 : memref<200xi32, #tpu.memory_space<vmem>>)
    %dma_start3A_44 = arith.constant 0 : i32
    %dma_start3A_45 = arith.constant 0 : i32
    %dma_start3A_46 = tpu.memref_slice %arg4[%dma_start3A_44, %dma_start3A_45] : memref<500000x128xf32, #tpu.memory_space<hbm>> -> memref<500000x128xf32, #tpu.memory_space<hbm>>
    tpu.enqueue_indirect_dma source(%dma_start3A_46 : memref<500000x128xf32, #tpu.memory_space<hbm>>) target(%arg13 : memref<200x128xf32, #tpu.memory_space<vmem>>) offsets(%arg9 : memref<200xi32, #tpu.memory_space<vmem>>) semaphore(%arg17 : memref<!tpu.dma_semaphore, #tpu.memory_space<semaphore_mem>>)
    %scan3A = arith.constant 0 : i32
    %scan3A_47 = arith.constant 0 : i32
    %scan3A_48 = arith.constant 64 : i32
    %scan3A_49 = arith.addi %scan3A_47, %scan3A_48 : i32
    %scan3A_50 = arith.constant 1 : i32
    scf.for %scan3A_68 = %scan3A_47 to %scan3A_49 step %scan3A_50  : i32 {
      %mul3A_69 = arith.constant 2 : i32
      %mul3A_70 = arith.muli %mul3A_69, %scan3A_68 : i32
      %add3A_71 = arith.constant 0 : i32
      %add3A_72 = arith.addi %mul3A_70, %add3A_71 : i32
      %ge3A = arith.constant 2 : i32
      %ge3A_73 = arith.cmpi sge, %add3A_72, %ge3A : i32
      %convert_element_type3A = arith.extui %ge3A_73 : i1 to i32
      %cond3A = arith.constant 0 : i32
      %cond3A_74 = arith.cmpi ne, %convert_element_type3A, %cond3A : i32
      scf.if %cond3A_74 {
        %dma_wait3A_136 = arith.constant 0 : i32
        %dma_wait3A_137 = arith.constant 0 : i32
        %dma_wait3A_138 = tpu.memref_slice %arg6[%mul3A_4, %dma_wait3A_136, %dma_wait3A_137] : memref<4096x200x64xf32, #tpu.memory_space<hbm>> -> memref<1x200x64xf32, #tpu.memory_space<hbm>>
        %dma_wait3A_139 = tpu.memref_squeeze %dma_wait3A_138 : memref<1x200x64xf32, #tpu.memory_space<hbm>> -> memref<200x64xf32, #tpu.memory_space<hbm>>
        %dma_wait3A_140 = arith.constant 0 : i32
        %dma_wait3A_141 = arith.constant 0 : i32
        %dma_wait3A_142 = tpu.memref_slice %arg6[%mul3A_4, %dma_wait3A_140, %dma_wait3A_141] : memref<4096x200x64xf32, #tpu.memory_space<hbm>> -> memref<1x200x64xf32, #tpu.memory_space<hbm>>
        %dma_wait3A_143 = tpu.memref_squeeze %dma_wait3A_142 : memref<1x200x64xf32, #tpu.memory_space<hbm>> -> memref<200x64xf32, #tpu.memory_space<hbm>>
        tpu.wait_dma2 semaphore(%arg18 : memref<!tpu.dma_semaphore, #tpu.memory_space<semaphore_mem>>) src(%arg14 : memref<200x64xf32, #tpu.memory_space<vmem>>) dst(%dma_wait3A_143 : memref<200x64xf32, #tpu.memory_space<hbm>>)
      } else {
      }
      %dma_wait3A_75 = arith.constant 0 : i32
      %dma_wait3A_76 = arith.constant 0 : i32
      %dma_wait3A_77 = tpu.memref_slice %arg4[%dma_wait3A_75, %dma_wait3A_76] : memref<500000x128xf32, #tpu.memory_space<hbm>> -> memref<500000x128xf32, #tpu.memory_space<hbm>>
      tpu.wait_indirect_dma semaphore(%arg16 : memref<!tpu.dma_semaphore, #tpu.memory_space<semaphore_mem>>) src(%dma_wait3A_77 : memref<500000x128xf32, #tpu.memory_space<hbm>>) dst(%arg12 : memref<200x128xf32, #tpu.memory_space<vmem>>)
      %add3A_78 = arith.constant 2 : i32
      %add3A_79 = arith.addi %add3A_72, %add3A_78 : i32
      %lt3A = arith.constant 128 : i32
      %lt3A_80 = arith.cmpi slt, %add3A_79, %lt3A : i32
      %convert_element_type3A_81 = arith.extui %lt3A_80 : i1 to i32
      %cond3A_82 = arith.constant 0 : i32
      %cond3A_83 = arith.cmpi ne, %convert_element_type3A_81, %cond3A_82 : i32
      scf.if %cond3A_83 {
        %mul3A_136 = arith.constant 200 : i32
        %mul3A_137 = arith.muli %add3A_79, %mul3A_136 : i32
        %add3A_138 = arith.addi %multiple_of3A, %mul3A_137 : i32
        %multiple_of3A_139 = tpu.assume_multiple %add3A_138, 200 : i32
        %dma_start3A_140 = tpu.memref_slice %arg2[%multiple_of3A_139] : memref<819200xi32, #tpu.memory_space<hbm>> -> memref<200xi32, #tpu.memory_space<hbm>>
        %dma_start3A_141 = tpu.memref_slice %arg2[%multiple_of3A_139] : memref<819200xi32, #tpu.memory_space<hbm>> -> memref<200xi32, #tpu.memory_space<hbm>>
        tpu.enqueue_dma source(%dma_start3A_141 : memref<200xi32, #tpu.memory_space<hbm>>) target(%arg8 : memref<200xi32, #tpu.memory_space<vmem>>) target_semaphore(%arg20 : memref<!tpu.dma_semaphore, #tpu.memory_space<semaphore_mem>>)
      } else {
      }
      %parallel_loop3A = arith.constant 0 : i32
      %parallel_loop3A_84 = arith.constant 200 : i32
      %parallel_loop3A_85 = arith.constant 8 : i32
      scf.for %parallel_loop3A_136 = %parallel_loop3A to %parallel_loop3A_84 step %parallel_loop3A_85  : i32 {
        %parallel_loop3A_137 = arith.index_cast %parallel_loop3A_136 : i32 to index
        %parallel_loop3A_138 = tpu.vector_load %arg10[%parallel_loop3A_137] {strides = array<i32>} : memref<216xi32, #tpu.memory_space<vmem>>, vector<16xi32>,
        %parallel_loop3A_139 = vector.extract_strided_slice %parallel_loop3A_138 {offsets = [0], sizes = [1], strides = [1]} : vector<16xi32> to vector<1xi32>
        %parallel_loop3A_140 = vector.extract %parallel_loop3A_139[0] : i32 from vector<1xi32>
        %parallel_loop3A_141 = tpu.assume_multiple %parallel_loop3A_140, 64 : i32
        %parallel_loop3A_142 = arith.constant 0 : i32
        %parallel_loop3A_143 = arith.addi %parallel_loop3A_136, %parallel_loop3A_142 : i32
        %parallel_loop3A_144 = arith.constant 0 : i32
        %parallel_loop3A_145 = arith.addi %parallel_loop3A_141, %parallel_loop3A_144 : i32
        %parallel_loop3A_146 = arith.index_cast %parallel_loop3A_143 : i32 to index
        %parallel_loop3A_147 = arith.index_cast %parallel_loop3A_145 : i32 to index
        %parallel_loop3A_148 = tpu.vector_load %arg12[%parallel_loop3A_146, %parallel_loop3A_147] {strides = array<i32>} : memref<200x128xf32, #tpu.memory_space<vmem>>, vector<16xf32>,
        %parallel_loop3A_149 = arith.index_cast %parallel_loop3A_143 : i32 to index
        %parallel_loop3A_150 = arith.constant 0 : index
        %parallel_loop3A_151 = tpu.vector_load %arg7[%parallel_loop3A_149, %parallel_loop3A_150] {strides = array<i32>} : memref<200x64xf32, #tpu.memory_space<vmem>>, vector<16xf32>,
        %parallel_loop3A_152 = arith.addf %parallel_loop3A_148, %parallel_loop3A_151 : vector<16xf32>
        %parallel_loop3A_153 = arith.index_cast %parallel_loop3A_143 : i32 to index
        %parallel_loop3A_154 = arith.constant 0 : index
        %parallel_loop3A_155 = tpu.vector_load %arg14[%parallel_loop3A_153, %parallel_loop3A_154] {strides = array<i32>} : memref<200x64xf32, #tpu.memory_space<vmem>>, vector<16xf32>,
        tpu.vector_store %arg14[%parallel_loop3A_153, %parallel_loop3A_154], %parallel_loop3A_152 {strides = array<i32>} : memref<200x64xf32, #tpu.memory_space<vmem>>, vector<16xf32>,
        %parallel_loop3A_156 = arith.constant 16 : i32
        %parallel_loop3A_157 = arith.addi %parallel_loop3A_141, %parallel_loop3A_156 : i32
        %parallel_loop3A_158 = arith.index_cast %parallel_loop3A_143 : i32 to index
        %parallel_loop3A_159 = arith.index_cast %parallel_loop3A_157 : i32 to index
        %parallel_loop3A_160 = tpu.vector_load %arg12[%parallel_loop3A_158, %parallel_loop3A_159] {strides = array<i32>} : memref<200x128xf32, #tpu.memory_space<vmem>>, vector<16xf32>,
        %parallel_loop3A_161 = arith.index_cast %parallel_loop3A_143 : i32 to index
        %parallel_loop3A_162 = arith.constant 16 : index
        %parallel_loop3A_163 = tpu.vector_load %arg7[%parallel_loop3A_161, %parallel_loop3A_162] {strides = array<i32>} : memref<200x64xf32, #tpu.memory_space<vmem>>, vector<16xf32>,
        %parallel_loop3A_164 = arith.addf %parallel_loop3A_160, %parallel_loop3A_163 : vector<16xf32>
        %parallel_loop3A_165 = arith.index_cast %parallel_loop3A_143 : i32 to index
        %parallel_loop3A_166 = arith.constant 16 : index
        %parallel_loop3A_167 = tpu.vector_load %arg14[%parallel_loop3A_165, %parallel_loop3A_166] {strides = array<i32>} : memref<200x64xf32, #tpu.memory_space<vmem>>, vector<16xf32>,
        tpu.vector_store %arg14[%parallel_loop3A_165, %parallel_loop3A_166], %parallel_loop3A_164 {strides = array<i32>} : memref<200x64xf32, #tpu.memory_space<vmem>>, vector<16xf32>,
        %parallel_loop3A_168 = arith.constant 32 : i32
        %parallel_loop3A_169 = arith.addi %parallel_loop3A_141, %parallel_loop3A_168 : i32
        %parallel_loop3A_170 = arith.index_cast %parallel_loop3A_143 : i32 to index
        %parallel_loop3A_171 = arith.index_cast %parallel_loop3A_169 : i32 to index
        %parallel_loop3A_172 = tpu.vector_load %arg12[%parallel_loop3A_170, %parallel_loop3A_171] {strides = array<i32>} : memref<200x128xf32, #tpu.memory_space<vmem>>, vector<16xf32>,
        %parallel_loop3A_173 = arith.index_cast %parallel_loop3A_143 : i32 to index
        %parallel_loop3A_174 = arith.constant 32 : index
        %parallel_loop3A_175 = tpu.vector_load %arg7[%parallel_loop3A_173, %parallel_loop3A_174] {strides = array<i32>} : memref<200x64xf32, #tpu.memory_space<vmem>>, vector<16xf32>,
        %parallel_loop3A_176 = arith.addf %parallel_loop3A_172, %parallel_loop3A_175 : vector<16xf32>
        %parallel_loop3A_177 = arith.index_cast %parallel_loop3A_143 : i32 to index
        %parallel_loop3A_178 = arith.constant 32 : index
        %parallel_loop3A_179 = tpu.vector_load %arg14[%parallel_loop3A_177, %parallel_loop3A_178] {strides = array<i32>} : memref<200x64xf32, #tpu.memory_space<vmem>>, vector<16xf32>,
        tpu.vector_store %arg14[%parallel_loop3A_177, %parallel_loop3A_178], %parallel_loop3A_176 {strides = array<i32>} : memref<200x64xf32, #tpu.memory_space<vmem>>, vector<16xf32>,
        %parallel_loop3A_180 = arith.constant 48 : i32
        %parallel_loop3A_181 = arith.addi %parallel_loop3A_141, %parallel_loop3A_180 : i32
        %parallel_loop3A_182 = arith.index_cast %parallel_loop3A_143 : i32 to index
        %parallel_loop3A_183 = arith.index_cast %parallel_loop3A_181 : i32 to index
        %parallel_loop3A_184 = tpu.vector_load %arg12[%parallel_loop3A_182, %parallel_loop3A_183] {strides = array<i32>} : memref<200x128xf32, #tpu.memory_space<vmem>>, vector<16xf32>,
        %parallel_loop3A_185 = arith.index_cast %parallel_loop3A_143 : i32 to index
        %parallel_loop3A_186 = arith.constant 48 : index
        %parallel_loop3A_187 = tpu.vector_load %arg7[%parallel_loop3A_185, %parallel_loop3A_186] {strides = array<i32>} : memref<200x64xf32, #tpu.memory_space<vmem>>, vector<16xf32>,
        %parallel_loop3A_188 = arith.addf %parallel_loop3A_184, %parallel_loop3A_187 : vector<16xf32>
        %parallel_loop3A_189 = arith.index_cast %parallel_loop3A_143 : i32 to index
        %parallel_loop3A_190 = arith.constant 48 : index
        %parallel_loop3A_191 = tpu.vector_load %arg14[%parallel_loop3A_189, %parallel_loop3A_190] {strides = array<i32>} : memref<200x64xf32, #tpu.memory_space<vmem>>, vector<16xf32>,
        tpu.vector_store %arg14[%parallel_loop3A_189, %parallel_loop3A_190], %parallel_loop3A_188 {strides = array<i32>} : memref<200x64xf32, #tpu.memory_space<vmem>>, vector<16xf32>,
        %parallel_loop3A_192 = vector.extract_strided_slice %parallel_loop3A_138 {offsets = [1], sizes = [1], strides = [1]} : vector<16xi32> to vector<1xi32>
        %parallel_loop3A_193 = vector.extract %parallel_loop3A_192[0] : i32 from vector<1xi32>
        %parallel_loop3A_194 = tpu.assume_multiple %parallel_loop3A_193, 64 : i32
        %parallel_loop3A_195 = arith.constant 1 : i32
        %parallel_loop3A_196 = arith.addi %parallel_loop3A_136, %parallel_loop3A_195 : i32
        %parallel_loop3A_197 = arith.constant 0 : i32
        %parallel_loop3A_198 = arith.addi %parallel_loop3A_194, %parallel_loop3A_197 : i32
        %parallel_loop3A_199 = arith.index_cast %parallel_loop3A_196 : i32 to index
        %parallel_loop3A_200 = arith.index_cast %parallel_loop3A_198 : i32 to index
        %parallel_loop3A_201 = tpu.vector_load %arg12[%parallel_loop3A_199, %parallel_loop3A_200] {strides = array<i32>} : memref<200x128xf32, #tpu.memory_space<vmem>>, vector<16xf32>,
        %parallel_loop3A_202 = arith.index_cast %parallel_loop3A_196 : i32 to index
        %parallel_loop3A_203 = arith.constant 0 : index
        %parallel_loop3A_204 = tpu.vector_load %arg7[%parallel_loop3A_202, %parallel_loop3A_203] {strides = array<i32>} : memref<200x64xf32, #tpu.memory_space<vmem>>, vector<16xf32>,
        %parallel_loop3A_205 = arith.addf %parallel_loop3A_201, %parallel_loop3A_204 : vector<16xf32>
        %parallel_loop3A_206 = arith.index_cast %parallel_loop3A_196 : i32 to index
        %parallel_loop3A_207 = arith.constant 0 : index
        %parallel_loop3A_208 = tpu.vector_load %arg14[%parallel_loop3A_206, %parallel_loop3A_207] {strides = array<i32>} : memref<200x64xf32, #tpu.memory_space<vmem>>, vector<16xf32>,
        tpu.vector_store %arg14[%parallel_loop3A_206, %parallel_loop3A_207], %parallel_loop3A_205 {strides = array<i32>} : memref<200x64xf32, #tpu.memory_space<vmem>>, vector<16xf32>,
        %parallel_loop3A_209 = arith.constant 16 : i32
        %parallel_loop3A_210 = arith.addi %parallel_loop3A_194, %parallel_loop3A_209 : i32
        %parallel_loop3A_211 = arith.index_cast %parallel_loop3A_196 : i32 to index
        %parallel_loop3A_212 = arith.index_cast %parallel_loop3A_210 : i32 to index
        %parallel_loop3A_213 = tpu.vector_load %arg12[%parallel_loop3A_211, %parallel_loop3A_212] {strides = array<i32>} : memref<200x128xf32, #tpu.memory_space<vmem>>, vector<16xf32>,
        %parallel_loop3A_214 = arith.index_cast %parallel_loop3A_196 : i32 to index
        %parallel_loop3A_215 = arith.constant 16 : index
        %parallel_loop3A_216 = tpu.vector_load %arg7[%parallel_loop3A_214, %parallel_loop3A_215] {strides = array<i32>} : memref<200x64xf32, #tpu.memory_space<vmem>>, vector<16xf32>,
        %parallel_loop3A_217 = arith.addf %parallel_loop3A_213, %parallel_loop3A_216 : vector<16xf32>
        %parallel_loop3A_218 = arith.index_cast %parallel_loop3A_196 : i32 to index
        %parallel_loop3A_219 = arith.constant 16 : index
        %parallel_loop3A_220 = tpu.vector_load %arg14[%parallel_loop3A_218, %parallel_loop3A_219] {strides = array<i32>} : memref<200x64xf32, #tpu.memory_space<vmem>>, vector<16xf32>,
        tpu.vector_store %arg14[%parallel_loop3A_218, %parallel_loop3A_219], %parallel_loop3A_217 {strides = array<i32>} : memref<200x64xf32, #tpu.memory_space<vmem>>, vector<16xf32>,
        %parallel_loop3A_221 = arith.constant 32 : i32
        %parallel_loop3A_222 = arith.addi %parallel_loop3A_194, %parallel_loop3A_221 : i32
        %parallel_loop3A_223 = arith.index_cast %parallel_loop3A_196 : i32 to index
        %parallel_loop3A_224 = arith.index_cast %parallel_loop3A_222 : i32 to index
        %parallel_loop3A_225 = tpu.vector_load %arg12[%parallel_loop3A_223, %parallel_loop3A_224] {strides = array<i32>} : memref<200x128xf32, #tpu.memory_space<vmem>>, vector<16xf32>,
        %parallel_loop3A_226 = arith.index_cast %parallel_loop3A_196 : i32 to index
        %parallel_loop3A_227 = arith.constant 32 : index
        %parallel_loop3A_228 = tpu.vector_load %arg7[%parallel_loop3A_226, %parallel_loop3A_227] {strides = array<i32>} : memref<200x64xf32, #tpu.memory_space<vmem>>, vector<16xf32>,
        %parallel_loop3A_229 = arith.addf %parallel_loop3A_225, %parallel_loop3A_228 : vector<16xf32>
        %parallel_loop3A_230 = arith.index_cast %parallel_loop3A_196 : i32 to index
        %parallel_loop3A_231 = arith.constant 32 : index
        %parallel_loop3A_232 = tpu.vector_load %arg14[%parallel_loop3A_230, %parallel_loop3A_231] {strides = array<i32>} : memref<200x64xf32, #tpu.memory_space<vmem>>, vector<16xf32>,
        tpu.vector_store %arg14[%parallel_loop3A_230, %parallel_loop3A_231], %parallel_loop3A_229 {strides = array<i32>} : memref<200x64xf32, #tpu.memory_space<vmem>>, vector<16xf32>,
        %parallel_loop3A_233 = arith.constant 48 : i32
        %parallel_loop3A_234 = arith.addi %parallel_loop3A_194, %parallel_loop3A_233 : i32
        %parallel_loop3A_235 = arith.index_cast %parallel_loop3A_196 : i32 to index
        %parallel_loop3A_236 = arith.index_cast %parallel_loop3A_234 : i32 to index
        %parallel_loop3A_237 = tpu.vector_load %arg12[%parallel_loop3A_235, %parallel_loop3A_236] {strides = array<i32>} : memref<200x128xf32, #tpu.memory_space<vmem>>, vector<16xf32>,
        %parallel_loop3A_238 = arith.index_cast %parallel_loop3A_196 : i32 to index
        %parallel_loop3A_239 = arith.constant 48 : index
        %parallel_loop3A_240 = tpu.vector_load %arg7[%parallel_loop3A_238, %parallel_loop3A_239] {strides = array<i32>} : memref<200x64xf32, #tpu.memory_space<vmem>>, vector<16xf32>,
        %parallel_loop3A_241 = arith.addf %parallel_loop3A_237, %parallel_loop3A_240 : vector<16xf32>
        %parallel_loop3A_242 = arith.index_cast %parallel_loop3A_196 : i32 to index
        %parallel_loop3A_243 = arith.constant 48 : index
        %parallel_loop3A_244 = tpu.vector_load %arg14[%parallel_loop3A_242, %parallel_loop3A_243] {strides = array<i32>} : memref<200x64xf32, #tpu.memory_space<vmem>>, vector<16xf32>,
        tpu.vector_store %arg14[%parallel_loop3A_242, %parallel_loop3A_243], %parallel_loop3A_241 {strides = array<i32>} : memref<200x64xf32, #tpu.memory_space<vmem>>, vector<16xf32>,
        %parallel_loop3A_245 = vector.extract_strided_slice %parallel_loop3A_138 {offsets = [2], sizes = [1], strides = [1]} : vector<16xi32> to vector<1xi32>
        %parallel_loop3A_246 = vector.extract %parallel_loop3A_245[0] : i32 from vector<1xi32>
        %parallel_loop3A_247 = tpu.assume_multiple %parallel_loop3A_246, 64 : i32
        %parallel_loop3A_248 = arith.constant 2 : i32
        %parallel_loop3A_249 = arith.addi %parallel_loop3A_136, %parallel_loop3A_248 : i32
        %parallel_loop3A_250 = arith.constant 0 : i32
        %parallel_loop3A_251 = arith.addi %parallel_loop3A_247, %parallel_loop3A_250 : i32
        %parallel_loop3A_252 = arith.index_cast %parallel_loop3A_249 : i32 to index
        %parallel_loop3A_253 = arith.index_cast %parallel_loop3A_251 : i32 to index
        %parallel_loop3A_254 = tpu.vector_load %arg12[%parallel_loop3A_252, %parallel_loop3A_253] {strides = array<i32>} : memref<200x128xf32, #tpu.memory_space<vmem>>, vector<16xf32>,
        %parallel_loop3A_255 = arith.index_cast %parallel_loop3A_249 : i32 to index
        %parallel_loop3A_256 = arith.constant 0 : index
        %parallel_loop3A_257 = tpu.vector_load %arg7[%parallel_loop3A_255, %parallel_loop3A_256] {strides = array<i32>} : memref<200x64xf32, #tpu.memory_space<vmem>>, vector<16xf32>,
        %parallel_loop3A_258 = arith.addf %parallel_loop3A_254, %parallel_loop3A_257 : vector<16xf32>
        %parallel_loop3A_259 = arith.index_cast %parallel_loop3A_249 : i32 to index
        %parallel_loop3A_260 = arith.constant 0 : index
        %parallel_loop3A_261 = tpu.vector_load %arg14[%parallel_loop3A_259, %parallel_loop3A_260] {strides = array<i32>} : memref<200x64xf32, #tpu.memory_space<vmem>>, vector<16xf32>,
        tpu.vector_store %arg14[%parallel_loop3A_259, %parallel_loop3A_260], %parallel_loop3A_258 {strides = array<i32>} : memref<200x64xf32, #tpu.memory_space<vmem>>, vector<16xf32>,
        %parallel_loop3A_262 = arith.constant 16 : i32
        %parallel_loop3A_263 = arith.addi %parallel_loop3A_247, %parallel_loop3A_262 : i32
        %parallel_loop3A_264 = arith.index_cast %parallel_loop3A_249 : i32 to index
        %parallel_loop3A_265 = arith.index_cast %parallel_loop3A_263 : i32 to index
        %parallel_loop3A_266 = tpu.vector_load %arg12[%parallel_loop3A_264, %parallel_loop3A_265] {strides = array<i32>} : memref<200x128xf32, #tpu.memory_space<vmem>>, vector<16xf32>,
        %parallel_loop3A_267 = arith.index_cast %parallel_loop3A_249 : i32 to index
        %parallel_loop3A_268 = arith.constant 16 : index
        %parallel_loop3A_269 = tpu.vector_load %arg7[%parallel_loop3A_267, %parallel_loop3A_268] {strides = array<i32>} : memref<200x64xf32, #tpu.memory_space<vmem>>, vector<16xf32>,
        %parallel_loop3A_270 = arith.addf %parallel_loop3A_266, %parallel_loop3A_269 : vector<16xf32>
        %parallel_loop3A_271 = arith.index_cast %parallel_loop3A_249 : i32 to index
        %parallel_loop3A_272 = arith.constant 16 : index
        %parallel_loop3A_273 = tpu.vector_load %arg14[%parallel_loop3A_271, %parallel_loop3A_272] {strides = array<i32>} : memref<200x64xf32, #tpu.memory_space<vmem>>, vector<16xf32>,
        tpu.vector_store %arg14[%parallel_loop3A_271, %parallel_loop3A_272], %parallel_loop3A_270 {strides = array<i32>} : memref<200x64xf32, #tpu.memory_space<vmem>>, vector<16xf32>,
        %parallel_loop3A_274 = arith.constant 32 : i32
        %parallel_loop3A_275 = arith.addi %parallel_loop3A_247, %parallel_loop3A_274 : i32
        %parallel_loop3A_276 = arith.index_cast %parallel_loop3A_249 : i32 to index
        %parallel_loop3A_277 = arith.index_cast %parallel_loop3A_275 : i32 to index
        %parallel_loop3A_278 = tpu.vector_load %arg12[%parallel_loop3A_276, %parallel_loop3A_277] {strides = array<i32>} : memref<200x128xf32, #tpu.memory_space<vmem>>, vector<16xf32>,
        %parallel_loop3A_279 = arith.index_cast %parallel_loop3A_249 : i32 to index
        %parallel_loop3A_280 = arith.constant 32 : index
        %parallel_loop3A_281 = tpu.vector_load %arg7[%parallel_loop3A_279, %parallel_loop3A_280] {strides = array<i32>} : memref<200x64xf32, #tpu.memory_space<vmem>>, vector<16xf32>,
        %parallel_loop3A_282 = arith.addf %parallel_loop3A_278, %parallel_loop3A_281 : vector<16xf32>
        %parallel_loop3A_283 = arith.index_cast %parallel_loop3A_249 : i32 to index
        %parallel_loop3A_284 = arith.constant 32 : index
        %parallel_loop3A_285 = tpu.vector_load %arg14[%parallel_loop3A_283, %parallel_loop3A_284] {strides = array<i32>} : memref<200x64xf32, #tpu.memory_space<vmem>>, vector<16xf32>,
        tpu.vector_store %arg14[%parallel_loop3A_283, %parallel_loop3A_284], %parallel_loop3A_282 {strides = array<i32>} : memref<200x64xf32, #tpu.memory_space<vmem>>, vector<16xf32>,
        %parallel_loop3A_286 = arith.constant 48 : i32
        %parallel_loop3A_287 = arith.addi %parallel_loop3A_247, %parallel_loop3A_286 : i32
        %parallel_loop3A_288 = arith.index_cast %parallel_loop3A_249 : i32 to index
        %parallel_loop3A_289 = arith.index_cast %parallel_loop3A_287 : i32 to index
        %parallel_loop3A_290 = tpu.vector_load %arg12[%parallel_loop3A_288, %parallel_loop3A_289] {strides = array<i32>} : memref<200x128xf32, #tpu.memory_space<vmem>>, vector<16xf32>,
        %parallel_loop3A_291 = arith.index_cast %parallel_loop3A_249 : i32 to index
        %parallel_loop3A_292 = arith.constant 48 : index
        %parallel_loop3A_293 = tpu.vector_load %arg7[%parallel_loop3A_291, %parallel_loop3A_292] {strides = array<i32>} : memref<200x64xf32, #tpu.memory_space<vmem>>, vector<16xf32>,
        %parallel_loop3A_294 = arith.addf %parallel_loop3A_290, %parallel_loop3A_293 : vector<16xf32>
        %parallel_loop3A_295 = arith.index_cast %parallel_loop3A_249 : i32 to index
        %parallel_loop3A_296 = arith.constant 48 : index
        %parallel_loop3A_297 = tpu.vector_load %arg14[%parallel_loop3A_295, %parallel_loop3A_296] {strides = array<i32>} : memref<200x64xf32, #tpu.memory_space<vmem>>, vector<16xf32>,
        tpu.vector_store %arg14[%parallel_loop3A_295, %parallel_loop3A_296], %parallel_loop3A_294 {strides = array<i32>} : memref<200x64xf32, #tpu.memory_space<vmem>>, vector<16xf32>,
        %parallel_loop3A_298 = vector.extract_strided_slice %parallel_loop3A_138 {offsets = [3], sizes = [1], strides = [1]} : vector<16xi32> to vector<1xi32>
        %parallel_loop3A_299 = vector.extract %parallel_loop3A_298[0] : i32 from vector<1xi32>
        %parallel_loop3A_300 = tpu.assume_multiple %parallel_loop3A_299, 64 : i32
        %parallel_loop3A_301 = arith.constant 3 : i32
        %parallel_loop3A_302 = arith.addi %parallel_loop3A_136, %parallel_loop3A_301 : i32
        %parallel_loop3A_303 = arith.constant 0 : i32
        %parallel_loop3A_304 = arith.addi %parallel_loop3A_300, %parallel_loop3A_303 : i32
        %parallel_loop3A_305 = arith.index_cast %parallel_loop3A_302 : i32 to index
        %parallel_loop3A_306 = arith.index_cast %parallel_loop3A_304 : i32 to index
        %parallel_loop3A_307 = tpu.vector_load %arg12[%parallel_loop3A_305, %parallel_loop3A_306] {strides = array<i32>} : memref<200x128xf32, #tpu.memory_space<vmem>>, vector<16xf32>,
        %parallel_loop3A_308 = arith.index_cast %parallel_loop3A_302 : i32 to index
        %parallel_loop3A_309 = arith.constant 0 : index
        %parallel_loop3A_310 = tpu.vector_load %arg7[%parallel_loop3A_308, %parallel_loop3A_309] {strides = array<i32>} : memref<200x64xf32, #tpu.memory_space<vmem>>, vector<16xf32>,
        %parallel_loop3A_311 = arith.addf %parallel_loop3A_307, %parallel_loop3A_310 : vector<16xf32>
        %parallel_loop3A_312 = arith.index_cast %parallel_loop3A_302 : i32 to index
        %parallel_loop3A_313 = arith.constant 0 : index
        %parallel_loop3A_314 = tpu.vector_load %arg14[%parallel_loop3A_312, %parallel_loop3A_313] {strides = array<i32>} : memref<200x64xf32, #tpu.memory_space<vmem>>, vector<16xf32>,
        tpu.vector_store %arg14[%parallel_loop3A_312, %parallel_loop3A_313], %parallel_loop3A_311 {strides = array<i32>} : memref<200x64xf32, #tpu.memory_space<vmem>>, vector<16xf32>,
        %parallel_loop3A_315 = arith.constant 16 : i32
        %parallel_loop3A_316 = arith.addi %parallel_loop3A_300, %parallel_loop3A_315 : i32
        %parallel_loop3A_317 = arith.index_cast %parallel_loop3A_302 : i32 to index
        %parallel_loop3A_318 = arith.index_cast %parallel_loop3A_316 : i32 to index
        %parallel_loop3A_319 = tpu.vector_load %arg12[%parallel_loop3A_317, %parallel_loop3A_318] {strides = array<i32>} : memref<200x128xf32, #tpu.memory_space<vmem>>, vector<16xf32>,
        %parallel_loop3A_320 = arith.index_cast %parallel_loop3A_302 : i32 to index
        %parallel_loop3A_321 = arith.constant 16 : index
        %parallel_loop3A_322 = tpu.vector_load %arg7[%parallel_loop3A_320, %parallel_loop3A_321] {strides = array<i32>} : memref<200x64xf32, #tpu.memory_space<vmem>>, vector<16xf32>,
        %parallel_loop3A_323 = arith.addf %parallel_loop3A_319, %parallel_loop3A_322 : vector<16xf32>
        %parallel_loop3A_324 = arith.index_cast %parallel_loop3A_302 : i32 to index
        %parallel_loop3A_325 = arith.constant 16 : index
        %parallel_loop3A_326 = tpu.vector_load %arg14[%parallel_loop3A_324, %parallel_loop3A_325] {strides = array<i32>} : memref<200x64xf32, #tpu.memory_space<vmem>>, vector<16xf32>,
        tpu.vector_store %arg14[%parallel_loop3A_324, %parallel_loop3A_325], %parallel_loop3A_323 {strides = array<i32>} : memref<200x64xf32, #tpu.memory_space<vmem>>, vector<16xf32>,
        %parallel_loop3A_327 = arith.constant 32 : i32
        %parallel_loop3A_328 = arith.addi %parallel_loop3A_300, %parallel_loop3A_327 : i32
        %parallel_loop3A_329 = arith.index_cast %parallel_loop3A_302 : i32 to index
        %parallel_loop3A_330 = arith.index_cast %parallel_loop3A_328 : i32 to index
        %parallel_loop3A_331 = tpu.vector_load %arg12[%parallel_loop3A_329, %parallel_loop3A_330] {strides = array<i32>} : memref<200x128xf32, #tpu.memory_space<vmem>>, vector<16xf32>,
        %parallel_loop3A_332 = arith.index_cast %parallel_loop3A_302 : i32 to index
        %parallel_loop3A_333 = arith.constant 32 : index
        %parallel_loop3A_334 = tpu.vector_load %arg7[%parallel_loop3A_332, %parallel_loop3A_333] {strides = array<i32>} : memref<200x64xf32, #tpu.memory_space<vmem>>, vector<16xf32>,
        %parallel_loop3A_335 = arith.addf %parallel_loop3A_331, %parallel_loop3A_334 : vector<16xf32>
        %parallel_loop3A_336 = arith.index_cast %parallel_loop3A_302 : i32 to index
        %parallel_loop3A_337 = arith.constant 32 : index
        %parallel_loop3A_338 = tpu.vector_load %arg14[%parallel_loop3A_336, %parallel_loop3A_337] {strides = array<i32>} : memref<200x64xf32, #tpu.memory_space<vmem>>, vector<16xf32>,
        tpu.vector_store %arg14[%parallel_loop3A_336, %parallel_loop3A_337], %parallel_loop3A_335 {strides = array<i32>} : memref<200x64xf32, #tpu.memory_space<vmem>>, vector<16xf32>,
        %parallel_loop3A_339 = arith.constant 48 : i32
        %parallel_loop3A_340 = arith.addi %parallel_loop3A_300, %parallel_loop3A_339 : i32
        %parallel_loop3A_341 = arith.index_cast %parallel_loop3A_302 : i32 to index
        %parallel_loop3A_342 = arith.index_cast %parallel_loop3A_340 : i32 to index
        %parallel_loop3A_343 = tpu.vector_load %arg12[%parallel_loop3A_341, %parallel_loop3A_342] {strides = array<i32>} : memref<200x128xf32, #tpu.memory_space<vmem>>, vector<16xf32>,
        %parallel_loop3A_344 = arith.index_cast %parallel_loop3A_302 : i32 to index
        %parallel_loop3A_345 = arith.constant 48 : index
        %parallel_loop3A_346 = tpu.vector_load %arg7[%parallel_loop3A_344, %parallel_loop3A_345] {strides = array<i32>} : memref<200x64xf32, #tpu.memory_space<vmem>>, vector<16xf32>,
        %parallel_loop3A_347 = arith.addf %parallel_loop3A_343, %parallel_loop3A_346 : vector<16xf32>
        %parallel_loop3A_348 = arith.index_cast %parallel_loop3A_302 : i32 to index
        %parallel_loop3A_349 = arith.constant 48 : index
        %parallel_loop3A_350 = tpu.vector_load %arg14[%parallel_loop3A_348, %parallel_loop3A_349] {strides = array<i32>} : memref<200x64xf32, #tpu.memory_space<vmem>>, vector<16xf32>,
        tpu.vector_store %arg14[%parallel_loop3A_348, %parallel_loop3A_349], %parallel_loop3A_347 {strides = array<i32>} : memref<200x64xf32, #tpu.memory_space<vmem>>, vector<16xf32>,
        %parallel_loop3A_351 = vector.extract_strided_slice %parallel_loop3A_138 {offsets = [4], sizes = [1], strides = [1]} : vector<16xi32> to vector<1xi32>
        %parallel_loop3A_352 = vector.extract %parallel_loop3A_351[0] : i32 from vector<1xi32>
        %parallel_loop3A_353 = tpu.assume_multiple %parallel_loop3A_352, 64 : i32
        %parallel_loop3A_354 = arith.constant 4 : i32
        %parallel_loop3A_355 = arith.addi %parallel_loop3A_136, %parallel_loop3A_354 : i32
        %parallel_loop3A_356 = arith.constant 0 : i32
        %parallel_loop3A_357 = arith.addi %parallel_loop3A_353, %parallel_loop3A_356 : i32
        %parallel_loop3A_358 = arith.index_cast %parallel_loop3A_355 : i32 to index
        %parallel_loop3A_359 = arith.index_cast %parallel_loop3A_357 : i32 to index
        %parallel_loop3A_360 = tpu.vector_load %arg12[%parallel_loop3A_358, %parallel_loop3A_359] {strides = array<i32>} : memref<200x128xf32, #tpu.memory_space<vmem>>, vector<16xf32>,
        %parallel_loop3A_361 = arith.index_cast %parallel_loop3A_355 : i32 to index
        %parallel_loop3A_362 = arith.constant 0 : index
        %parallel_loop3A_363 = tpu.vector_load %arg7[%parallel_loop3A_361, %parallel_loop3A_362] {strides = array<i32>} : memref<200x64xf32, #tpu.memory_space<vmem>>, vector<16xf32>,
        %parallel_loop3A_364 = arith.addf %parallel_loop3A_360, %parallel_loop3A_363 : vector<16xf32>
        %parallel_loop3A_365 = arith.index_cast %parallel_loop3A_355 : i32 to index
        %parallel_loop3A_366 = arith.constant 0 : index
        %parallel_loop3A_367 = tpu.vector_load %arg14[%parallel_loop3A_365, %parallel_loop3A_366] {strides = array<i32>} : memref<200x64xf32, #tpu.memory_space<vmem>>, vector<16xf32>,
        tpu.vector_store %arg14[%parallel_loop3A_365, %parallel_loop3A_366], %parallel_loop3A_364 {strides = array<i32>} : memref<200x64xf32, #tpu.memory_space<vmem>>, vector<16xf32>,
        %parallel_loop3A_368 = arith.constant 16 : i32
        %parallel_loop3A_369 = arith.addi %parallel_loop3A_353, %parallel_loop3A_368 : i32
        %parallel_loop3A_370 = arith.index_cast %parallel_loop3A_355 : i32 to index
        %parallel_loop3A_371 = arith.index_cast %parallel_loop3A_369 : i32 to index
        %parallel_loop3A_372 = tpu.vector_load %arg12[%parallel_loop3A_370, %parallel_loop3A_371] {strides = array<i32>} : memref<200x128xf32, #tpu.memory_space<vmem>>, vector<16xf32>,
        %parallel_loop3A_373 = arith.index_cast %parallel_loop3A_355 : i32 to index
        %parallel_loop3A_374 = arith.constant 16 : index
        %parallel_loop3A_375 = tpu.vector_load %arg7[%parallel_loop3A_373, %parallel_loop3A_374] {strides = array<i32>} : memref<200x64xf32, #tpu.memory_space<vmem>>, vector<16xf32>,
        %parallel_loop3A_376 = arith.addf %parallel_loop3A_372, %parallel_loop3A_375 : vector<16xf32>
        %parallel_loop3A_377 = arith.index_cast %parallel_loop3A_355 : i32 to index
        %parallel_loop3A_378 = arith.constant 16 : index
        %parallel_loop3A_379 = tpu.vector_load %arg14[%parallel_loop3A_377, %parallel_loop3A_378] {strides = array<i32>} : memref<200x64xf32, #tpu.memory_space<vmem>>, vector<16xf32>,
        tpu.vector_store %arg14[%parallel_loop3A_377, %parallel_loop3A_378], %parallel_loop3A_376 {strides = array<i32>} : memref<200x64xf32, #tpu.memory_space<vmem>>, vector<16xf32>,
        %parallel_loop3A_380 = arith.constant 32 : i32
        %parallel_loop3A_381 = arith.addi %parallel_loop3A_353, %parallel_loop3A_380 : i32
        %parallel_loop3A_382 = arith.index_cast %parallel_loop3A_355 : i32 to index
        %parallel_loop3A_383 = arith.index_cast %parallel_loop3A_381 : i32 to index
        %parallel_loop3A_384 = tpu.vector_load %arg12[%parallel_loop3A_382, %parallel_loop3A_383] {strides = array<i32>} : memref<200x128xf32, #tpu.memory_space<vmem>>, vector<16xf32>,
        %parallel_loop3A_385 = arith.index_cast %parallel_loop3A_355 : i32 to index
        %parallel_loop3A_386 = arith.constant 32 : index
        %parallel_loop3A_387 = tpu.vector_load %arg7[%parallel_loop3A_385, %parallel_loop3A_386] {strides = array<i32>} : memref<200x64xf32, #tpu.memory_space<vmem>>, vector<16xf32>,
        %parallel_loop3A_388 = arith.addf %parallel_loop3A_384, %parallel_loop3A_387 : vector<16xf32>
        %parallel_loop3A_389 = arith.index_cast %parallel_loop3A_355 : i32 to index
        %parallel_loop3A_390 = arith.constant 32 : index
        %parallel_loop3A_391 = tpu.vector_load %arg14[%parallel_loop3A_389, %parallel_loop3A_390] {strides = array<i32>} : memref<200x64xf32, #tpu.memory_space<vmem>>, vector<16xf32>,
        tpu.vector_store %arg14[%parallel_loop3A_389, %parallel_loop3A_390], %parallel_loop3A_388 {strides = array<i32>} : memref<200x64xf32, #tpu.memory_space<vmem>>, vector<16xf32>,
        %parallel_loop3A_392 = arith.constant 48 : i32
        %parallel_loop3A_393 = arith.addi %parallel_loop3A_353, %parallel_loop3A_392 : i32
        %parallel_loop3A_394 = arith.index_cast %parallel_loop3A_355 : i32 to index
        %parallel_loop3A_395 = arith.index_cast %parallel_loop3A_393 : i32 to index
        %parallel_loop3A_396 = tpu.vector_load %arg12[%parallel_loop3A_394, %parallel_loop3A_395] {strides = array<i32>} : memref<200x128xf32, #tpu.memory_space<vmem>>, vector<16xf32>,
        %parallel_loop3A_397 = arith.index_cast %parallel_loop3A_355 : i32 to index
        %parallel_loop3A_398 = arith.constant 48 : index
        %parallel_loop3A_399 = tpu.vector_load %arg7[%parallel_loop3A_397, %parallel_loop3A_398] {strides = array<i32>} : memref<200x64xf32, #tpu.memory_space<vmem>>, vector<16xf32>,
        %parallel_loop3A_400 = arith.addf %parallel_loop3A_396, %parallel_loop3A_399 : vector<16xf32>
        %parallel_loop3A_401 = arith.index_cast %parallel_loop3A_355 : i32 to index
        %parallel_loop3A_402 = arith.constant 48 : index
        %parallel_loop3A_403 = tpu.vector_load %arg14[%parallel_loop3A_401, %parallel_loop3A_402] {strides = array<i32>} : memref<200x64xf32, #tpu.memory_space<vmem>>, vector<16xf32>,
        tpu.vector_store %arg14[%parallel_loop3A_401, %parallel_loop3A_402], %parallel_loop3A_400 {strides = array<i32>} : memref<200x64xf32, #tpu.memory_space<vmem>>, vector<16xf32>,
        %parallel_loop3A_404 = vector.extract_strided_slice %parallel_loop3A_138 {offsets = [5], sizes = [1], strides = [1]} : vector<16xi32> to vector<1xi32>
        %parallel_loop3A_405 = vector.extract %parallel_loop3A_404[0] : i32 from vector<1xi32>
        %parallel_loop3A_406 = tpu.assume_multiple %parallel_loop3A_405, 64 : i32
        %parallel_loop3A_407 = arith.constant 5 : i32
        %parallel_loop3A_408 = arith.addi %parallel_loop3A_136, %parallel_loop3A_407 : i32
        %parallel_loop3A_409 = arith.constant 0 : i32
        %parallel_loop3A_410 = arith.addi %parallel_loop3A_406, %parallel_loop3A_409 : i32
        %parallel_loop3A_411 = arith.index_cast %parallel_loop3A_408 : i32 to index
        %parallel_loop3A_412 = arith.index_cast %parallel_loop3A_410 : i32 to index
        %parallel_loop3A_413 = tpu.vector_load %arg12[%parallel_loop3A_411, %parallel_loop3A_412] {strides = array<i32>} : memref<200x128xf32, #tpu.memory_space<vmem>>, vector<16xf32>,
        %parallel_loop3A_414 = arith.index_cast %parallel_loop3A_408 : i32 to index
        %parallel_loop3A_415 = arith.constant 0 : index
        %parallel_loop3A_416 = tpu.vector_load %arg7[%parallel_loop3A_414, %parallel_loop3A_415] {strides = array<i32>} : memref<200x64xf32, #tpu.memory_space<vmem>>, vector<16xf32>,
        %parallel_loop3A_417 = arith.addf %parallel_loop3A_413, %parallel_loop3A_416 : vector<16xf32>
        %parallel_loop3A_418 = arith.index_cast %parallel_loop3A_408 : i32 to index
        %parallel_loop3A_419 = arith.constant 0 : index
        %parallel_loop3A_420 = tpu.vector_load %arg14[%parallel_loop3A_418, %parallel_loop3A_419] {strides = array<i32>} : memref<200x64xf32, #tpu.memory_space<vmem>>, vector<16xf32>,
        tpu.vector_store %arg14[%parallel_loop3A_418, %parallel_loop3A_419], %parallel_loop3A_417 {strides = array<i32>} : memref<200x64xf32, #tpu.memory_space<vmem>>, vector<16xf32>,
        %parallel_loop3A_421 = arith.constant 16 : i32
        %parallel_loop3A_422 = arith.addi %parallel_loop3A_406, %parallel_loop3A_421 : i32
        %parallel_loop3A_423 = arith.index_cast %parallel_loop3A_408 : i32 to index
        %parallel_loop3A_424 = arith.index_cast %parallel_loop3A_422 : i32 to index
        %parallel_loop3A_425 = tpu.vector_load %arg12[%parallel_loop3A_423, %parallel_loop3A_424] {strides = array<i32>} : memref<200x128xf32, #tpu.memory_space<vmem>>, vector<16xf32>,
        %parallel_loop3A_426 = arith.index_cast %parallel_loop3A_408 : i32 to index
        %parallel_loop3A_427 = arith.constant 16 : index
        %parallel_loop3A_428 = tpu.vector_load %arg7[%parallel_loop3A_426, %parallel_loop3A_427] {strides = array<i32>} : memref<200x64xf32, #tpu.memory_space<vmem>>, vector<16xf32>,
        %parallel_loop3A_429 = arith.addf %parallel_loop3A_425, %parallel_loop3A_428 : vector<16xf32>
        %parallel_loop3A_430 = arith.index_cast %parallel_loop3A_408 : i32 to index
        %parallel_loop3A_431 = arith.constant 16 : index
        %parallel_loop3A_432 = tpu.vector_load %arg14[%parallel_loop3A_430, %parallel_loop3A_431] {strides = array<i32>} : memref<200x64xf32, #tpu.memory_space<vmem>>, vector<16xf32>,
        tpu.vector_store %arg14[%parallel_loop3A_430, %parallel_loop3A_431], %parallel_loop3A_429 {strides = array<i32>} : memref<200x64xf32, #tpu.memory_space<vmem>>, vector<16xf32>,
        %parallel_loop3A_433 = arith.constant 32 : i32
        %parallel_loop3A_434 = arith.addi %parallel_loop3A_406, %parallel_loop3A_433 : i32
        %parallel_loop3A_435 = arith.index_cast %parallel_loop3A_408 : i32 to index
        %parallel_loop3A_436 = arith.index_cast %parallel_loop3A_434 : i32 to index
        %parallel_loop3A_437 = tpu.vector_load %arg12[%parallel_loop3A_435, %parallel_loop3A_436] {strides = array<i32>} : memref<200x128xf32, #tpu.memory_space<vmem>>, vector<16xf32>,
        %parallel_loop3A_438 = arith.index_cast %parallel_loop3A_408 : i32 to index
        %parallel_loop3A_439 = arith.constant 32 : index
        %parallel_loop3A_440 = tpu.vector_load %arg7[%parallel_loop3A_438, %parallel_loop3A_439] {strides = array<i32>} : memref<200x64xf32, #tpu.memory_space<vmem>>, vector<16xf32>,
        %parallel_loop3A_441 = arith.addf %parallel_loop3A_437, %parallel_loop3A_440 : vector<16xf32>
        %parallel_loop3A_442 = arith.index_cast %parallel_loop3A_408 : i32 to index
        %parallel_loop3A_443 = arith.constant 32 : index
        %parallel_loop3A_444 = tpu.vector_load %arg14[%parallel_loop3A_442, %parallel_loop3A_443] {strides = array<i32>} : memref<200x64xf32, #tpu.memory_space<vmem>>, vector<16xf32>,
        tpu.vector_store %arg14[%parallel_loop3A_442, %parallel_loop3A_443], %parallel_loop3A_441 {strides = array<i32>} : memref<200x64xf32, #tpu.memory_space<vmem>>, vector<16xf32>,
        %parallel_loop3A_445 = arith.constant 48 : i32
        %parallel_loop3A_446 = arith.addi %parallel_loop3A_406, %parallel_loop3A_445 : i32
        %parallel_loop3A_447 = arith.index_cast %parallel_loop3A_408 : i32 to index
        %parallel_loop3A_448 = arith.index_cast %parallel_loop3A_446 : i32 to index
        %parallel_loop3A_449 = tpu.vector_load %arg12[%parallel_loop3A_447, %parallel_loop3A_448] {strides = array<i32>} : memref<200x128xf32, #tpu.memory_space<vmem>>, vector<16xf32>,
        %parallel_loop3A_450 = arith.index_cast %parallel_loop3A_408 : i32 to index
        %parallel_loop3A_451 = arith.constant 48 : index
        %parallel_loop3A_452 = tpu.vector_load %arg7[%parallel_loop3A_450, %parallel_loop3A_451] {strides = array<i32>} : memref<200x64xf32, #tpu.memory_space<vmem>>, vector<16xf32>,
        %parallel_loop3A_453 = arith.addf %parallel_loop3A_449, %parallel_loop3A_452 : vector<16xf32>
        %parallel_loop3A_454 = arith.index_cast %parallel_loop3A_408 : i32 to index
        %parallel_loop3A_455 = arith.constant 48 : index
        %parallel_loop3A_456 = tpu.vector_load %arg14[%parallel_loop3A_454, %parallel_loop3A_455] {strides = array<i32>} : memref<200x64xf32, #tpu.memory_space<vmem>>, vector<16xf32>,
        tpu.vector_store %arg14[%parallel_loop3A_454, %parallel_loop3A_455], %parallel_loop3A_453 {strides = array<i32>} : memref<200x64xf32, #tpu.memory_space<vmem>>, vector<16xf32>,
        %parallel_loop3A_457 = vector.extract_strided_slice %parallel_loop3A_138 {offsets = [6], sizes = [1], strides = [1]} : vector<16xi32> to vector<1xi32>
        %parallel_loop3A_458 = vector.extract %parallel_loop3A_457[0] : i32 from vector<1xi32>
        %parallel_loop3A_459 = tpu.assume_multiple %parallel_loop3A_458, 64 : i32
        %parallel_loop3A_460 = arith.constant 6 : i32
        %parallel_loop3A_461 = arith.addi %parallel_loop3A_136, %parallel_loop3A_460 : i32
        %parallel_loop3A_462 = arith.constant 0 : i32
        %parallel_loop3A_463 = arith.addi %parallel_loop3A_459, %parallel_loop3A_462 : i32
        %parallel_loop3A_464 = arith.index_cast %parallel_loop3A_461 : i32 to index
        %parallel_loop3A_465 = arith.index_cast %parallel_loop3A_463 : i32 to index
        %parallel_loop3A_466 = tpu.vector_load %arg12[%parallel_loop3A_464, %parallel_loop3A_465] {strides = array<i32>} : memref<200x128xf32, #tpu.memory_space<vmem>>, vector<16xf32>,
        %parallel_loop3A_467 = arith.index_cast %parallel_loop3A_461 : i32 to index
        %parallel_loop3A_468 = arith.constant 0 : index
        %parallel_loop3A_469 = tpu.vector_load %arg7[%parallel_loop3A_467, %parallel_loop3A_468] {strides = array<i32>} : memref<200x64xf32, #tpu.memory_space<vmem>>, vector<16xf32>,
        %parallel_loop3A_470 = arith.addf %parallel_loop3A_466, %parallel_loop3A_469 : vector<16xf32>
        %parallel_loop3A_471 = arith.index_cast %parallel_loop3A_461 : i32 to index
        %parallel_loop3A_472 = arith.constant 0 : index
        %parallel_loop3A_473 = tpu.vector_load %arg14[%parallel_loop3A_471, %parallel_loop3A_472] {strides = array<i32>} : memref<200x64xf32, #tpu.memory_space<vmem>>, vector<16xf32>,
        tpu.vector_store %arg14[%parallel_loop3A_471, %parallel_loop3A_472], %parallel_loop3A_470 {strides = array<i32>} : memref<200x64xf32, #tpu.memory_space<vmem>>, vector<16xf32>,
        %parallel_loop3A_474 = arith.constant 16 : i32
        %parallel_loop3A_475 = arith.addi %parallel_loop3A_459, %parallel_loop3A_474 : i32
        %parallel_loop3A_476 = arith.index_cast %parallel_loop3A_461 : i32 to index
        %parallel_loop3A_477 = arith.index_cast %parallel_loop3A_475 : i32 to index
        %parallel_loop3A_478 = tpu.vector_load %arg12[%parallel_loop3A_476, %parallel_loop3A_477] {strides = array<i32>} : memref<200x128xf32, #tpu.memory_space<vmem>>, vector<16xf32>,
        %parallel_loop3A_479 = arith.index_cast %parallel_loop3A_461 : i32 to index
        %parallel_loop3A_480 = arith.constant 16 : index
        %parallel_loop3A_481 = tpu.vector_load %arg7[%parallel_loop3A_479, %parallel_loop3A_480] {strides = array<i32>} : memref<200x64xf32, #tpu.memory_space<vmem>>, vector<16xf32>,
        %parallel_loop3A_482 = arith.addf %parallel_loop3A_478, %parallel_loop3A_481 : vector<16xf32>
        %parallel_loop3A_483 = arith.index_cast %parallel_loop3A_461 : i32 to index
        %parallel_loop3A_484 = arith.constant 16 : index
        %parallel_loop3A_485 = tpu.vector_load %arg14[%parallel_loop3A_483, %parallel_loop3A_484] {strides = array<i32>} : memref<200x64xf32, #tpu.memory_space<vmem>>, vector<16xf32>,
        tpu.vector_store %arg14[%parallel_loop3A_483, %parallel_loop3A_484], %parallel_loop3A_482 {strides = array<i32>} : memref<200x64xf32, #tpu.memory_space<vmem>>, vector<16xf32>,
        %parallel_loop3A_486 = arith.constant 32 : i32
        %parallel_loop3A_487 = arith.addi %parallel_loop3A_459, %parallel_loop3A_486 : i32
        %parallel_loop3A_488 = arith.index_cast %parallel_loop3A_461 : i32 to index
        %parallel_loop3A_489 = arith.index_cast %parallel_loop3A_487 : i32 to index
        %parallel_loop3A_490 = tpu.vector_load %arg12[%parallel_loop3A_488, %parallel_loop3A_489] {strides = array<i32>} : memref<200x128xf32, #tpu.memory_space<vmem>>, vector<16xf32>,
        %parallel_loop3A_491 = arith.index_cast %parallel_loop3A_461 : i32 to index
        %parallel_loop3A_492 = arith.constant 32 : index
        %parallel_loop3A_493 = tpu.vector_load %arg7[%parallel_loop3A_491, %parallel_loop3A_492] {strides = array<i32>} : memref<200x64xf32, #tpu.memory_space<vmem>>, vector<16xf32>,
        %parallel_loop3A_494 = arith.addf %parallel_loop3A_490, %parallel_loop3A_493 : vector<16xf32>
        %parallel_loop3A_495 = arith.index_cast %parallel_loop3A_461 : i32 to index
        %parallel_loop3A_496 = arith.constant 32 : index
        %parallel_loop3A_497 = tpu.vector_load %arg14[%parallel_loop3A_495, %parallel_loop3A_496] {strides = array<i32>} : memref<200x64xf32, #tpu.memory_space<vmem>>, vector<16xf32>,
        tpu.vector_store %arg14[%parallel_loop3A_495, %parallel_loop3A_496], %parallel_loop3A_494 {strides = array<i32>} : memref<200x64xf32, #tpu.memory_space<vmem>>, vector<16xf32>,
        %parallel_loop3A_498 = arith.constant 48 : i32
        %parallel_loop3A_499 = arith.addi %parallel_loop3A_459, %parallel_loop3A_498 : i32
        %parallel_loop3A_500 = arith.index_cast %parallel_loop3A_461 : i32 to index
        %parallel_loop3A_501 = arith.index_cast %parallel_loop3A_499 : i32 to index
        %parallel_loop3A_502 = tpu.vector_load %arg12[%parallel_loop3A_500, %parallel_loop3A_501] {strides = array<i32>} : memref<200x128xf32, #tpu.memory_space<vmem>>, vector<16xf32>,
        %parallel_loop3A_503 = arith.index_cast %parallel_loop3A_461 : i32 to index
        %parallel_loop3A_504 = arith.constant 48 : index
        %parallel_loop3A_505 = tpu.vector_load %arg7[%parallel_loop3A_503, %parallel_loop3A_504] {strides = array<i32>} : memref<200x64xf32, #tpu.memory_space<vmem>>, vector<16xf32>,
        %parallel_loop3A_506 = arith.addf %parallel_loop3A_502, %parallel_loop3A_505 : vector<16xf32>
        %parallel_loop3A_507 = arith.index_cast %parallel_loop3A_461 : i32 to index
        %parallel_loop3A_508 = arith.constant 48 : index
        %parallel_loop3A_509 = tpu.vector_load %arg14[%parallel_loop3A_507, %parallel_loop3A_508] {strides = array<i32>} : memref<200x64xf32, #tpu.memory_space<vmem>>, vector<16xf32>,
        tpu.vector_store %arg14[%parallel_loop3A_507, %parallel_loop3A_508], %parallel_loop3A_506 {strides = array<i32>} : memref<200x64xf32, #tpu.memory_space<vmem>>, vector<16xf32>,
        %parallel_loop3A_510 = vector.extract_strided_slice %parallel_loop3A_138 {offsets = [7], sizes = [1], strides = [1]} : vector<16xi32> to vector<1xi32>
        %parallel_loop3A_511 = vector.extract %parallel_loop3A_510[0] : i32 from vector<1xi32>
        %parallel_loop3A_512 = tpu.assume_multiple %parallel_loop3A_511, 64 : i32
        %parallel_loop3A_513 = arith.constant 7 : i32
        %parallel_loop3A_514 = arith.addi %parallel_loop3A_136, %parallel_loop3A_513 : i32
        %parallel_loop3A_515 = arith.constant 0 : i32
        %parallel_loop3A_516 = arith.addi %parallel_loop3A_512, %parallel_loop3A_515 : i32
        %parallel_loop3A_517 = arith.index_cast %parallel_loop3A_514 : i32 to index
        %parallel_loop3A_518 = arith.index_cast %parallel_loop3A_516 : i32 to index
        %parallel_loop3A_519 = tpu.vector_load %arg12[%parallel_loop3A_517, %parallel_loop3A_518] {strides = array<i32>} : memref<200x128xf32, #tpu.memory_space<vmem>>, vector<16xf32>,
        %parallel_loop3A_520 = arith.index_cast %parallel_loop3A_514 : i32 to index
        %parallel_loop3A_521 = arith.constant 0 : index
        %parallel_loop3A_522 = tpu.vector_load %arg7[%parallel_loop3A_520, %parallel_loop3A_521] {strides = array<i32>} : memref<200x64xf32, #tpu.memory_space<vmem>>, vector<16xf32>,
        %parallel_loop3A_523 = arith.addf %parallel_loop3A_519, %parallel_loop3A_522 : vector<16xf32>
        %parallel_loop3A_524 = arith.index_cast %parallel_loop3A_514 : i32 to index
        %parallel_loop3A_525 = arith.constant 0 : index
        %parallel_loop3A_526 = tpu.vector_load %arg14[%parallel_loop3A_524, %parallel_loop3A_525] {strides = array<i32>} : memref<200x64xf32, #tpu.memory_space<vmem>>, vector<16xf32>,
        tpu.vector_store %arg14[%parallel_loop3A_524, %parallel_loop3A_525], %parallel_loop3A_523 {strides = array<i32>} : memref<200x64xf32, #tpu.memory_space<vmem>>, vector<16xf32>,
        %parallel_loop3A_527 = arith.constant 16 : i32
        %parallel_loop3A_528 = arith.addi %parallel_loop3A_512, %parallel_loop3A_527 : i32
        %parallel_loop3A_529 = arith.index_cast %parallel_loop3A_514 : i32 to index
        %parallel_loop3A_530 = arith.index_cast %parallel_loop3A_528 : i32 to index
        %parallel_loop3A_531 = tpu.vector_load %arg12[%parallel_loop3A_529, %parallel_loop3A_530] {strides = array<i32>} : memref<200x128xf32, #tpu.memory_space<vmem>>, vector<16xf32>,
        %parallel_loop3A_532 = arith.index_cast %parallel_loop3A_514 : i32 to index
        %parallel_loop3A_533 = arith.constant 16 : index
        %parallel_loop3A_534 = tpu.vector_load %arg7[%parallel_loop3A_532, %parallel_loop3A_533] {strides = array<i32>} : memref<200x64xf32, #tpu.memory_space<vmem>>, vector<16xf32>,
        %parallel_loop3A_535 = arith.addf %parallel_loop3A_531, %parallel_loop3A_534 : vector<16xf32>
        %parallel_loop3A_536 = arith.index_cast %parallel_loop3A_514 : i32 to index
        %parallel_loop3A_537 = arith.constant 16 : index
        %parallel_loop3A_538 = tpu.vector_load %arg14[%parallel_loop3A_536, %parallel_loop3A_537] {strides = array<i32>} : memref<200x64xf32, #tpu.memory_space<vmem>>, vector<16xf32>,
        tpu.vector_store %arg14[%parallel_loop3A_536, %parallel_loop3A_537], %parallel_loop3A_535 {strides = array<i32>} : memref<200x64xf32, #tpu.memory_space<vmem>>, vector<16xf32>,
        %parallel_loop3A_539 = arith.constant 32 : i32
        %parallel_loop3A_540 = arith.addi %parallel_loop3A_512, %parallel_loop3A_539 : i32
        %parallel_loop3A_541 = arith.index_cast %parallel_loop3A_514 : i32 to index
        %parallel_loop3A_542 = arith.index_cast %parallel_loop3A_540 : i32 to index
        %parallel_loop3A_543 = tpu.vector_load %arg12[%parallel_loop3A_541, %parallel_loop3A_542] {strides = array<i32>} : memref<200x128xf32, #tpu.memory_space<vmem>>, vector<16xf32>,
        %parallel_loop3A_544 = arith.index_cast %parallel_loop3A_514 : i32 to index
        %parallel_loop3A_545 = arith.constant 32 : index
        %parallel_loop3A_546 = tpu.vector_load %arg7[%parallel_loop3A_544, %parallel_loop3A_545] {strides = array<i32>} : memref<200x64xf32, #tpu.memory_space<vmem>>, vector<16xf32>,
        %parallel_loop3A_547 = arith.addf %parallel_loop3A_543, %parallel_loop3A_546 : vector<16xf32>
        %parallel_loop3A_548 = arith.index_cast %parallel_loop3A_514 : i32 to index
        %parallel_loop3A_549 = arith.constant 32 : index
        %parallel_loop3A_550 = tpu.vector_load %arg14[%parallel_loop3A_548, %parallel_loop3A_549] {strides = array<i32>} : memref<200x64xf32, #tpu.memory_space<vmem>>, vector<16xf32>,
        tpu.vector_store %arg14[%parallel_loop3A_548, %parallel_loop3A_549], %parallel_loop3A_547 {strides = array<i32>} : memref<200x64xf32, #tpu.memory_space<vmem>>, vector<16xf32>,
        %parallel_loop3A_551 = arith.constant 48 : i32
        %parallel_loop3A_552 = arith.addi %parallel_loop3A_512, %parallel_loop3A_551 : i32
        %parallel_loop3A_553 = arith.index_cast %parallel_loop3A_514 : i32 to index
        %parallel_loop3A_554 = arith.index_cast %parallel_loop3A_552 : i32 to index
        %parallel_loop3A_555 = tpu.vector_load %arg12[%parallel_loop3A_553, %parallel_loop3A_554] {strides = array<i32>} : memref<200x128xf32, #tpu.memory_space<vmem>>, vector<16xf32>,
        %parallel_loop3A_556 = arith.index_cast %parallel_loop3A_514 : i32 to index
        %parallel_loop3A_557 = arith.constant 48 : index
        %parallel_loop3A_558 = tpu.vector_load %arg7[%parallel_loop3A_556, %parallel_loop3A_557] {strides = array<i32>} : memref<200x64xf32, #tpu.memory_space<vmem>>, vector<16xf32>,
        %parallel_loop3A_559 = arith.addf %parallel_loop3A_555, %parallel_loop3A_558 : vector<16xf32>
        %parallel_loop3A_560 = arith.index_cast %parallel_loop3A_514 : i32 to index
        %parallel_loop3A_561 = arith.constant 48 : index
        %parallel_loop3A_562 = tpu.vector_load %arg14[%parallel_loop3A_560, %parallel_loop3A_561] {strides = array<i32>} : memref<200x64xf32, #tpu.memory_space<vmem>>, vector<16xf32>,
        tpu.vector_store %arg14[%parallel_loop3A_560, %parallel_loop3A_561], %parallel_loop3A_559 {strides = array<i32>} : memref<200x64xf32, #tpu.memory_space<vmem>>, vector<16xf32>,
      } {sc.loop_unroll_factor = 8 : i64, sc.parallel_access}
      %add3A_86 = arith.addi %mul3A_4, %add3A_72 : i32
      %dma_start3A_87 = arith.constant 0 : i32
      %dma_start3A_88 = arith.constant 0 : i32
      %dma_start3A_89 = tpu.memref_slice %arg6[%add3A_86, %dma_start3A_87, %dma_start3A_88] : memref<4096x200x64xf32, #tpu.memory_space<hbm>> -> memref<1x200x64xf32, #tpu.memory_space<hbm>>
      %dma_start3A_90 = tpu.memref_squeeze %dma_start3A_89 : memref<1x200x64xf32, #tpu.memory_space<hbm>> -> memref<200x64xf32, #tpu.memory_space<hbm>>
      %dma_start3A_91 = arith.constant 0 : i32
      %dma_start3A_92 = arith.constant 0 : i32
      %dma_start3A_93 = tpu.memref_slice %arg6[%add3A_86, %dma_start3A_91, %dma_start3A_92] : memref<4096x200x64xf32, #tpu.memory_space<hbm>> -> memref<1x200x64xf32, #tpu.memory_space<hbm>>
      %dma_start3A_94 = tpu.memref_squeeze %dma_start3A_93 : memref<1x200x64xf32, #tpu.memory_space<hbm>> -> memref<200x64xf32, #tpu.memory_space<hbm>>
      tpu.enqueue_dma source(%arg14 : memref<200x64xf32, #tpu.memory_space<vmem>>) target(%dma_start3A_94 : memref<200x64xf32, #tpu.memory_space<hbm>>) target_semaphore(%arg18 : memref<!tpu.dma_semaphore, #tpu.memory_space<semaphore_mem>>)
      %lt3A_95 = arith.constant 128 : i32
      %lt3A_96 = arith.cmpi slt, %add3A_79, %lt3A_95 : i32
      %convert_element_type3A_97 = arith.extui %lt3A_96 : i1 to i32
      %cond3A_98 = arith.constant 0 : i32
      %cond3A_99 = arith.cmpi ne, %convert_element_type3A_97, %cond3A_98 : i32
      scf.if %cond3A_99 {
        %mul3A_136 = arith.constant 200 : i32
        %mul3A_137 = arith.muli %add3A_79, %mul3A_136 : i32
        %add3A_138 = arith.addi %multiple_of3A, %mul3A_137 : i32
        %multiple_of3A_139 = tpu.assume_multiple %add3A_138, 200 : i32
        %dma_start3A_140 = arith.constant 0 : i32
        %dma_start3A_141 = tpu.memref_slice %arg10[%dma_start3A_140] : memref<216xi32, #tpu.memory_space<vmem>> -> memref<200xi32, #tpu.memory_space<vmem>>
        %dma_start3A_142 = tpu.memref_slice %arg3[%multiple_of3A_139] : memref<819200xi32, #tpu.memory_space<hbm>> -> memref<200xi32, #tpu.memory_space<hbm>>
        %dma_start3A_143 = arith.constant 0 : i32
        %dma_start3A_144 = tpu.memref_slice %arg10[%dma_start3A_143] : memref<216xi32, #tpu.memory_space<vmem>> -> memref<200xi32, #tpu.memory_space<vmem>>
        %dma_start3A_145 = tpu.memref_slice %arg3[%multiple_of3A_139] : memref<819200xi32, #tpu.memory_space<hbm>> -> memref<200xi32, #tpu.memory_space<hbm>>
        tpu.enqueue_dma source(%dma_start3A_145 : memref<200xi32, #tpu.memory_space<hbm>>) target(%dma_start3A_144 : memref<200xi32, #tpu.memory_space<vmem>>) target_semaphore(%arg20 : memref<!tpu.dma_semaphore, #tpu.memory_space<semaphore_mem>>)
        %dma_wait3A_146 = tpu.memref_slice %arg2[%multiple_of3A] : memref<819200xi32, #tpu.memory_space<hbm>> -> memref<200xi32, #tpu.memory_space<hbm>>
        %dma_wait3A_147 = tpu.memref_slice %arg2[%multiple_of3A] : memref<819200xi32, #tpu.memory_space<hbm>> -> memref<200xi32, #tpu.memory_space<hbm>>
        tpu.wait_dma2 semaphore(%arg20 : memref<!tpu.dma_semaphore, #tpu.memory_space<semaphore_mem>>) src(%dma_wait3A_147 : memref<200xi32, #tpu.memory_space<hbm>>) dst(%arg8 : memref<200xi32, #tpu.memory_space<vmem>>)
        %dma_wait3A_148 = arith.constant 0 : i32
        %dma_wait3A_149 = tpu.memref_slice %arg10[%dma_wait3A_148] : memref<216xi32, #tpu.memory_space<vmem>> -> memref<200xi32, #tpu.memory_space<vmem>>
        %dma_wait3A_150 = tpu.memref_slice %arg3[%multiple_of3A] : memref<819200xi32, #tpu.memory_space<hbm>> -> memref<200xi32, #tpu.memory_space<hbm>>
        %dma_wait3A_151 = arith.constant 0 : i32
        %dma_wait3A_152 = tpu.memref_slice %arg10[%dma_wait3A_151] : memref<216xi32, #tpu.memory_space<vmem>> -> memref<200xi32, #tpu.memory_space<vmem>>
        %dma_wait3A_153 = tpu.memref_slice %arg3[%multiple_of3A] : memref<819200xi32, #tpu.memory_space<hbm>> -> memref<200xi32, #tpu.memory_space<hbm>>
        tpu.wait_dma2 semaphore(%arg20 : memref<!tpu.dma_semaphore, #tpu.memory_space<semaphore_mem>>) src(%dma_wait3A_153 : memref<200xi32, #tpu.memory_space<hbm>>) dst(%dma_wait3A_152 : memref<200xi32, #tpu.memory_space<vmem>>)
        %dma_start3A_154 = arith.constant 0 : i32
        %dma_start3A_155 = arith.constant 0 : i32
        %dma_start3A_156 = tpu.memref_slice %arg4[%dma_start3A_154, %dma_start3A_155] : memref<500000x128xf32, #tpu.memory_space<hbm>> -> memref<500000x128xf32, #tpu.memory_space<hbm>>
        tpu.enqueue_indirect_dma source(%dma_start3A_156 : memref<500000x128xf32, #tpu.memory_space<hbm>>) target(%arg12 : memref<200x128xf32, #tpu.memory_space<vmem>>) offsets(%arg8 : memref<200xi32, #tpu.memory_space<vmem>>) semaphore(%arg16 : memref<!tpu.dma_semaphore, #tpu.memory_space<semaphore_mem>>)
      } else {
      }
      %mul3A_100 = arith.constant 2 : i32
      %mul3A_101 = arith.muli %mul3A_100, %scan3A_68 : i32
      %add3A_102 = arith.constant 1 : i32
      %add3A_103 = arith.addi %mul3A_101, %add3A_102 : i32
      %ge3A_104 = arith.constant 2 : i32
      %ge3A_105 = arith.cmpi sge, %add3A_103, %ge3A_104 : i32
      %convert_element_type3A_106 = arith.extui %ge3A_105 : i1 to i32
      %cond3A_107 = arith.constant 0 : i32
      %cond3A_108 = arith.cmpi ne, %convert_element_type3A_106, %cond3A_107 : i32
      scf.if %cond3A_108 {
        %dma_wait3A_136 = arith.constant 0 : i32
        %dma_wait3A_137 = arith.constant 0 : i32
        %dma_wait3A_138 = tpu.memref_slice %arg6[%mul3A_4, %dma_wait3A_136, %dma_wait3A_137] : memref<4096x200x64xf32, #tpu.memory_space<hbm>> -> memref<1x200x64xf32, #tpu.memory_space<hbm>>
        %dma_wait3A_139 = tpu.memref_squeeze %dma_wait3A_138 : memref<1x200x64xf32, #tpu.memory_space<hbm>> -> memref<200x64xf32, #tpu.memory_space<hbm>>
        %dma_wait3A_140 = arith.constant 0 : i32
        %dma_wait3A_141 = arith.constant 0 : i32
        %dma_wait3A_142 = tpu.memref_slice %arg6[%mul3A_4, %dma_wait3A_140, %dma_wait3A_141] : memref<4096x200x64xf32, #tpu.memory_space<hbm>> -> memref<1x200x64xf32, #tpu.memory_space<hbm>>
        %dma_wait3A_143 = tpu.memref_squeeze %dma_wait3A_142 : memref<1x200x64xf32, #tpu.memory_space<hbm>> -> memref<200x64xf32, #tpu.memory_space<hbm>>
        tpu.wait_dma2 semaphore(%arg19 : memref<!tpu.dma_semaphore, #tpu.memory_space<semaphore_mem>>) src(%arg15 : memref<200x64xf32, #tpu.memory_space<vmem>>) dst(%dma_wait3A_143 : memref<200x64xf32, #tpu.memory_space<hbm>>)
      } else {
      }
      %dma_wait3A_109 = arith.constant 0 : i32
      %dma_wait3A_110 = arith.constant 0 : i32
      %dma_wait3A_111 = tpu.memref_slice %arg4[%dma_wait3A_109, %dma_wait3A_110] : memref<500000x128xf32, #tpu.memory_space<hbm>> -> memref<500000x128xf32, #tpu.memory_space<hbm>>
      tpu.wait_indirect_dma semaphore(%arg17 : memref<!tpu.dma_semaphore, #tpu.memory_space<semaphore_mem>>) src(%dma_wait3A_111 : memref<500000x128xf32, #tpu.memory_space<hbm>>) dst(%arg13 : memref<200x128xf32, #tpu.memory_space<vmem>>)
      %add3A_112 = arith.constant 2 : i32
      %add3A_113 = arith.addi %add3A_103, %add3A_112 : i32
      %lt3A_114 = arith.constant 128 : i32
      %lt3A_115 = arith.cmpi slt, %add3A_113, %lt3A_114 : i32
      %convert_element_type3A_116 = arith.extui %lt3A_115 : i1 to i32
      %cond3A_117 = arith.constant 0 : i32
      %cond3A_118 = arith.cmpi ne, %convert_element_type3A_116, %cond3A_117 : i32
      scf.if %cond3A_118 {
        %mul3A_136 = arith.constant 200 : i32
        %mul3A_137 = arith.muli %add3A_113, %mul3A_136 : i32
        %add3A_138 = arith.addi %multiple_of3A, %mul3A_137 : i32
        %multiple_of3A_139 = tpu.assume_multiple %add3A_138, 200 : i32
        %dma_start3A_140 = tpu.memref_slice %arg2[%multiple_of3A_139] : memref<819200xi32, #tpu.memory_space<hbm>> -> memref<200xi32, #tpu.memory_space<hbm>>
        %dma_start3A_141 = tpu.memref_slice %arg2[%multiple_of3A_139] : memref<819200xi32, #tpu.memory_space<hbm>> -> memref<200xi32, #tpu.memory_space<hbm>>
        tpu.enqueue_dma source(%dma_start3A_141 : memref<200xi32, #tpu.memory_space<hbm>>) target(%arg9 : memref<200xi32, #tpu.memory_space<vmem>>) target_semaphore(%arg21 : memref<!tpu.dma_semaphore, #tpu.memory_space<semaphore_mem>>)
      } else {
      }
      %parallel_loop3A_119 = arith.constant 0 : i32
      %parallel_loop3A_120 = arith.constant 200 : i32
      %parallel_loop3A_121 = arith.constant 8 : i32
      scf.for %parallel_loop3A_136 = %parallel_loop3A_119 to %parallel_loop3A_120 step %parallel_loop3A_121  : i32 {
        %parallel_loop3A_137 = arith.index_cast %parallel_loop3A_136 : i32 to index
        %parallel_loop3A_138 = tpu.vector_load %arg11[%parallel_loop3A_137] {strides = array<i32>} : memref<216xi32, #tpu.memory_space<vmem>>, vector<16xi32>,
        %parallel_loop3A_139 = vector.extract_strided_slice %parallel_loop3A_138 {offsets = [0], sizes = [1], strides = [1]} : vector<16xi32> to vector<1xi32>
        %parallel_loop3A_140 = vector.extract %parallel_loop3A_139[0] : i32 from vector<1xi32>
        %parallel_loop3A_141 = tpu.assume_multiple %parallel_loop3A_140, 64 : i32
        %parallel_loop3A_142 = arith.constant 0 : i32
        %parallel_loop3A_143 = arith.addi %parallel_loop3A_136, %parallel_loop3A_142 : i32
        %parallel_loop3A_144 = arith.constant 0 : i32
        %parallel_loop3A_145 = arith.addi %parallel_loop3A_141, %parallel_loop3A_144 : i32
        %parallel_loop3A_146 = arith.index_cast %parallel_loop3A_143 : i32 to index
        %parallel_loop3A_147 = arith.index_cast %parallel_loop3A_145 : i32 to index
        %parallel_loop3A_148 = tpu.vector_load %arg13[%parallel_loop3A_146, %parallel_loop3A_147] {strides = array<i32>} : memref<200x128xf32, #tpu.memory_space<vmem>>, vector<16xf32>,
        %parallel_loop3A_149 = arith.index_cast %parallel_loop3A_143 : i32 to index
        %parallel_loop3A_150 = arith.constant 0 : index
        %parallel_loop3A_151 = tpu.vector_load %arg7[%parallel_loop3A_149, %parallel_loop3A_150] {strides = array<i32>} : memref<200x64xf32, #tpu.memory_space<vmem>>, vector<16xf32>,
        %parallel_loop3A_152 = arith.addf %parallel_loop3A_148, %parallel_loop3A_151 : vector<16xf32>
        %parallel_loop3A_153 = arith.index_cast %parallel_loop3A_143 : i32 to index
        %parallel_loop3A_154 = arith.constant 0 : index
        %parallel_loop3A_155 = tpu.vector_load %arg15[%parallel_loop3A_153, %parallel_loop3A_154] {strides = array<i32>} : memref<200x64xf32, #tpu.memory_space<vmem>>, vector<16xf32>,
        tpu.vector_store %arg15[%parallel_loop3A_153, %parallel_loop3A_154], %parallel_loop3A_152 {strides = array<i32>} : memref<200x64xf32, #tpu.memory_space<vmem>>, vector<16xf32>,
        %parallel_loop3A_156 = arith.constant 16 : i32
        %parallel_loop3A_157 = arith.addi %parallel_loop3A_141, %parallel_loop3A_156 : i32
        %parallel_loop3A_158 = arith.index_cast %parallel_loop3A_143 : i32 to index
        %parallel_loop3A_159 = arith.index_cast %parallel_loop3A_157 : i32 to index
        %parallel_loop3A_160 = tpu.vector_load %arg13[%parallel_loop3A_158, %parallel_loop3A_159] {strides = array<i32>} : memref<200x128xf32, #tpu.memory_space<vmem>>, vector<16xf32>,
        %parallel_loop3A_161 = arith.index_cast %parallel_loop3A_143 : i32 to index
        %parallel_loop3A_162 = arith.constant 16 : index
        %parallel_loop3A_163 = tpu.vector_load %arg7[%parallel_loop3A_161, %parallel_loop3A_162] {strides = array<i32>} : memref<200x64xf32, #tpu.memory_space<vmem>>, vector<16xf32>,
        %parallel_loop3A_164 = arith.addf %parallel_loop3A_160, %parallel_loop3A_163 : vector<16xf32>
        %parallel_loop3A_165 = arith.index_cast %parallel_loop3A_143 : i32 to index
        %parallel_loop3A_166 = arith.constant 16 : index
        %parallel_loop3A_167 = tpu.vector_load %arg15[%parallel_loop3A_165, %parallel_loop3A_166] {strides = array<i32>} : memref<200x64xf32, #tpu.memory_space<vmem>>, vector<16xf32>,
        tpu.vector_store %arg15[%parallel_loop3A_165, %parallel_loop3A_166], %parallel_loop3A_164 {strides = array<i32>} : memref<200x64xf32, #tpu.memory_space<vmem>>, vector<16xf32>,
        %parallel_loop3A_168 = arith.constant 32 : i32
        %parallel_loop3A_169 = arith.addi %parallel_loop3A_141, %parallel_loop3A_168 : i32
        %parallel_loop3A_170 = arith.index_cast %parallel_loop3A_143 : i32 to index
        %parallel_loop3A_171 = arith.index_cast %parallel_loop3A_169 : i32 to index
        %parallel_loop3A_172 = tpu.vector_load %arg13[%parallel_loop3A_170, %parallel_loop3A_171] {strides = array<i32>} : memref<200x128xf32, #tpu.memory_space<vmem>>, vector<16xf32>,
        %parallel_loop3A_173 = arith.index_cast %parallel_loop3A_143 : i32 to index
        %parallel_loop3A_174 = arith.constant 32 : index
        %parallel_loop3A_175 = tpu.vector_load %arg7[%parallel_loop3A_173, %parallel_loop3A_174] {strides = array<i32>} : memref<200x64xf32, #tpu.memory_space<vmem>>, vector<16xf32>,
        %parallel_loop3A_176 = arith.addf %parallel_loop3A_172, %parallel_loop3A_175 : vector<16xf32>
        %parallel_loop3A_177 = arith.index_cast %parallel_loop3A_143 : i32 to index
        %parallel_loop3A_178 = arith.constant 32 : index
        %parallel_loop3A_179 = tpu.vector_load %arg15[%parallel_loop3A_177, %parallel_loop3A_178] {strides = array<i32>} : memref<200x64xf32, #tpu.memory_space<vmem>>, vector<16xf32>,
        tpu.vector_store %arg15[%parallel_loop3A_177, %parallel_loop3A_178], %parallel_loop3A_176 {strides = array<i32>} : memref<200x64xf32, #tpu.memory_space<vmem>>, vector<16xf32>,
        %parallel_loop3A_180 = arith.constant 48 : i32
        %parallel_loop3A_181 = arith.addi %parallel_loop3A_141, %parallel_loop3A_180 : i32
        %parallel_loop3A_182 = arith.index_cast %parallel_loop3A_143 : i32 to index
        %parallel_loop3A_183 = arith.index_cast %parallel_loop3A_181 : i32 to index
        %parallel_loop3A_184 = tpu.vector_load %arg13[%parallel_loop3A_182, %parallel_loop3A_183] {strides = array<i32>} : memref<200x128xf32, #tpu.memory_space<vmem>>, vector<16xf32>,
        %parallel_loop3A_185 = arith.index_cast %parallel_loop3A_143 : i32 to index
        %parallel_loop3A_186 = arith.constant 48 : index
        %parallel_loop3A_187 = tpu.vector_load %arg7[%parallel_loop3A_185, %parallel_loop3A_186] {strides = array<i32>} : memref<200x64xf32, #tpu.memory_space<vmem>>, vector<16xf32>,
        %parallel_loop3A_188 = arith.addf %parallel_loop3A_184, %parallel_loop3A_187 : vector<16xf32>
        %parallel_loop3A_189 = arith.index_cast %parallel_loop3A_143 : i32 to index
        %parallel_loop3A_190 = arith.constant 48 : index
        %parallel_loop3A_191 = tpu.vector_load %arg15[%parallel_loop3A_189, %parallel_loop3A_190] {strides = array<i32>} : memref<200x64xf32, #tpu.memory_space<vmem>>, vector<16xf32>,
        tpu.vector_store %arg15[%parallel_loop3A_189, %parallel_loop3A_190], %parallel_loop3A_188 {strides = array<i32>} : memref<200x64xf32, #tpu.memory_space<vmem>>, vector<16xf32>,
        %parallel_loop3A_192 = vector.extract_strided_slice %parallel_loop3A_138 {offsets = [1], sizes = [1], strides = [1]} : vector<16xi32> to vector<1xi32>
        %parallel_loop3A_193 = vector.extract %parallel_loop3A_192[0] : i32 from vector<1xi32>
        %parallel_loop3A_194 = tpu.assume_multiple %parallel_loop3A_193, 64 : i32
        %parallel_loop3A_195 = arith.constant 1 : i32
        %parallel_loop3A_196 = arith.addi %parallel_loop3A_136, %parallel_loop3A_195 : i32
        %parallel_loop3A_197 = arith.constant 0 : i32
        %parallel_loop3A_198 = arith.addi %parallel_loop3A_194, %parallel_loop3A_197 : i32
        %parallel_loop3A_199 = arith.index_cast %parallel_loop3A_196 : i32 to index
        %parallel_loop3A_200 = arith.index_cast %parallel_loop3A_198 : i32 to index
        %parallel_loop3A_201 = tpu.vector_load %arg13[%parallel_loop3A_199, %parallel_loop3A_200] {strides = array<i32>} : memref<200x128xf32, #tpu.memory_space<vmem>>, vector<16xf32>,
        %parallel_loop3A_202 = arith.index_cast %parallel_loop3A_196 : i32 to index
        %parallel_loop3A_203 = arith.constant 0 : index
        %parallel_loop3A_204 = tpu.vector_load %arg7[%parallel_loop3A_202, %parallel_loop3A_203] {strides = array<i32>} : memref<200x64xf32, #tpu.memory_space<vmem>>, vector<16xf32>,
        %parallel_loop3A_205 = arith.addf %parallel_loop3A_201, %parallel_loop3A_204 : vector<16xf32>
        %parallel_loop3A_206 = arith.index_cast %parallel_loop3A_196 : i32 to index
        %parallel_loop3A_207 = arith.constant 0 : index
        %parallel_loop3A_208 = tpu.vector_load %arg15[%parallel_loop3A_206, %parallel_loop3A_207] {strides = array<i32>} : memref<200x64xf32, #tpu.memory_space<vmem>>, vector<16xf32>,
        tpu.vector_store %arg15[%parallel_loop3A_206, %parallel_loop3A_207], %parallel_loop3A_205 {strides = array<i32>} : memref<200x64xf32, #tpu.memory_space<vmem>>, vector<16xf32>,
        %parallel_loop3A_209 = arith.constant 16 : i32
        %parallel_loop3A_210 = arith.addi %parallel_loop3A_194, %parallel_loop3A_209 : i32
        %parallel_loop3A_211 = arith.index_cast %parallel_loop3A_196 : i32 to index
        %parallel_loop3A_212 = arith.index_cast %parallel_loop3A_210 : i32 to index
        %parallel_loop3A_213 = tpu.vector_load %arg13[%parallel_loop3A_211, %parallel_loop3A_212] {strides = array<i32>} : memref<200x128xf32, #tpu.memory_space<vmem>>, vector<16xf32>,
        %parallel_loop3A_214 = arith.index_cast %parallel_loop3A_196 : i32 to index
        %parallel_loop3A_215 = arith.constant 16 : index
        %parallel_loop3A_216 = tpu.vector_load %arg7[%parallel_loop3A_214, %parallel_loop3A_215] {strides = array<i32>} : memref<200x64xf32, #tpu.memory_space<vmem>>, vector<16xf32>,
        %parallel_loop3A_217 = arith.addf %parallel_loop3A_213, %parallel_loop3A_216 : vector<16xf32>
        %parallel_loop3A_218 = arith.index_cast %parallel_loop3A_196 : i32 to index
        %parallel_loop3A_219 = arith.constant 16 : index
        %parallel_loop3A_220 = tpu.vector_load %arg15[%parallel_loop3A_218, %parallel_loop3A_219] {strides = array<i32>} : memref<200x64xf32, #tpu.memory_space<vmem>>, vector<16xf32>,
        tpu.vector_store %arg15[%parallel_loop3A_218, %parallel_loop3A_219], %parallel_loop3A_217 {strides = array<i32>} : memref<200x64xf32, #tpu.memory_space<vmem>>, vector<16xf32>,
        %parallel_loop3A_221 = arith.constant 32 : i32
        %parallel_loop3A_222 = arith.addi %parallel_loop3A_194, %parallel_loop3A_221 : i32
        %parallel_loop3A_223 = arith.index_cast %parallel_loop3A_196 : i32 to index
        %parallel_loop3A_224 = arith.index_cast %parallel_loop3A_222 : i32 to index
        %parallel_loop3A_225 = tpu.vector_load %arg13[%parallel_loop3A_223, %parallel_loop3A_224] {strides = array<i32>} : memref<200x128xf32, #tpu.memory_space<vmem>>, vector<16xf32>,
        %parallel_loop3A_226 = arith.index_cast %parallel_loop3A_196 : i32 to index
        %parallel_loop3A_227 = arith.constant 32 : index
        %parallel_loop3A_228 = tpu.vector_load %arg7[%parallel_loop3A_226, %parallel_loop3A_227] {strides = array<i32>} : memref<200x64xf32, #tpu.memory_space<vmem>>, vector<16xf32>,
        %parallel_loop3A_229 = arith.addf %parallel_loop3A_225, %parallel_loop3A_228 : vector<16xf32>
        %parallel_loop3A_230 = arith.index_cast %parallel_loop3A_196 : i32 to index
        %parallel_loop3A_231 = arith.constant 32 : index
        %parallel_loop3A_232 = tpu.vector_load %arg15[%parallel_loop3A_230, %parallel_loop3A_231] {strides = array<i32>} : memref<200x64xf32, #tpu.memory_space<vmem>>, vector<16xf32>,
        tpu.vector_store %arg15[%parallel_loop3A_230, %parallel_loop3A_231], %parallel_loop3A_229 {strides = array<i32>} : memref<200x64xf32, #tpu.memory_space<vmem>>, vector<16xf32>,
        %parallel_loop3A_233 = arith.constant 48 : i32
        %parallel_loop3A_234 = arith.addi %parallel_loop3A_194, %parallel_loop3A_233 : i32
        %parallel_loop3A_235 = arith.index_cast %parallel_loop3A_196 : i32 to index
        %parallel_loop3A_236 = arith.index_cast %parallel_loop3A_234 : i32 to index
        %parallel_loop3A_237 = tpu.vector_load %arg13[%parallel_loop3A_235, %parallel_loop3A_236] {strides = array<i32>} : memref<200x128xf32, #tpu.memory_space<vmem>>, vector<16xf32>,
        %parallel_loop3A_238 = arith.index_cast %parallel_loop3A_196 : i32 to index
        %parallel_loop3A_239 = arith.constant 48 : index
        %parallel_loop3A_240 = tpu.vector_load %arg7[%parallel_loop3A_238, %parallel_loop3A_239] {strides = array<i32>} : memref<200x64xf32, #tpu.memory_space<vmem>>, vector<16xf32>,
        %parallel_loop3A_241 = arith.addf %parallel_loop3A_237, %parallel_loop3A_240 : vector<16xf32>
        %parallel_loop3A_242 = arith.index_cast %parallel_loop3A_196 : i32 to index
        %parallel_loop3A_243 = arith.constant 48 : index
        %parallel_loop3A_244 = tpu.vector_load %arg15[%parallel_loop3A_242, %parallel_loop3A_243] {strides = array<i32>} : memref<200x64xf32, #tpu.memory_space<vmem>>, vector<16xf32>,
        tpu.vector_store %arg15[%parallel_loop3A_242, %parallel_loop3A_243], %parallel_loop3A_241 {strides = array<i32>} : memref<200x64xf32, #tpu.memory_space<vmem>>, vector<16xf32>,
        %parallel_loop3A_245 = vector.extract_strided_slice %parallel_loop3A_138 {offsets = [2], sizes = [1], strides = [1]} : vector<16xi32> to vector<1xi32>
        %parallel_loop3A_246 = vector.extract %parallel_loop3A_245[0] : i32 from vector<1xi32>
        %parallel_loop3A_247 = tpu.assume_multiple %parallel_loop3A_246, 64 : i32
        %parallel_loop3A_248 = arith.constant 2 : i32
        %parallel_loop3A_249 = arith.addi %parallel_loop3A_136, %parallel_loop3A_248 : i32
        %parallel_loop3A_250 = arith.constant 0 : i32
        %parallel_loop3A_251 = arith.addi %parallel_loop3A_247, %parallel_loop3A_250 : i32
        %parallel_loop3A_252 = arith.index_cast %parallel_loop3A_249 : i32 to index
        %parallel_loop3A_253 = arith.index_cast %parallel_loop3A_251 : i32 to index
        %parallel_loop3A_254 = tpu.vector_load %arg13[%parallel_loop3A_252, %parallel_loop3A_253] {strides = array<i32>} : memref<200x128xf32, #tpu.memory_space<vmem>>, vector<16xf32>,
        %parallel_loop3A_255 = arith.index_cast %parallel_loop3A_249 : i32 to index
        %parallel_loop3A_256 = arith.constant 0 : index
        %parallel_loop3A_257 = tpu.vector_load %arg7[%parallel_loop3A_255, %parallel_loop3A_256] {strides = array<i32>} : memref<200x64xf32, #tpu.memory_space<vmem>>, vector<16xf32>,
        %parallel_loop3A_258 = arith.addf %parallel_loop3A_254, %parallel_loop3A_257 : vector<16xf32>
        %parallel_loop3A_259 = arith.index_cast %parallel_loop3A_249 : i32 to index
        %parallel_loop3A_260 = arith.constant 0 : index
        %parallel_loop3A_261 = tpu.vector_load %arg15[%parallel_loop3A_259, %parallel_loop3A_260] {strides = array<i32>} : memref<200x64xf32, #tpu.memory_space<vmem>>, vector<16xf32>,
        tpu.vector_store %arg15[%parallel_loop3A_259, %parallel_loop3A_260], %parallel_loop3A_258 {strides = array<i32>} : memref<200x64xf32, #tpu.memory_space<vmem>>, vector<16xf32>,
        %parallel_loop3A_262 = arith.constant 16 : i32
        %parallel_loop3A_263 = arith.addi %parallel_loop3A_247, %parallel_loop3A_262 : i32
        %parallel_loop3A_264 = arith.index_cast %parallel_loop3A_249 : i32 to index
        %parallel_loop3A_265 = arith.index_cast %parallel_loop3A_263 : i32 to index
        %parallel_loop3A_266 = tpu.vector_load %arg13[%parallel_loop3A_264, %parallel_loop3A_265] {strides = array<i32>} : memref<200x128xf32, #tpu.memory_space<vmem>>, vector<16xf32>,
        %parallel_loop3A_267 = arith.index_cast %parallel_loop3A_249 : i32 to index
        %parallel_loop3A_268 = arith.constant 16 : index
        %parallel_loop3A_269 = tpu.vector_load %arg7[%parallel_loop3A_267, %parallel_loop3A_268] {strides = array<i32>} : memref<200x64xf32, #tpu.memory_space<vmem>>, vector<16xf32>,
        %parallel_loop3A_270 = arith.addf %parallel_loop3A_266, %parallel_loop3A_269 : vector<16xf32>
        %parallel_loop3A_271 = arith.index_cast %parallel_loop3A_249 : i32 to index
        %parallel_loop3A_272 = arith.constant 16 : index
        %parallel_loop3A_273 = tpu.vector_load %arg15[%parallel_loop3A_271, %parallel_loop3A_272] {strides = array<i32>} : memref<200x64xf32, #tpu.memory_space<vmem>>, vector<16xf32>,
        tpu.vector_store %arg15[%parallel_loop3A_271, %parallel_loop3A_272], %parallel_loop3A_270 {strides = array<i32>} : memref<200x64xf32, #tpu.memory_space<vmem>>, vector<16xf32>,
        %parallel_loop3A_274 = arith.constant 32 : i32
        %parallel_loop3A_275 = arith.addi %parallel_loop3A_247, %parallel_loop3A_274 : i32
        %parallel_loop3A_276 = arith.index_cast %parallel_loop3A_249 : i32 to index
        %parallel_loop3A_277 = arith.index_cast %parallel_loop3A_275 : i32 to index
        %parallel_loop3A_278 = tpu.vector_load %arg13[%parallel_loop3A_276, %parallel_loop3A_277] {strides = array<i32>} : memref<200x128xf32, #tpu.memory_space<vmem>>, vector<16xf32>,
        %parallel_loop3A_279 = arith.index_cast %parallel_loop3A_249 : i32 to index
        %parallel_loop3A_280 = arith.constant 32 : index
        %parallel_loop3A_281 = tpu.vector_load %arg7[%parallel_loop3A_279, %parallel_loop3A_280] {strides = array<i32>} : memref<200x64xf32, #tpu.memory_space<vmem>>, vector<16xf32>,
        %parallel_loop3A_282 = arith.addf %parallel_loop3A_278, %parallel_loop3A_281 : vector<16xf32>
        %parallel_loop3A_283 = arith.index_cast %parallel_loop3A_249 : i32 to index
        %parallel_loop3A_284 = arith.constant 32 : index
        %parallel_loop3A_285 = tpu.vector_load %arg15[%parallel_loop3A_283, %parallel_loop3A_284] {strides = array<i32>} : memref<200x64xf32, #tpu.memory_space<vmem>>, vector<16xf32>,
        tpu.vector_store %arg15[%parallel_loop3A_283, %parallel_loop3A_284], %parallel_loop3A_282 {strides = array<i32>} : memref<200x64xf32, #tpu.memory_space<vmem>>, vector<16xf32>,
        %parallel_loop3A_286 = arith.constant 48 : i32
        %parallel_loop3A_287 = arith.addi %parallel_loop3A_247, %parallel_loop3A_286 : i32
        %parallel_loop3A_288 = arith.index_cast %parallel_loop3A_249 : i32 to index
        %parallel_loop3A_289 = arith.index_cast %parallel_loop3A_287 : i32 to index
        %parallel_loop3A_290 = tpu.vector_load %arg13[%parallel_loop3A_288, %parallel_loop3A_289] {strides = array<i32>} : memref<200x128xf32, #tpu.memory_space<vmem>>, vector<16xf32>,
        %parallel_loop3A_291 = arith.index_cast %parallel_loop3A_249 : i32 to index
        %parallel_loop3A_292 = arith.constant 48 : index
        %parallel_loop3A_293 = tpu.vector_load %arg7[%parallel_loop3A_291, %parallel_loop3A_292] {strides = array<i32>} : memref<200x64xf32, #tpu.memory_space<vmem>>, vector<16xf32>,
        %parallel_loop3A_294 = arith.addf %parallel_loop3A_290, %parallel_loop3A_293 : vector<16xf32>
        %parallel_loop3A_295 = arith.index_cast %parallel_loop3A_249 : i32 to index
        %parallel_loop3A_296 = arith.constant 48 : index
        %parallel_loop3A_297 = tpu.vector_load %arg15[%parallel_loop3A_295, %parallel_loop3A_296] {strides = array<i32>} : memref<200x64xf32, #tpu.memory_space<vmem>>, vector<16xf32>,
        tpu.vector_store %arg15[%parallel_loop3A_295, %parallel_loop3A_296], %parallel_loop3A_294 {strides = array<i32>} : memref<200x64xf32, #tpu.memory_space<vmem>>, vector<16xf32>,
        %parallel_loop3A_298 = vector.extract_strided_slice %parallel_loop3A_138 {offsets = [3], sizes = [1], strides = [1]} : vector<16xi32> to vector<1xi32>
        %parallel_loop3A_299 = vector.extract %parallel_loop3A_298[0] : i32 from vector<1xi32>
        %parallel_loop3A_300 = tpu.assume_multiple %parallel_loop3A_299, 64 : i32
        %parallel_loop3A_301 = arith.constant 3 : i32
        %parallel_loop3A_302 = arith.addi %parallel_loop3A_136, %parallel_loop3A_301 : i32
        %parallel_loop3A_303 = arith.constant 0 : i32
        %parallel_loop3A_304 = arith.addi %parallel_loop3A_300, %parallel_loop3A_303 : i32
        %parallel_loop3A_305 = arith.index_cast %parallel_loop3A_302 : i32 to index
        %parallel_loop3A_306 = arith.index_cast %parallel_loop3A_304 : i32 to index
        %parallel_loop3A_307 = tpu.vector_load %arg13[%parallel_loop3A_305, %parallel_loop3A_306] {strides = array<i32>} : memref<200x128xf32, #tpu.memory_space<vmem>>, vector<16xf32>,
        %parallel_loop3A_308 = arith.index_cast %parallel_loop3A_302 : i32 to index
        %parallel_loop3A_309 = arith.constant 0 : index
        %parallel_loop3A_310 = tpu.vector_load %arg7[%parallel_loop3A_308, %parallel_loop3A_309] {strides = array<i32>} : memref<200x64xf32, #tpu.memory_space<vmem>>, vector<16xf32>,
        %parallel_loop3A_311 = arith.addf %parallel_loop3A_307, %parallel_loop3A_310 : vector<16xf32>
        %parallel_loop3A_312 = arith.index_cast %parallel_loop3A_302 : i32 to index
        %parallel_loop3A_313 = arith.constant 0 : index
        %parallel_loop3A_314 = tpu.vector_load %arg15[%parallel_loop3A_312, %parallel_loop3A_313] {strides = array<i32>} : memref<200x64xf32, #tpu.memory_space<vmem>>, vector<16xf32>,
        tpu.vector_store %arg15[%parallel_loop3A_312, %parallel_loop3A_313], %parallel_loop3A_311 {strides = array<i32>} : memref<200x64xf32, #tpu.memory_space<vmem>>, vector<16xf32>,
        %parallel_loop3A_315 = arith.constant 16 : i32
        %parallel_loop3A_316 = arith.addi %parallel_loop3A_300, %parallel_loop3A_315 : i32
        %parallel_loop3A_317 = arith.index_cast %parallel_loop3A_302 : i32 to index
        %parallel_loop3A_318 = arith.index_cast %parallel_loop3A_316 : i32 to index
        %parallel_loop3A_319 = tpu.vector_load %arg13[%parallel_loop3A_317, %parallel_loop3A_318] {strides = array<i32>} : memref<200x128xf32, #tpu.memory_space<vmem>>, vector<16xf32>,
        %parallel_loop3A_320 = arith.index_cast %parallel_loop3A_302 : i32 to index
        %parallel_loop3A_321 = arith.constant 16 : index
        %parallel_loop3A_322 = tpu.vector_load %arg7[%parallel_loop3A_320, %parallel_loop3A_321] {strides = array<i32>} : memref<200x64xf32, #tpu.memory_space<vmem>>, vector<16xf32>,
        %parallel_loop3A_323 = arith.addf %parallel_loop3A_319, %parallel_loop3A_322 : vector<16xf32>
        %parallel_loop3A_324 = arith.index_cast %parallel_loop3A_302 : i32 to index
        %parallel_loop3A_325 = arith.constant 16 : index
        %parallel_loop3A_326 = tpu.vector_load %arg15[%parallel_loop3A_324, %parallel_loop3A_325] {strides = array<i32>} : memref<200x64xf32, #tpu.memory_space<vmem>>, vector<16xf32>,
        tpu.vector_store %arg15[%parallel_loop3A_324, %parallel_loop3A_325], %parallel_loop3A_323 {strides = array<i32>} : memref<200x64xf32, #tpu.memory_space<vmem>>, vector<16xf32>,
        %parallel_loop3A_327 = arith.constant 32 : i32
        %parallel_loop3A_328 = arith.addi %parallel_loop3A_300, %parallel_loop3A_327 : i32
        %parallel_loop3A_329 = arith.index_cast %parallel_loop3A_302 : i32 to index
        %parallel_loop3A_330 = arith.index_cast %parallel_loop3A_328 : i32 to index
        %parallel_loop3A_331 = tpu.vector_load %arg13[%parallel_loop3A_329, %parallel_loop3A_330] {strides = array<i32>} : memref<200x128xf32, #tpu.memory_space<vmem>>, vector<16xf32>,
        %parallel_loop3A_332 = arith.index_cast %parallel_loop3A_302 : i32 to index
        %parallel_loop3A_333 = arith.constant 32 : index
        %parallel_loop3A_334 = tpu.vector_load %arg7[%parallel_loop3A_332, %parallel_loop3A_333] {strides = array<i32>} : memref<200x64xf32, #tpu.memory_space<vmem>>, vector<16xf32>,
        %parallel_loop3A_335 = arith.addf %parallel_loop3A_331, %parallel_loop3A_334 : vector<16xf32>
        %parallel_loop3A_336 = arith.index_cast %parallel_loop3A_302 : i32 to index
        %parallel_loop3A_337 = arith.constant 32 : index
        %parallel_loop3A_338 = tpu.vector_load %arg15[%parallel_loop3A_336, %parallel_loop3A_337] {strides = array<i32>} : memref<200x64xf32, #tpu.memory_space<vmem>>, vector<16xf32>,
        tpu.vector_store %arg15[%parallel_loop3A_336, %parallel_loop3A_337], %parallel_loop3A_335 {strides = array<i32>} : memref<200x64xf32, #tpu.memory_space<vmem>>, vector<16xf32>,
        %parallel_loop3A_339 = arith.constant 48 : i32
        %parallel_loop3A_340 = arith.addi %parallel_loop3A_300, %parallel_loop3A_339 : i32
        %parallel_loop3A_341 = arith.index_cast %parallel_loop3A_302 : i32 to index
        %parallel_loop3A_342 = arith.index_cast %parallel_loop3A_340 : i32 to index
        %parallel_loop3A_343 = tpu.vector_load %arg13[%parallel_loop3A_341, %parallel_loop3A_342] {strides = array<i32>} : memref<200x128xf32, #tpu.memory_space<vmem>>, vector<16xf32>,
        %parallel_loop3A_344 = arith.index_cast %parallel_loop3A_302 : i32 to index
        %parallel_loop3A_345 = arith.constant 48 : index
        %parallel_loop3A_346 = tpu.vector_load %arg7[%parallel_loop3A_344, %parallel_loop3A_345] {strides = array<i32>} : memref<200x64xf32, #tpu.memory_space<vmem>>, vector<16xf32>,
        %parallel_loop3A_347 = arith.addf %parallel_loop3A_343, %parallel_loop3A_346 : vector<16xf32>
        %parallel_loop3A_348 = arith.index_cast %parallel_loop3A_302 : i32 to index
        %parallel_loop3A_349 = arith.constant 48 : index
        %parallel_loop3A_350 = tpu.vector_load %arg15[%parallel_loop3A_348, %parallel_loop3A_349] {strides = array<i32>} : memref<200x64xf32, #tpu.memory_space<vmem>>, vector<16xf32>,
        tpu.vector_store %arg15[%parallel_loop3A_348, %parallel_loop3A_349], %parallel_loop3A_347 {strides = array<i32>} : memref<200x64xf32, #tpu.memory_space<vmem>>, vector<16xf32>,
        %parallel_loop3A_351 = vector.extract_strided_slice %parallel_loop3A_138 {offsets = [4], sizes = [1], strides = [1]} : vector<16xi32> to vector<1xi32>
        %parallel_loop3A_352 = vector.extract %parallel_loop3A_351[0] : i32 from vector<1xi32>
        %parallel_loop3A_353 = tpu.assume_multiple %parallel_loop3A_352, 64 : i32
        %parallel_loop3A_354 = arith.constant 4 : i32
        %parallel_loop3A_355 = arith.addi %parallel_loop3A_136, %parallel_loop3A_354 : i32
        %parallel_loop3A_356 = arith.constant 0 : i32
        %parallel_loop3A_357 = arith.addi %parallel_loop3A_353, %parallel_loop3A_356 : i32
        %parallel_loop3A_358 = arith.index_cast %parallel_loop3A_355 : i32 to index
        %parallel_loop3A_359 = arith.index_cast %parallel_loop3A_357 : i32 to index
        %parallel_loop3A_360 = tpu.vector_load %arg13[%parallel_loop3A_358, %parallel_loop3A_359] {strides = array<i32>} : memref<200x128xf32, #tpu.memory_space<vmem>>, vector<16xf32>,
        %parallel_loop3A_361 = arith.index_cast %parallel_loop3A_355 : i32 to index
        %parallel_loop3A_362 = arith.constant 0 : index
        %parallel_loop3A_363 = tpu.vector_load %arg7[%parallel_loop3A_361, %parallel_loop3A_362] {strides = array<i32>} : memref<200x64xf32, #tpu.memory_space<vmem>>, vector<16xf32>,
        %parallel_loop3A_364 = arith.addf %parallel_loop3A_360, %parallel_loop3A_363 : vector<16xf32>
        %parallel_loop3A_365 = arith.index_cast %parallel_loop3A_355 : i32 to index
        %parallel_loop3A_366 = arith.constant 0 : index
        %parallel_loop3A_367 = tpu.vector_load %arg15[%parallel_loop3A_365, %parallel_loop3A_366] {strides = array<i32>} : memref<200x64xf32, #tpu.memory_space<vmem>>, vector<16xf32>,
        tpu.vector_store %arg15[%parallel_loop3A_365, %parallel_loop3A_366], %parallel_loop3A_364 {strides = array<i32>} : memref<200x64xf32, #tpu.memory_space<vmem>>, vector<16xf32>,
        %parallel_loop3A_368 = arith.constant 16 : i32
        %parallel_loop3A_369 = arith.addi %parallel_loop3A_353, %parallel_loop3A_368 : i32
        %parallel_loop3A_370 = arith.index_cast %parallel_loop3A_355 : i32 to index
        %parallel_loop3A_371 = arith.index_cast %parallel_loop3A_369 : i32 to index
        %parallel_loop3A_372 = tpu.vector_load %arg13[%parallel_loop3A_370, %parallel_loop3A_371] {strides = array<i32>} : memref<200x128xf32, #tpu.memory_space<vmem>>, vector<16xf32>,
        %parallel_loop3A_373 = arith.index_cast %parallel_loop3A_355 : i32 to index
        %parallel_loop3A_374 = arith.constant 16 : index
        %parallel_loop3A_375 = tpu.vector_load %arg7[%parallel_loop3A_373, %parallel_loop3A_374] {strides = array<i32>} : memref<200x64xf32, #tpu.memory_space<vmem>>, vector<16xf32>,
        %parallel_loop3A_376 = arith.addf %parallel_loop3A_372, %parallel_loop3A_375 : vector<16xf32>
        %parallel_loop3A_377 = arith.index_cast %parallel_loop3A_355 : i32 to index
        %parallel_loop3A_378 = arith.constant 16 : index
        %parallel_loop3A_379 = tpu.vector_load %arg15[%parallel_loop3A_377, %parallel_loop3A_378] {strides = array<i32>} : memref<200x64xf32, #tpu.memory_space<vmem>>, vector<16xf32>,
        tpu.vector_store %arg15[%parallel_loop3A_377, %parallel_loop3A_378], %parallel_loop3A_376 {strides = array<i32>} : memref<200x64xf32, #tpu.memory_space<vmem>>, vector<16xf32>,
        %parallel_loop3A_380 = arith.constant 32 : i32
        %parallel_loop3A_381 = arith.addi %parallel_loop3A_353, %parallel_loop3A_380 : i32
        %parallel_loop3A_382 = arith.index_cast %parallel_loop3A_355 : i32 to index
        %parallel_loop3A_383 = arith.index_cast %parallel_loop3A_381 : i32 to index
        %parallel_loop3A_384 = tpu.vector_load %arg13[%parallel_loop3A_382, %parallel_loop3A_383] {strides = array<i32>} : memref<200x128xf32, #tpu.memory_space<vmem>>, vector<16xf32>,
        %parallel_loop3A_385 = arith.index_cast %parallel_loop3A_355 : i32 to index
        %parallel_loop3A_386 = arith.constant 32 : index
        %parallel_loop3A_387 = tpu.vector_load %arg7[%parallel_loop3A_385, %parallel_loop3A_386] {strides = array<i32>} : memref<200x64xf32, #tpu.memory_space<vmem>>, vector<16xf32>,
        %parallel_loop3A_388 = arith.addf %parallel_loop3A_384, %parallel_loop3A_387 : vector<16xf32>
        %parallel_loop3A_389 = arith.index_cast %parallel_loop3A_355 : i32 to index
        %parallel_loop3A_390 = arith.constant 32 : index
        %parallel_loop3A_391 = tpu.vector_load %arg15[%parallel_loop3A_389, %parallel_loop3A_390] {strides = array<i32>} : memref<200x64xf32, #tpu.memory_space<vmem>>, vector<16xf32>,
        tpu.vector_store %arg15[%parallel_loop3A_389, %parallel_loop3A_390], %parallel_loop3A_388 {strides = array<i32>} : memref<200x64xf32, #tpu.memory_space<vmem>>, vector<16xf32>,
        %parallel_loop3A_392 = arith.constant 48 : i32
        %parallel_loop3A_393 = arith.addi %parallel_loop3A_353, %parallel_loop3A_392 : i32
        %parallel_loop3A_394 = arith.index_cast %parallel_loop3A_355 : i32 to index
        %parallel_loop3A_395 = arith.index_cast %parallel_loop3A_393 : i32 to index
        %parallel_loop3A_396 = tpu.vector_load %arg13[%parallel_loop3A_394, %parallel_loop3A_395] {strides = array<i32>} : memref<200x128xf32, #tpu.memory_space<vmem>>, vector<16xf32>,
        %parallel_loop3A_397 = arith.index_cast %parallel_loop3A_355 : i32 to index
        %parallel_loop3A_398 = arith.constant 48 : index
        %parallel_loop3A_399 = tpu.vector_load %arg7[%parallel_loop3A_397, %parallel_loop3A_398] {strides = array<i32>} : memref<200x64xf32, #tpu.memory_space<vmem>>, vector<16xf32>,
        %parallel_loop3A_400 = arith.addf %parallel_loop3A_396, %parallel_loop3A_399 : vector<16xf32>
        %parallel_loop3A_401 = arith.index_cast %parallel_loop3A_355 : i32 to index
        %parallel_loop3A_402 = arith.constant 48 : index
        %parallel_loop3A_403 = tpu.vector_load %arg15[%parallel_loop3A_401, %parallel_loop3A_402] {strides = array<i32>} : memref<200x64xf32, #tpu.memory_space<vmem>>, vector<16xf32>,
        tpu.vector_store %arg15[%parallel_loop3A_401, %parallel_loop3A_402], %parallel_loop3A_400 {strides = array<i32>} : memref<200x64xf32, #tpu.memory_space<vmem>>, vector<16xf32>,
        %parallel_loop3A_404 = vector.extract_strided_slice %parallel_loop3A_138 {offsets = [5], sizes = [1], strides = [1]} : vector<16xi32> to vector<1xi32>
        %parallel_loop3A_405 = vector.extract %parallel_loop3A_404[0] : i32 from vector<1xi32>
        %parallel_loop3A_406 = tpu.assume_multiple %parallel_loop3A_405, 64 : i32
        %parallel_loop3A_407 = arith.constant 5 : i32
        %parallel_loop3A_408 = arith.addi %parallel_loop3A_136, %parallel_loop3A_407 : i32
        %parallel_loop3A_409 = arith.constant 0 : i32
        %parallel_loop3A_410 = arith.addi %parallel_loop3A_406, %parallel_loop3A_409 : i32
        %parallel_loop3A_411 = arith.index_cast %parallel_loop3A_408 : i32 to index
        %parallel_loop3A_412 = arith.index_cast %parallel_loop3A_410 : i32 to index
        %parallel_loop3A_413 = tpu.vector_load %arg13[%parallel_loop3A_411, %parallel_loop3A_412] {strides = array<i32>} : memref<200x128xf32, #tpu.memory_space<vmem>>, vector<16xf32>,
        %parallel_loop3A_414 = arith.index_cast %parallel_loop3A_408 : i32 to index
        %parallel_loop3A_415 = arith.constant 0 : index
        %parallel_loop3A_416 = tpu.vector_load %arg7[%parallel_loop3A_414, %parallel_loop3A_415] {strides = array<i32>} : memref<200x64xf32, #tpu.memory_space<vmem>>, vector<16xf32>,
        %parallel_loop3A_417 = arith.addf %parallel_loop3A_413, %parallel_loop3A_416 : vector<16xf32>
        %parallel_loop3A_418 = arith.index_cast %parallel_loop3A_408 : i32 to index
        %parallel_loop3A_419 = arith.constant 0 : index
        %parallel_loop3A_420 = tpu.vector_load %arg15[%parallel_loop3A_418, %parallel_loop3A_419] {strides = array<i32>} : memref<200x64xf32, #tpu.memory_space<vmem>>, vector<16xf32>,
        tpu.vector_store %arg15[%parallel_loop3A_418, %parallel_loop3A_419], %parallel_loop3A_417 {strides = array<i32>} : memref<200x64xf32, #tpu.memory_space<vmem>>, vector<16xf32>,
        %parallel_loop3A_421 = arith.constant 16 : i32
        %parallel_loop3A_422 = arith.addi %parallel_loop3A_406, %parallel_loop3A_421 : i32
        %parallel_loop3A_423 = arith.index_cast %parallel_loop3A_408 : i32 to index
        %parallel_loop3A_424 = arith.index_cast %parallel_loop3A_422 : i32 to index
        %parallel_loop3A_425 = tpu.vector_load %arg13[%parallel_loop3A_423, %parallel_loop3A_424] {strides = array<i32>} : memref<200x128xf32, #tpu.memory_space<vmem>>, vector<16xf32>,
        %parallel_loop3A_426 = arith.index_cast %parallel_loop3A_408 : i32 to index
        %parallel_loop3A_427 = arith.constant 16 : index
        %parallel_loop3A_428 = tpu.vector_load %arg7[%parallel_loop3A_426, %parallel_loop3A_427] {strides = array<i32>} : memref<200x64xf32, #tpu.memory_space<vmem>>, vector<16xf32>,
        %parallel_loop3A_429 = arith.addf %parallel_loop3A_425, %parallel_loop3A_428 : vector<16xf32>
        %parallel_loop3A_430 = arith.index_cast %parallel_loop3A_408 : i32 to index
        %parallel_loop3A_431 = arith.constant 16 : index
        %parallel_loop3A_432 = tpu.vector_load %arg15[%parallel_loop3A_430, %parallel_loop3A_431] {strides = array<i32>} : memref<200x64xf32, #tpu.memory_space<vmem>>, vector<16xf32>,
        tpu.vector_store %arg15[%parallel_loop3A_430, %parallel_loop3A_431], %parallel_loop3A_429 {strides = array<i32>} : memref<200x64xf32, #tpu.memory_space<vmem>>, vector<16xf32>,
        %parallel_loop3A_433 = arith.constant 32 : i32
        %parallel_loop3A_434 = arith.addi %parallel_loop3A_406, %parallel_loop3A_433 : i32
        %parallel_loop3A_435 = arith.index_cast %parallel_loop3A_408 : i32 to index
        %parallel_loop3A_436 = arith.index_cast %parallel_loop3A_434 : i32 to index
        %parallel_loop3A_437 = tpu.vector_load %arg13[%parallel_loop3A_435, %parallel_loop3A_436] {strides = array<i32>} : memref<200x128xf32, #tpu.memory_space<vmem>>, vector<16xf32>,
        %parallel_loop3A_438 = arith.index_cast %parallel_loop3A_408 : i32 to index
        %parallel_loop3A_439 = arith.constant 32 : index
        %parallel_loop3A_440 = tpu.vector_load %arg7[%parallel_loop3A_438, %parallel_loop3A_439] {strides = array<i32>} : memref<200x64xf32, #tpu.memory_space<vmem>>, vector<16xf32>,
        %parallel_loop3A_441 = arith.addf %parallel_loop3A_437, %parallel_loop3A_440 : vector<16xf32>
        %parallel_loop3A_442 = arith.index_cast %parallel_loop3A_408 : i32 to index
        %parallel_loop3A_443 = arith.constant 32 : index
        %parallel_loop3A_444 = tpu.vector_load %arg15[%parallel_loop3A_442, %parallel_loop3A_443] {strides = array<i32>} : memref<200x64xf32, #tpu.memory_space<vmem>>, vector<16xf32>,
        tpu.vector_store %arg15[%parallel_loop3A_442, %parallel_loop3A_443], %parallel_loop3A_441 {strides = array<i32>} : memref<200x64xf32, #tpu.memory_space<vmem>>, vector<16xf32>,
        %parallel_loop3A_445 = arith.constant 48 : i32
        %parallel_loop3A_446 = arith.addi %parallel_loop3A_406, %parallel_loop3A_445 : i32
        %parallel_loop3A_447 = arith.index_cast %parallel_loop3A_408 : i32 to index
        %parallel_loop3A_448 = arith.index_cast %parallel_loop3A_446 : i32 to index
        %parallel_loop3A_449 = tpu.vector_load %arg13[%parallel_loop3A_447, %parallel_loop3A_448] {strides = array<i32>} : memref<200x128xf32, #tpu.memory_space<vmem>>, vector<16xf32>,
        %parallel_loop3A_450 = arith.index_cast %parallel_loop3A_408 : i32 to index
        %parallel_loop3A_451 = arith.constant 48 : index
        %parallel_loop3A_452 = tpu.vector_load %arg7[%parallel_loop3A_450, %parallel_loop3A_451] {strides = array<i32>} : memref<200x64xf32, #tpu.memory_space<vmem>>, vector<16xf32>,
        %parallel_loop3A_453 = arith.addf %parallel_loop3A_449, %parallel_loop3A_452 : vector<16xf32>
        %parallel_loop3A_454 = arith.index_cast %parallel_loop3A_408 : i32 to index
        %parallel_loop3A_455 = arith.constant 48 : index
        %parallel_loop3A_456 = tpu.vector_load %arg15[%parallel_loop3A_454, %parallel_loop3A_455] {strides = array<i32>} : memref<200x64xf32, #tpu.memory_space<vmem>>, vector<16xf32>,
        tpu.vector_store %arg15[%parallel_loop3A_454, %parallel_loop3A_455], %parallel_loop3A_453 {strides = array<i32>} : memref<200x64xf32, #tpu.memory_space<vmem>>, vector<16xf32>,
        %parallel_loop3A_457 = vector.extract_strided_slice %parallel_loop3A_138 {offsets = [6], sizes = [1], strides = [1]} : vector<16xi32> to vector<1xi32>
        %parallel_loop3A_458 = vector.extract %parallel_loop3A_457[0] : i32 from vector<1xi32>
        %parallel_loop3A_459 = tpu.assume_multiple %parallel_loop3A_458, 64 : i32
        %parallel_loop3A_460 = arith.constant 6 : i32
        %parallel_loop3A_461 = arith.addi %parallel_loop3A_136, %parallel_loop3A_460 : i32
        %parallel_loop3A_462 = arith.constant 0 : i32
        %parallel_loop3A_463 = arith.addi %parallel_loop3A_459, %parallel_loop3A_462 : i32
        %parallel_loop3A_464 = arith.index_cast %parallel_loop3A_461 : i32 to index
        %parallel_loop3A_465 = arith.index_cast %parallel_loop3A_463 : i32 to index
        %parallel_loop3A_466 = tpu.vector_load %arg13[%parallel_loop3A_464, %parallel_loop3A_465] {strides = array<i32>} : memref<200x128xf32, #tpu.memory_space<vmem>>, vector<16xf32>,
        %parallel_loop3A_467 = arith.index_cast %parallel_loop3A_461 : i32 to index
        %parallel_loop3A_468 = arith.constant 0 : index
        %parallel_loop3A_469 = tpu.vector_load %arg7[%parallel_loop3A_467, %parallel_loop3A_468] {strides = array<i32>} : memref<200x64xf32, #tpu.memory_space<vmem>>, vector<16xf32>,
        %parallel_loop3A_470 = arith.addf %parallel_loop3A_466, %parallel_loop3A_469 : vector<16xf32>
        %parallel_loop3A_471 = arith.index_cast %parallel_loop3A_461 : i32 to index
        %parallel_loop3A_472 = arith.constant 0 : index
        %parallel_loop3A_473 = tpu.vector_load %arg15[%parallel_loop3A_471, %parallel_loop3A_472] {strides = array<i32>} : memref<200x64xf32, #tpu.memory_space<vmem>>, vector<16xf32>,
        tpu.vector_store %arg15[%parallel_loop3A_471, %parallel_loop3A_472], %parallel_loop3A_470 {strides = array<i32>} : memref<200x64xf32, #tpu.memory_space<vmem>>, vector<16xf32>,
        %parallel_loop3A_474 = arith.constant 16 : i32
        %parallel_loop3A_475 = arith.addi %parallel_loop3A_459, %parallel_loop3A_474 : i32
        %parallel_loop3A_476 = arith.index_cast %parallel_loop3A_461 : i32 to index
        %parallel_loop3A_477 = arith.index_cast %parallel_loop3A_475 : i32 to index
        %parallel_loop3A_478 = tpu.vector_load %arg13[%parallel_loop3A_476, %parallel_loop3A_477] {strides = array<i32>} : memref<200x128xf32, #tpu.memory_space<vmem>>, vector<16xf32>,
        %parallel_loop3A_479 = arith.index_cast %parallel_loop3A_461 : i32 to index
        %parallel_loop3A_480 = arith.constant 16 : index
        %parallel_loop3A_481 = tpu.vector_load %arg7[%parallel_loop3A_479, %parallel_loop3A_480] {strides = array<i32>} : memref<200x64xf32, #tpu.memory_space<vmem>>, vector<16xf32>,
        %parallel_loop3A_482 = arith.addf %parallel_loop3A_478, %parallel_loop3A_481 : vector<16xf32>
        %parallel_loop3A_483 = arith.index_cast %parallel_loop3A_461 : i32 to index
        %parallel_loop3A_484 = arith.constant 16 : index
        %parallel_loop3A_485 = tpu.vector_load %arg15[%parallel_loop3A_483, %parallel_loop3A_484] {strides = array<i32>} : memref<200x64xf32, #tpu.memory_space<vmem>>, vector<16xf32>,
        tpu.vector_store %arg15[%parallel_loop3A_483, %parallel_loop3A_484], %parallel_loop3A_482 {strides = array<i32>} : memref<200x64xf32, #tpu.memory_space<vmem>>, vector<16xf32>,
        %parallel_loop3A_486 = arith.constant 32 : i32
        %parallel_loop3A_487 = arith.addi %parallel_loop3A_459, %parallel_loop3A_486 : i32
        %parallel_loop3A_488 = arith.index_cast %parallel_loop3A_461 : i32 to index
        %parallel_loop3A_489 = arith.index_cast %parallel_loop3A_487 : i32 to index
        %parallel_loop3A_490 = tpu.vector_load %arg13[%parallel_loop3A_488, %parallel_loop3A_489] {strides = array<i32>} : memref<200x128xf32, #tpu.memory_space<vmem>>, vector<16xf32>,
        %parallel_loop3A_491 = arith.index_cast %parallel_loop3A_461 : i32 to index
        %parallel_loop3A_492 = arith.constant 32 : index
        %parallel_loop3A_493 = tpu.vector_load %arg7[%parallel_loop3A_491, %parallel_loop3A_492] {strides = array<i32>} : memref<200x64xf32, #tpu.memory_space<vmem>>, vector<16xf32>,
        %parallel_loop3A_494 = arith.addf %parallel_loop3A_490, %parallel_loop3A_493 : vector<16xf32>
        %parallel_loop3A_495 = arith.index_cast %parallel_loop3A_461 : i32 to index
        %parallel_loop3A_496 = arith.constant 32 : index
        %parallel_loop3A_497 = tpu.vector_load %arg15[%parallel_loop3A_495, %parallel_loop3A_496] {strides = array<i32>} : memref<200x64xf32, #tpu.memory_space<vmem>>, vector<16xf32>,
        tpu.vector_store %arg15[%parallel_loop3A_495, %parallel_loop3A_496], %parallel_loop3A_494 {strides = array<i32>} : memref<200x64xf32, #tpu.memory_space<vmem>>, vector<16xf32>,
        %parallel_loop3A_498 = arith.constant 48 : i32
        %parallel_loop3A_499 = arith.addi %parallel_loop3A_459, %parallel_loop3A_498 : i32
        %parallel_loop3A_500 = arith.index_cast %parallel_loop3A_461 : i32 to index
        %parallel_loop3A_501 = arith.index_cast %parallel_loop3A_499 : i32 to index
        %parallel_loop3A_502 = tpu.vector_load %arg13[%parallel_loop3A_500, %parallel_loop3A_501] {strides = array<i32>} : memref<200x128xf32, #tpu.memory_space<vmem>>, vector<16xf32>,
        %parallel_loop3A_503 = arith.index_cast %parallel_loop3A_461 : i32 to index
        %parallel_loop3A_504 = arith.constant 48 : index
        %parallel_loop3A_505 = tpu.vector_load %arg7[%parallel_loop3A_503, %parallel_loop3A_504] {strides = array<i32>} : memref<200x64xf32, #tpu.memory_space<vmem>>, vector<16xf32>,
        %parallel_loop3A_506 = arith.addf %parallel_loop3A_502, %parallel_loop3A_505 : vector<16xf32>
        %parallel_loop3A_507 = arith.index_cast %parallel_loop3A_461 : i32 to index
        %parallel_loop3A_508 = arith.constant 48 : index
        %parallel_loop3A_509 = tpu.vector_load %arg15[%parallel_loop3A_507, %parallel_loop3A_508] {strides = array<i32>} : memref<200x64xf32, #tpu.memory_space<vmem>>, vector<16xf32>,
        tpu.vector_store %arg15[%parallel_loop3A_507, %parallel_loop3A_508], %parallel_loop3A_506 {strides = array<i32>} : memref<200x64xf32, #tpu.memory_space<vmem>>, vector<16xf32>,
        %parallel_loop3A_510 = vector.extract_strided_slice %parallel_loop3A_138 {offsets = [7], sizes = [1], strides = [1]} : vector<16xi32> to vector<1xi32>
        %parallel_loop3A_511 = vector.extract %parallel_loop3A_510[0] : i32 from vector<1xi32>
        %parallel_loop3A_512 = tpu.assume_multiple %parallel_loop3A_511, 64 : i32
        %parallel_loop3A_513 = arith.constant 7 : i32
        %parallel_loop3A_514 = arith.addi %parallel_loop3A_136, %parallel_loop3A_513 : i32
        %parallel_loop3A_515 = arith.constant 0 : i32
        %parallel_loop3A_516 = arith.addi %parallel_loop3A_512, %parallel_loop3A_515 : i32
        %parallel_loop3A_517 = arith.index_cast %parallel_loop3A_514 : i32 to index
        %parallel_loop3A_518 = arith.index_cast %parallel_loop3A_516 : i32 to index
        %parallel_loop3A_519 = tpu.vector_load %arg13[%parallel_loop3A_517, %parallel_loop3A_518] {strides = array<i32>} : memref<200x128xf32, #tpu.memory_space<vmem>>, vector<16xf32>,
        %parallel_loop3A_520 = arith.index_cast %parallel_loop3A_514 : i32 to index
        %parallel_loop3A_521 = arith.constant 0 : index
        %parallel_loop3A_522 = tpu.vector_load %arg7[%parallel_loop3A_520, %parallel_loop3A_521] {strides = array<i32>} : memref<200x64xf32, #tpu.memory_space<vmem>>, vector<16xf32>,
        %parallel_loop3A_523 = arith.addf %parallel_loop3A_519, %parallel_loop3A_522 : vector<16xf32>
        %parallel_loop3A_524 = arith.index_cast %parallel_loop3A_514 : i32 to index
        %parallel_loop3A_525 = arith.constant 0 : index
        %parallel_loop3A_526 = tpu.vector_load %arg15[%parallel_loop3A_524, %parallel_loop3A_525] {strides = array<i32>} : memref<200x64xf32, #tpu.memory_space<vmem>>, vector<16xf32>,
        tpu.vector_store %arg15[%parallel_loop3A_524, %parallel_loop3A_525], %parallel_loop3A_523 {strides = array<i32>} : memref<200x64xf32, #tpu.memory_space<vmem>>, vector<16xf32>,
        %parallel_loop3A_527 = arith.constant 16 : i32
        %parallel_loop3A_528 = arith.addi %parallel_loop3A_512, %parallel_loop3A_527 : i32
        %parallel_loop3A_529 = arith.index_cast %parallel_loop3A_514 : i32 to index
        %parallel_loop3A_530 = arith.index_cast %parallel_loop3A_528 : i32 to index
        %parallel_loop3A_531 = tpu.vector_load %arg13[%parallel_loop3A_529, %parallel_loop3A_530] {strides = array<i32>} : memref<200x128xf32, #tpu.memory_space<vmem>>, vector<16xf32>,
        %parallel_loop3A_532 = arith.index_cast %parallel_loop3A_514 : i32 to index
        %parallel_loop3A_533 = arith.constant 16 : index
        %parallel_loop3A_534 = tpu.vector_load %arg7[%parallel_loop3A_532, %parallel_loop3A_533] {strides = array<i32>} : memref<200x64xf32, #tpu.memory_space<vmem>>, vector<16xf32>,
        %parallel_loop3A_535 = arith.addf %parallel_loop3A_531, %parallel_loop3A_534 : vector<16xf32>
        %parallel_loop3A_536 = arith.index_cast %parallel_loop3A_514 : i32 to index
        %parallel_loop3A_537 = arith.constant 16 : index
        %parallel_loop3A_538 = tpu.vector_load %arg15[%parallel_loop3A_536, %parallel_loop3A_537] {strides = array<i32>} : memref<200x64xf32, #tpu.memory_space<vmem>>, vector<16xf32>,
        tpu.vector_store %arg15[%parallel_loop3A_536, %parallel_loop3A_537], %parallel_loop3A_535 {strides = array<i32>} : memref<200x64xf32, #tpu.memory_space<vmem>>, vector<16xf32>,
        %parallel_loop3A_539 = arith.constant 32 : i32
        %parallel_loop3A_540 = arith.addi %parallel_loop3A_512, %parallel_loop3A_539 : i32
        %parallel_loop3A_541 = arith.index_cast %parallel_loop3A_514 : i32 to index
        %parallel_loop3A_542 = arith.index_cast %parallel_loop3A_540 : i32 to index
        %parallel_loop3A_543 = tpu.vector_load %arg13[%parallel_loop3A_541, %parallel_loop3A_542] {strides = array<i32>} : memref<200x128xf32, #tpu.memory_space<vmem>>, vector<16xf32>,
        %parallel_loop3A_544 = arith.index_cast %parallel_loop3A_514 : i32 to index
        %parallel_loop3A_545 = arith.constant 32 : index
        %parallel_loop3A_546 = tpu.vector_load %arg7[%parallel_loop3A_544, %parallel_loop3A_545] {strides = array<i32>} : memref<200x64xf32, #tpu.memory_space<vmem>>, vector<16xf32>,
        %parallel_loop3A_547 = arith.addf %parallel_loop3A_543, %parallel_loop3A_546 : vector<16xf32>
        %parallel_loop3A_548 = arith.index_cast %parallel_loop3A_514 : i32 to index
        %parallel_loop3A_549 = arith.constant 32 : index
        %parallel_loop3A_550 = tpu.vector_load %arg15[%parallel_loop3A_548, %parallel_loop3A_549] {strides = array<i32>} : memref<200x64xf32, #tpu.memory_space<vmem>>, vector<16xf32>,
        tpu.vector_store %arg15[%parallel_loop3A_548, %parallel_loop3A_549], %parallel_loop3A_547 {strides = array<i32>} : memref<200x64xf32, #tpu.memory_space<vmem>>, vector<16xf32>,
        %parallel_loop3A_551 = arith.constant 48 : i32
        %parallel_loop3A_552 = arith.addi %parallel_loop3A_512, %parallel_loop3A_551 : i32
        %parallel_loop3A_553 = arith.index_cast %parallel_loop3A_514 : i32 to index
        %parallel_loop3A_554 = arith.index_cast %parallel_loop3A_552 : i32 to index
        %parallel_loop3A_555 = tpu.vector_load %arg13[%parallel_loop3A_553, %parallel_loop3A_554] {strides = array<i32>} : memref<200x128xf32, #tpu.memory_space<vmem>>, vector<16xf32>,
        %parallel_loop3A_556 = arith.index_cast %parallel_loop3A_514 : i32 to index
        %parallel_loop3A_557 = arith.constant 48 : index
        %parallel_loop3A_558 = tpu.vector_load %arg7[%parallel_loop3A_556, %parallel_loop3A_557] {strides = array<i32>} : memref<200x64xf32, #tpu.memory_space<vmem>>, vector<16xf32>,
        %parallel_loop3A_559 = arith.addf %parallel_loop3A_555, %parallel_loop3A_558 : vector<16xf32>
        %parallel_loop3A_560 = arith.index_cast %parallel_loop3A_514 : i32 to index
        %parallel_loop3A_561 = arith.constant 48 : index
        %parallel_loop3A_562 = tpu.vector_load %arg15[%parallel_loop3A_560, %parallel_loop3A_561] {strides = array<i32>} : memref<200x64xf32, #tpu.memory_space<vmem>>, vector<16xf32>,
        tpu.vector_store %arg15[%parallel_loop3A_560, %parallel_loop3A_561], %parallel_loop3A_559 {strides = array<i32>} : memref<200x64xf32, #tpu.memory_space<vmem>>, vector<16xf32>,
      } {sc.loop_unroll_factor = 8 : i64, sc.parallel_access}
      %add3A_122 = arith.addi %mul3A_4, %add3A_103 : i32
      %dma_start3A_123 = arith.constant 0 : i32
      %dma_start3A_124 = arith.constant 0 : i32
      %dma_start3A_125 = tpu.memref_slice %arg6[%add3A_122, %dma_start3A_123, %dma_start3A_124] : memref<4096x200x64xf32, #tpu.memory_space<hbm>> -> memref<1x200x64xf32, #tpu.memory_space<hbm>>
      %dma_start3A_126 = tpu.memref_squeeze %dma_start3A_125 : memref<1x200x64xf32, #tpu.memory_space<hbm>> -> memref<200x64xf32, #tpu.memory_space<hbm>>
      %dma_start3A_127 = arith.constant 0 : i32
      %dma_start3A_128 = arith.constant 0 : i32
      %dma_start3A_129 = tpu.memref_slice %arg6[%add3A_122, %dma_start3A_127, %dma_start3A_128] : memref<4096x200x64xf32, #tpu.memory_space<hbm>> -> memref<1x200x64xf32, #tpu.memory_space<hbm>>
      %dma_start3A_130 = tpu.memref_squeeze %dma_start3A_129 : memref<1x200x64xf32, #tpu.memory_space<hbm>> -> memref<200x64xf32, #tpu.memory_space<hbm>>
      tpu.enqueue_dma source(%arg15 : memref<200x64xf32, #tpu.memory_space<vmem>>) target(%dma_start3A_130 : memref<200x64xf32, #tpu.memory_space<hbm>>) target_semaphore(%arg19 : memref<!tpu.dma_semaphore, #tpu.memory_space<semaphore_mem>>)
      %lt3A_131 = arith.constant 128 : i32
      %lt3A_132 = arith.cmpi slt, %add3A_113, %lt3A_131 : i32
      %convert_element_type3A_133 = arith.extui %lt3A_132 : i1 to i32
      %cond3A_134 = arith.constant 0 : i32
      %cond3A_135 = arith.cmpi ne, %convert_element_type3A_133, %cond3A_134 : i32
      scf.if %cond3A_135 {
        %mul3A_136 = arith.constant 200 : i32
        %mul3A_137 = arith.muli %add3A_113, %mul3A_136 : i32
        %add3A_138 = arith.addi %multiple_of3A, %mul3A_137 : i32
        %multiple_of3A_139 = tpu.assume_multiple %add3A_138, 200 : i32
        %dma_start3A_140 = arith.constant 0 : i32
        %dma_start3A_141 = tpu.memref_slice %arg11[%dma_start3A_140] : memref<216xi32, #tpu.memory_space<vmem>> -> memref<200xi32, #tpu.memory_space<vmem>>
        %dma_start3A_142 = tpu.memref_slice %arg3[%multiple_of3A_139] : memref<819200xi32, #tpu.memory_space<hbm>> -> memref<200xi32, #tpu.memory_space<hbm>>
        %dma_start3A_143 = arith.constant 0 : i32
        %dma_start3A_144 = tpu.memref_slice %arg11[%dma_start3A_143] : memref<216xi32, #tpu.memory_space<vmem>> -> memref<200xi32, #tpu.memory_space<vmem>>
        %dma_start3A_145 = tpu.memref_slice %arg3[%multiple_of3A_139] : memref<819200xi32, #tpu.memory_space<hbm>> -> memref<200xi32, #tpu.memory_space<hbm>>
        tpu.enqueue_dma source(%dma_start3A_145 : memref<200xi32, #tpu.memory_space<hbm>>) target(%dma_start3A_144 : memref<200xi32, #tpu.memory_space<vmem>>) target_semaphore(%arg21 : memref<!tpu.dma_semaphore, #tpu.memory_space<semaphore_mem>>)
        %dma_wait3A_146 = tpu.memref_slice %arg2[%multiple_of3A] : memref<819200xi32, #tpu.memory_space<hbm>> -> memref<200xi32, #tpu.memory_space<hbm>>
        %dma_wait3A_147 = tpu.memref_slice %arg2[%multiple_of3A] : memref<819200xi32, #tpu.memory_space<hbm>> -> memref<200xi32, #tpu.memory_space<hbm>>
        tpu.wait_dma2 semaphore(%arg21 : memref<!tpu.dma_semaphore, #tpu.memory_space<semaphore_mem>>) src(%dma_wait3A_147 : memref<200xi32, #tpu.memory_space<hbm>>) dst(%arg9 : memref<200xi32, #tpu.memory_space<vmem>>)
        %dma_wait3A_148 = arith.constant 0 : i32
        %dma_wait3A_149 = tpu.memref_slice %arg11[%dma_wait3A_148] : memref<216xi32, #tpu.memory_space<vmem>> -> memref<200xi32, #tpu.memory_space<vmem>>
        %dma_wait3A_150 = tpu.memref_slice %arg3[%multiple_of3A] : memref<819200xi32, #tpu.memory_space<hbm>> -> memref<200xi32, #tpu.memory_space<hbm>>
        %dma_wait3A_151 = arith.constant 0 : i32
        %dma_wait3A_152 = tpu.memref_slice %arg11[%dma_wait3A_151] : memref<216xi32, #tpu.memory_space<vmem>> -> memref<200xi32, #tpu.memory_space<vmem>>
        %dma_wait3A_153 = tpu.memref_slice %arg3[%multiple_of3A] : memref<819200xi32, #tpu.memory_space<hbm>> -> memref<200xi32, #tpu.memory_space<hbm>>
        tpu.wait_dma2 semaphore(%arg21 : memref<!tpu.dma_semaphore, #tpu.memory_space<semaphore_mem>>) src(%dma_wait3A_153 : memref<200xi32, #tpu.memory_space<hbm>>) dst(%dma_wait3A_152 : memref<200xi32, #tpu.memory_space<vmem>>)
        %dma_start3A_154 = arith.constant 0 : i32
        %dma_start3A_155 = arith.constant 0 : i32
        %dma_start3A_156 = tpu.memref_slice %arg4[%dma_start3A_154, %dma_start3A_155] : memref<500000x128xf32, #tpu.memory_space<hbm>> -> memref<500000x128xf32, #tpu.memory_space<hbm>>
        tpu.enqueue_indirect_dma source(%dma_start3A_156 : memref<500000x128xf32, #tpu.memory_space<hbm>>) target(%arg13 : memref<200x128xf32, #tpu.memory_space<vmem>>) offsets(%arg9 : memref<200xi32, #tpu.memory_space<vmem>>) semaphore(%arg17 : memref<!tpu.dma_semaphore, #tpu.memory_space<semaphore_mem>>)
      } else {
      }
    }
    %scan3A_51 = arith.constant 64 : i32
    %dma_wait3A_52 = arith.constant 0 : i32
    %dma_wait3A_53 = arith.constant 0 : i32
    %dma_wait3A_54 = tpu.memref_slice %arg6[%mul3A_4, %dma_wait3A_52, %dma_wait3A_53] : memref<4096x200x64xf32, #tpu.memory_space<hbm>> -> memref<1x200x64xf32, #tpu.memory_space<hbm>>
    %dma_wait3A_55 = tpu.memref_squeeze %dma_wait3A_54 : memref<1x200x64xf32, #tpu.memory_space<hbm>> -> memref<200x64xf32, #tpu.memory_space<hbm>>
    %dma_wait3A_56 = arith.constant 0 : i32
    %dma_wait3A_57 = arith.constant 0 : i32
    %dma_wait3A_58 = tpu.memref_slice %arg6[%mul3A_4, %dma_wait3A_56, %dma_wait3A_57] : memref<4096x200x64xf32, #tpu.memory_space<hbm>> -> memref<1x200x64xf32, #tpu.memory_space<hbm>>
    %dma_wait3A_59 = tpu.memref_squeeze %dma_wait3A_58 : memref<1x200x64xf32, #tpu.memory_space<hbm>> -> memref<200x64xf32, #tpu.memory_space<hbm>>
    tpu.wait_dma2 semaphore(%arg18 : memref<!tpu.dma_semaphore, #tpu.memory_space<semaphore_mem>>) src(%arg14 : memref<200x64xf32, #tpu.memory_space<vmem>>) dst(%dma_wait3A_59 : memref<200x64xf32, #tpu.memory_space<hbm>>)
    %dma_wait3A_60 = arith.constant 0 : i32
    %dma_wait3A_61 = arith.constant 0 : i32
    %dma_wait3A_62 = tpu.memref_slice %arg6[%mul3A_4, %dma_wait3A_60, %dma_wait3A_61] : memref<4096x200x64xf32, #tpu.memory_space<hbm>> -> memref<1x200x64xf32, #tpu.memory_space<hbm>>
    %dma_wait3A_63 = tpu.memref_squeeze %dma_wait3A_62 : memref<1x200x64xf32, #tpu.memory_space<hbm>> -> memref<200x64xf32, #tpu.memory_space<hbm>>
    %dma_wait3A_64 = arith.constant 0 : i32
    %dma_wait3A_65 = arith.constant 0 : i32
    %dma_wait3A_66 = tpu.memref_slice %arg6[%mul3A_4, %dma_wait3A_64, %dma_wait3A_65] : memref<4096x200x64xf32, #tpu.memory_space<hbm>> -> memref<1x200x64xf32, #tpu.memory_space<hbm>>
    %dma_wait3A_67 = tpu.memref_squeeze %dma_wait3A_66 : memref<1x200x64xf32, #tpu.memory_space<hbm>> -> memref<200x64xf32, #tpu.memory_space<hbm>>
    tpu.wait_dma2 semaphore(%arg19 : memref<!tpu.dma_semaphore, #tpu.memory_space<semaphore_mem>>) src(%arg15 : memref<200x64xf32, #tpu.memory_space<vmem>>) dst(%dma_wait3A_67 : memref<200x64xf32, #tpu.memory_space<hbm>>)
    return
  }
}

</mosaic_0001>

<sc_bundles>
// kernel: kernel.3.cloned.1.call-start
scs
__scs_entry_jumppad:
0x0: {  	(pc) =	sbr.rel $0x88, $3  }
0x1: {  	(tag) =	ssettag $0x0;
	lr =	simm.s32 $0x1  }
0x2: {  	[smem:$0x3F9E] =	sst lr;
	_ =	strace $0xD0000000  }
0x3: {  	_ = 	snop  }
0x4: {  	_ = 	snop  }
0x5: {  	_ = 	snop  }
0x6: {  	_ = 	snop  }
0x7: {  	_ = 	snop  }
__scs_overlays_trampoline_lowered:
0x8: {  	[smem:$0x3FAD] =	sst s0  }
0x9: {  	[smem:$0x3FAE] =	sst s1  }
0xa: {  	[smem:$0x3FAF] =	sst s2  }
0xb: {  	[smem:$0x3FB0] =	sst s3  }
0xc: {  	[smem:$0x3FB1] =	sst s4  }
0xd: {  	[smem:$0x3FB2] =	sst s5  }
0xe: {  	[smem:$0x3FB3] =	sst s6  }
0xf: {  	[smem:$0x3FB4] =	sst s7  }
0x10: {  	[smem:$0x3FB5] =	sst s8  }
0x11: {  	[smem:$0x3FB6] =	sst s9;
	s0 =	simm.s32 @!p0 $0x0  }
0x12: {  	s1 =	sld [smem:$0x3F9C];
	s0 =	simm.s32 @p0 $0x1  }
0x13: {  	[smem:$0x3FB7] =	sst s0;
	s0 =	simm.s32 @!p1 $0x0  }
0x14: {  	s2 =	sld [smem:$0x3F9B];
	s0 =	simm.s32 @p1 $0x1  }
0x15: {  	[smem:$0x3FB8] =	sst s0;
	s0 =	simm.s32 @!p2 $0x0  }
0x16: {  	s3 =	sld [smem:$0x3FDB];
	s0 =	simm.s32 @p2 $0x1  }
0x17: {  	s4 =	simm.s32 $0x1BF5;
	[smem:$0x3FBA] =	sst s0  }
0x18: {  	s0 =	sld [smem:$0x3F9D];
	_ =	swait.ge [sflag:s4], $0x0  }
0x19: {  	s7 =	sld [smem:$0x3F9E]  }
0x1a: {  	s8 =	sadd.s32 $0xFFFFE003, lr  }
0x1b: {  	s9 =	sadd.s32 $0xFFFFFEF7, lr;
	s5 =	simm.s32 $0xFFFFFFFF;
	p2 =	slt.u32 s8, $0xFFFFF086  }
0x1c: {  	p1 =	slt.u32 s9, $0xF7A;
	s5 =	simm.s32 @!p2 $0x0  }
0x1d: {  	s5 =	simm.s32 @p1 $0x1;
	p0 =	seq.s32 s7, s2  }
0x1e: {  	s7 =	smul.u32 @!p0 $0xF7A, s2;
	p2 =	seq.s32 @!p0 s5, $0x0  }
0x1f: {  	s9 =	smul.u32 $0xF7A, s1;
	s8 =	simm.s32 @!p0 $0x1BF5;
	p2 =	por !p2, p0  }
0x20: {  	[sflag:s8] =	ssyncset.s32 @!p0 $0xFFFFF086;
	s6 =	sadd.s32 @!p0 s3, s7;
	s7 =	simm.s32 @!p0 $0x108  }
0x21: {  	s3 =	sadd.s32 s3, s9;
	s6 =	sadd.s32 @!p0 $0x88, s6;
	s7 =	simm.s32 @p2 $0x1082  }
0x22: {  	[simem:s7], [sflag:s8] =	dma.local @!p0 [hbm:s6], $0xF7A  }
0x23: {  	s9 =	sor.u32 $0xD0000000, s2;
	s6 =	simm.s32 $0x108;
	_ =	swait.ge @!p0 [sflag:s8], $0x0  }
0x24: {  	s3 =	sadd.s32 $0x88, s3;
	s6 =	simm.s32 @!p1 $0x1082;
	[sflag:s4] =	ssyncset.s32 $0xFFFFF086  }
0x25: {  	[simem:s6], [sflag:s4] =	dma.local [hbm:s3], $0xF7A  }
0x26: {  	[smem:$0x3F9E] =	sst s1;
	(tag) =	ssettag s2;
	_ =	strace s9  }
0x27: {  	s1 =	sld [smem:$0x3FAE]  }
0x28: {  	s2 =	sld [smem:$0x3FAF]  }
0x29: {  	s4 =	sld [smem:$0x3FB1]  }
0x2a: {  	p0 =	seq.s32 s5, $0x0;
	s5 =	sld [smem:$0x3FB2]  }
0x2b: {  	s6 =	sld [smem:$0x3FB3]  }
0x2c: {  	s7 =	sld [smem:$0x3FB4]  }
0x2d: {  	s3 =	simm.s32 $0x108;
	s8 =	sld [smem:$0x3FB5]  }
0x2e: {  	s3 =	simm.s32 @!p0 $0x1082;
	s9 =	sld [smem:$0x3FB6]  }
0x2f: {  	lr =	sadd.s32 s0, s3;
	s0 =	sld [smem:$0x3FAD]  }
0x30: {  	s3 =	sld [smem:$0x3FB0]  }
0x31: {  	[smem:$0x3FB9] =	sst s10  }
0x32: {  	s10 =	sld [smem:$0x3FB7];
	_ =	sdelay $0x3  }
0x33: {  	p0 =	seq.s32 s10, $0x1;
	s10 =	sld [smem:$0x3FB9];
	_ =	sdelay $0x3  }
0x34: {  	[smem:$0x3FB9] =	sst s10  }
0x35: {  	s10 =	sld [smem:$0x3FB8];
	_ =	sdelay $0x3  }
0x36: {  	p1 =	seq.s32 s10, $0x1;
	s10 =	sld [smem:$0x3FB9];
	_ =	sdelay $0x3  }
0x37: {  	[smem:$0x3FB9] =	sst s10  }
0x38: {  	s10 =	sld [smem:$0x3FBA]  }
0x39: {  	_ = 	snop;
	(pc) =	sbr.ind lr, $3  }
0x3a: {  	_ = 	snop  }
0x3b: {  	_ = 	snop  }
0x3c: {  	p2 =	seq.s32 s10, $0x1;
	s10 =	sld [smem:$0x3FB9]  }
0x3d: {  	_ =	shalt  }
0x3e: {  	_ =	shalt  }
0x3f: {  	_ =	shalt  }
0x40: {  	_ =	shalt  }
0x41: {  	_ =	shalt  }
0x42: {  	_ =	shalt  }
0x43: {  	_ =	shalt  }
0x44: {  	_ =	shalt  }
0x45: {  	_ =	shalt  }
0x46: {  	_ =	shalt  }
0x47: {  	_ =	shalt  }
0x48: {  	_ =	shalt  }
0x49: {  	_ =	shalt  }
0x4a: {  	_ =	shalt  }
0x4b: {  	_ =	shalt  }
0x4c: {  	_ =	shalt  }
0x4d: {  	_ =	shalt  }
0x4e: {  	_ =	shalt  }
0x4f: {  	_ =	shalt  }
0x50: {  	_ =	shalt  }
0x51: {  	_ =	shalt  }
0x52: {  	_ =	shalt  }
0x53: {  	_ =	shalt  }
0x54: {  	_ =	shalt  }
0x55: {  	_ =	shalt  }
0x56: {  	_ =	shalt  }
0x57: {  	_ =	shalt  }
0x58: {  	_ =	shalt  }
0x59: {  	_ =	shalt  }
0x5a: {  	_ =	shalt  }
0x5b: {  	_ =	shalt  }
0x5c: {  	_ =	shalt  }
0x5d: {  	_ =	shalt  }
0x5e: {  	_ =	shalt  }
0x5f: {  	_ =	shalt  }
0x60: {  	_ =	shalt  }
0x61: {  	_ =	shalt  }
0x62: {  	_ =	shalt  }
0x63: {  	_ =	shalt  }
0x64: {  	_ =	shalt  }
0x65: {  	_ =	shalt  }
0x66: {  	_ =	shalt  }
0x67: {  	_ =	shalt  }
0x68: {  	_ =	shalt  }
0x69: {  	_ =	shalt  }
0x6a: {  	_ =	shalt  }
0x6b: {  	_ =	shalt  }
0x6c: {  	_ =	shalt  }
0x6d: {  	_ =	shalt  }
0x6e: {  	_ =	shalt  }
0x6f: {  	_ =	shalt  }
0x70: {  	_ =	shalt  }
0x71: {  	_ =	shalt  }
0x72: {  	_ =	shalt  }
0x73: {  	_ =	shalt  }
0x74: {  	_ =	shalt  }
0x75: {  	_ =	shalt  }
0x76: {  	_ =	shalt  }
0x77: {  	_ =	shalt  }
0x78: {  	_ =	shalt  }
0x79: {  	_ =	shalt  }
0x7a: {  	_ =	shalt  }
0x7b: {  	_ =	shalt  }
0x7c: {  	_ =	shalt  }
0x7d: {  	_ =	shalt  }
0x7e: {  	_ =	shalt  }
0x7f: {  	_ =	shalt  }
0x80: {  	_ =	shalt  }
0x81: {  	_ =	shalt  }
0x82: {  	_ =	shalt  }
0x83: {  	_ =	shalt  }
0x84: {  	_ =	shalt  }
0x85: {  	_ =	shalt  }
0x86: {  	_ =	shalt  }
0x87: {  	_ =	shalt  }
.Lfunc_end0:
.L_simem_size_0:
called_computation_lowered:
.L_overlay_start_0:
0x88: {  	s2 =	sld [smem:$0x3FD9]  }
0x89: {  	s3 =	sld [smem:$0x3FFE];
	_ =	sdelay $0x1  }
0x8a: {  	s1 =	srdreg.scid  }
0x8b: {  	s0 =	sand.u32 $0x1, s1  }
0x8c: {  	s17 =	sshll.u32 s0, $0xA;
	s2 =	sadd.s32 s3, s2  }
0x8d: {  	s2 =	sadd.s32 s2, s17  }
0x8e: {  	[smem:$0x3FC5] =	sst s2  }
0x8f: {  	_ = 	snop  }
0x90: {  	s2 =	sld [smem:$0x3FD0];
	(tm) =	ssettm $0x1  }
0x91: {  	s18 =	sld [smem:$0x3FFB];
	_ =	sdelay $0x3  }
0x92: {  	_ =	strace s18  }
0x93: {  	s3 =	sld [smem:$0x3FFC];
	_ =	sdelay $0x3  }
0x94: {  	_ =	strace s3  }
0x95: {  	s3 =	sld [smem:$0x3FFD];
	_ =	sdelay $0x3  }
0x96: {  	_ =	strace s3  }
0x97: {  	_ =	strace $0x8FFFFFFF  }
0x98: {  	s19 =	sld [smem:$0x3FDB];
	_ =	sdelay $0x1  }
0x99: {  	s4 =	simm.s32 $_scs_section_size  }
0x9a: {  	s5 =	simm.s32 $_size__tile_overlayer_lowered;
	s6 =	simm.s32 $_tile_overlayer_lowered  }
0x9b: {  	s22 =	simm.s32 $0x1BFF;
	s21 =	sshll.u32 s6, $0x1;
	s3 =	sadd.s32 s4, s19  }
0x9c: {  	s7 =	simm.s32 $0x0;
	s20 =	sshll.u32 s5, $0x1;
	s5 =	sadd.s32 s21, s3  }
0x9d: {  	[timem:s7], [sflag:s22] =	dma.local [hbm:s5], s20  }
0x9e: {  	_ =	swait.ge [sflag:s22], s20  }
0x9f: {  	s4 =	ssub.s32 $0x0, s20;
	[sflag:s22] =	ssyncset.done $0x0  }
0xa0: {  	[sflag:s22] =	ssyncadd.s32 s4;
	_ =	sdelay $0x1  }
0xa1: {  	s23 =	simm.s32 $0x1B8B  }
0xa2: {  	_ =	swait.ge [sflag:s23], $0x1  }
0xa3: {  	[sflag:s23] =	ssyncset.done $0x0  }
0xa4: {  	s25 =	simm.s32 $0x1B8E;
	s24 =	sld [smem:$0x3FFE];
	[sflag:s23] =	ssyncadd.s32 $0xFFFFFFFF  }
0xa5: {  	s26 =	simm.s32 $execute0_lowered;
	[smem:$0x3FD2] =	sst s25  }
0xa6: {  	s5 =	sshll.u32 s26, $0x1;
	_ =	strace $0x80000046;
	[dreg:$0x1] =	wrdreg $0xFFFFFFFF  }
0xa7: {  	s28 =	simm.s32 $_size_execute0_lowered;
	s3 =	sadd.s32 s3, s5;
	[dreg:$0x0] =	wrdreg $0x0  }
0xa8: {  	s5 =	sshll.u32 s28, $0x1;
	[dreg:$0x2] =	wrdreg s3  }
0xa9: {  	[dreg:$0x3] =	wrdreg s5  }
0xaa: {  	[dreg:$0x4] =	wrdreg $0xC0  }
0xab: {  	_ =	task [dreg:s7], $0x5FFFF  }
0xac: {  	[dreg:$0x1] =	wrdreg $0xFFFFFFFF  }
0xad: {  	[dreg:$0x0] =	wrdreg $0x60  }
0xae: {  	[dreg:$0x2] =	wrdreg s2  }
0xaf: {  	[dreg:$0x3] =	wrdreg s24  }
0xb0: {  	[dreg:$0x4] =	wrdreg $0x9  }
0xb1: {  	_ =	task.clear_ibuf [dreg:s7], $0x5FFFF;
	_ =	strace $0x90000046  }
0xb2: {  	s29 =	simm.s32 $0x9;
	_ =	strace $0x80000048  }
0xb3: {  	_ =	swait.ge [sflag:s29], $0x1  }
0xb4: {  	[sflag:s29] =	ssyncadd.s32 $0xFFFFFFFF  }
0xb5: {  	_ =	strace $0x90000048  }
0xb6: {  	_ =	sfence  }
0xb7: {  	s30 =	sld [smem:$0x0];
	_ =	sdelay $0x2  }
0xb8: {  	s31 =	sshll.u32 s1, $0xD;
	s1 =	sshrl.u32 s1, $0x2  }
0xb9: {  	s3 =	sand.u32 $0x4000, s31;
	s1 =	sadd.s32 s1, s30  }
0xba: {  	s0 =	sor.u32 s3, s0;
	s1 =	sshll.u32 s1, $0x11  }
0xbb: {  	s0 =	sor.u32 s1, s0  }
0xbc: {  	s0 =	sadd.s32 $0x8F2B, s0  }
0xbd: {  	[sflag:s0] =	ssyncadd.remote.s32 $0x1  }
0xbe: {  	_ =	sfence.sel $0xFFFF  }
0xbf: {  	[dreg:$0x0] =	wrdreg $0xFFFFFFFF;
	(pc) =	sbr.abs _section_cstart, $3  }
0xc0: {  	[dreg:$0x1] =	wrdreg $0xFFFFFFFF  }
0xc1: {  	_ =	task.clear_ibuf [dreg:s7], $0x2FFFF;
	_ =	strace $0x9FFFFFFF  }
0xc2: {  	(tm) =	ssettm $0x7FFFFFFF  }
0xc3: {  	_ =	shalt  }
tec
execute0_lowered:
.L_overlay_start_1:
0x0: {  	(tag) =	ssettag $0x1  }
0x1: {  	s4 =	rddreg [dreg:$0x0]  }
0x2: {  	s0 =	rddreg [dreg:$0x1];
	s5 =	simm.s32 $0x0;
	s1 =	srdreg.scid  }
0x3: {  	s2 =	stileid.u32;
	[smem:$0x7FF] =	sst s5;
	s3 =	sadd.s32 $0xF5BC00, s0  }
0x4: {  	s23 =	sadd.s32 $0x19800, s0;
	_ =	strace $0x80000047;
	[dreg:$0x5] =	wrdreg s3  }
0x5: {  	s6 =	sadd.s32 $0x800, s0;
	s0 =	sadd.s32 $0x1A600, s0;
	[dreg:$0x6] =	wrdreg s23  }
0x6: {  	s1 =	sand.u32 $0x1, s1;
	s2 =	sshll.u32 s2, $0x1;
	[dreg:$0x7] =	wrdreg s0  }
0x7: {  	s2 =	sor.u32 s1, s2;
	s1 =	ssub.s32 $0x2, s1;
	[dreg:$0x3] =	wrdreg s6  }
0x8: {  	s7 =	smul.u32 $0x6400, s2;
	s24 =	sshrl.u32 s1, $0x1;
	s2 =	sshll.u32 s2, $0x7  }
0x9: {  	s25 =	ssub.s32 s1, s24;
	[dreg:$0x8] =	wrdreg s2  }
0xa: {  	s26 =	sshrl.u32 s7, $0x3;
	s0 =	smax.u32 s25, $0x1;
	[dreg:$0x4] =	wrdreg s7  }
.Ltmp0:
0xb: {  	s28 =	sadd.s32 s4, s26;
	[dreg:$0xd] =	wrdreg s0;
	(pc) =	sbr.rel .LBB2_1-.Ltmp0, $4  }
0xc: {  	s29 =	sor.u32 $0x19, s26;
	s1 =	sadd.s32 s6, s26;
	[dreg:$0x9] =	wrdreg s28  }
0xd: {  	[dreg:$0xa] =	wrdreg s1;
	s30 =	sadd.s32 s4, s29  }
0xe: {  	s31 =	sadd.s32 s6, s29;
	[dreg:$0xb] =	wrdreg s30  }
0xf: {  	s2 =	simm.s32 $0x0;
	[dreg:$0xc] =	wrdreg s31  }
.LBB2_11:
0x10: {  	s0 =	simm.s32 $0x3  }
0x11: {  	_ =	swait.ge [sflag:s0], $0x6400  }
0x12: {  	[sflag:s0] =	ssyncset.done $0x0  }
0x13: {  	s1 =	simm.s32 $0x4;
	[sflag:s0] =	ssyncadd.s32 $0xFFFF9C00  }
0x14: {  	_ =	swait.ge [sflag:s1], $0x6400  }
0x15: {  	s2 =	rddreg [dreg:$0xe]  }
0x16: {  	s31 =	rddreg [dreg:$0xd];
	s2 =	sadd.s32 $0x1, s2  }
0x17: {  	p0 =	sne.s32 s2, s31  }
.Ltmp1:
0x18: {  	_ = 	snop;
	(pc) =	sbr.rel @!p0 .LBB2_12-.Ltmp1, $3  }
0x19: {  	_ =	sdelay $0x1  }
0x1a: {  	[sflag:s1] =	ssyncset.done $0x0  }
0x1b: {  	s7 =	rddreg [dreg:$0x4];
	[sflag:s1] =	ssyncadd.s32 $0xFFFF9C00  }
.LBB2_1:
0x1c: {  	[dreg:$0xe] =	wrdreg s2  }
0x1d: {  	s0 =	rddreg [dreg:$0x6];
	s19 =	simm.s32 $0x7  }
0x1e: {  	[tilespmem:s5], [sflag:$0x7] =	stream.linear.gather [hbm4b:s0+s5], $0x6400, $0x38;
	[tilespmem:$0x1F800] =	vst v63  }
0x1f: {  	_ =	swait.ge [sflag:s19], $0x6400  }
0x20: {  	[sflag:s19] =	ssyncset.done $0x0  }
0x21: {  	s1 =	simm.s32 $0x6400;
	s20 =	rddreg [dreg:$0x9];
	[sflag:s19] =	ssyncadd.s32 $0xFFFF9C00  }
0x22: {  	[tilespmem:s1], [sflag:$0x5] =	stream.linear.gather [hbm4b:s20+s5], $0xC8, $0x38;
	[tilespmem:$0x1F800] =	vst v63  }
0x23: {  	s22 =	simm.s32 $0x6600;
	s21 =	rddreg [dreg:$0xa]  }
0x24: {  	[tilespmem:s22], [sflag:$0x5] =	stream.linear.gather [hbm4b:s21+s5], $0xC8, $0x38;
	[tilespmem:$0x1F800] =	vst v63  }
0x25: {  	s24 =	simm.s32 $0x6500;
	s23 =	rddreg [dreg:$0xb]  }
0x26: {  	[tilespmem:s24], [sflag:$0x6] =	stream.linear.gather [hbm4b:s23+s5], $0xC8, $0x38;
	[tilespmem:$0x1F800] =	vst v63  }
0x27: {  	s3 =	simm.s32 $0x6700;
	s26 =	simm.s32 $0x5;
	s25 =	rddreg [dreg:$0xc]  }
0x28: {  	[tilespmem:s3], [sflag:$0x6] =	stream.linear.gather [hbm4b:s25+s5], $0xC8, $0x38;
	[tilespmem:$0x1F800] =	vst v63  }
0x29: {  	_ =	swait.ge [sflag:s26], $0xC8  }
0x2a: {  	[sflag:s26] =	ssyncset.done $0x0  }
0x2b: {  	[sflag:s26] =	ssyncadd.s32 $0xFFFFFF38  }
0x2c: {  	_ =	swait.ge [sflag:s26], $0xC8  }
0x2d: {  	s29 =	simm.s32 $0xC8;
	s4 =	simm.s32 $0x6800;
	[sflag:s26] =	ssyncset.done $0x0  }
0x2e: {  	s30 =	simm.s32 $0x6;
	s28 =	rddreg [dreg:$0x5];
	[sflag:s26] =	ssyncadd.s32 $0xFFFFFF38  }
0x2f: {  	[tilespmem:s4], [sflag:$0x1] =	stream.indirect.gather [hbm4b:s28+s29], $0x80, s1, s29, $0xb8;
	[tilespmem:$0x1F800] =	vst v63  }
0x30: {  	_ =	swait.ge [sflag:s30], $0xC8  }
0x31: {  	[sflag:s30] =	ssyncset.done $0x0  }
0x32: {  	[sflag:s30] =	ssyncadd.s32 $0xFFFFFF38  }
0x33: {  	_ =	swait.ge [sflag:s30], $0xC8  }
0x34: {  	[sflag:s30] =	ssyncset.done $0x0  }
0x35: {  	s31 =	simm.s32 $0xCC00;
	s2 =	simm.s32 $0x0;
	[sflag:s30] =	ssyncadd.s32 $0xFFFFFF38  }
0x36: {  	[tilespmem:s31], [sflag:$0x2] =	stream.indirect.gather [hbm4b:s28+s29], $0x80, s24, s29, $0xb8;
	[tilespmem:$0x1F800] =	vst v63  }
.LBB2_2:
0x37: {  	p1 =	seq.s32 s2, $0x0  }
0x38: {  	s0 =	simm.s32 @!p1 $0x3  }
0x39: {  	s1 =	sshll.u32 s2, $0x1;
	p0 =	seq.s32 s2, $0x3F;
	_ =	swait.ge @!p1 [sflag:s0], $0x6400  }
0x3a: {  	s31 =	simm.s32 $0x1;
	[dreg:$0x10] =	wrdreg s1;
	[sflag:s0] =	ssyncset.done @!p1 $0x0  }
0x3b: {  	s1 =	sadd.s32 $0x2, s1;
	[dreg:$0xf] =	wrdreg s2;
	[sflag:s0] =	ssyncadd.s32 @!p1 $0xFFFF9C00  }
0x3c: {  	s0 =	smul.u32 @!p0 $0xC8, s1;
	_ =	swait.ge [sflag:s31], $0x6400  }
0x3d: {  	[sflag:s31] =	ssyncset.done $0x0  }
0x3e: {  	s30 =	simm.s32 $0x0;
	s0 =	sadd.s32 @!p0 s7, s0;
	[sflag:s31] =	ssyncadd.s32 $0xFFFF9C00  }
0x3f: {  	s2 =	simm.s32 @!p0 $0x6400;
	s1 =	sshrl.u32 @!p0 s0, $0x3;
	s0 =	rddreg [dreg:$0x0]  }
0x40: {  	[dreg:$0x13] =	wrdreg s1;
	s0 =	sadd.s32 @!p0 s0, s1;
	s1 =	simm.s32 @!p0 $0x0  }
0x41: {  	[tilespmem:s2], [sflag:$0x5] =	stream.linear.gather @!p0 [hbm4b:s0+s1], $0xC8, $0x38;
	[tilespmem:$0x1F800] =	vst v63  }
.LBB2_3:
0x42: {  	v0 =	vld [tilespmem:s30+$0x6600];
	_ =	sdelay $0x4  }
0x43: {  	(v2sf) =	vpush v0, $0x0  }
0x44: {  	(v2sf) =	vpush v0, $0x1  }
0x45: {  	(v2sf) =	vpush v0, $0x2  }
0x46: {  	v2 =	vld [tilespmem:s30+$0x6608];
	(v2sf) =	vpush v0, $0x3  }
0x47: {  	(v2sf) =	vpush v0, $0x4  }
0x48: {  	(v2sf) =	vpush v0, $0x5  }
0x49: {  	(v2sf) =	vpush v0, $0x6  }
0x4a: {  	(v2sf) =	vpush v0, $0x7  }
0x4b: {  	(v2sf) =	vpush v2, $0x0  }
0x4c: {  	(v2sf) =	vpush v2, $0x1  }
0x4d: {  	(v2sf) =	vpush v2, $0x2  }
0x4e: {  	v1 =	vld [tilespmem:s30+$0x6610];
	(v2sf) =	vpush v2, $0x3  }
0x4f: {  	(v2sf) =	vpush v2, $0x4  }
0x50: {  	(v2sf) =	vpush v2, $0x5  }
0x51: {  	(v2sf) =	vpush v2, $0x6  }
0x52: {  	s2 =	spop (v2sf);
	(v2sf) =	vpush v2, $0x7  }
0x53: {  	s5 =	spop (v2sf);
	(v2sf) =	vpush v1, $0x0  }
0x54: {  	s4 =	spop (v2sf)  }
0x55: {  	s15 =	spop (v2sf)  }
0x56: {  	s1 =	spop (v2sf)  }
0x57: {  	s13 =	spop (v2sf)  }
0x58: {  	s0 =	spop (v2sf)  }
0x59: {  	s10 =	spop (v2sf)  }
0x5a: {  	s7 =	sshll.u32 s30, $0x7;
	s9 =	sand.u32 $0xFFFFFF80, s2;
	s8 =	spop (v2sf)  }
0x5b: {  	s2 =	sand.u32 $0x40, s2;
	s9 =	sadd.s32 s9, s7;
	s6 =	spop (v2sf)  }
0x5c: {  	v46 =	vld [tilespmem:s7+$0x0];
	s2 =	sor.u32 s2, s9;
	s3 =	spop (v2sf)  }
0x5d: {  	v45 =	vld [tilespmem:s2+$0x6800];
	s19 =	spop (v2sf)  }
0x5e: {  	s18 =	spop (v2sf)  }
0x5f: {  	s20 =	sor.u32 $0x400, s7;
	s16 =	sand.u32 $0xFFFFFF80, s8;
	s14 =	spop (v2sf)  }
0x60: {  	s8 =	sand.u32 $0x40, s8;
	s9 =	sadd.s32 s16, s20;
	s12 =	spop (v2sf)  }
0x61: {  	v4 =	vld [tilespmem:s20+$0x0];
	s8 =	sor.u32 s8, s9;
	s11 =	spop (v2sf)  }
0x62: {  	v0 =	vadd.f32 v46, v45;
	v3 =	vld [tilespmem:s8+$0x6800];
	s21 =	spop (v2sf)  }
0x63: {  	s22 =	sor.u32 $0x800, s7;
	v48 =	vld [tilespmem:s7+$0x10];
	s17 =	sand.u32 $0xFFFFFF80, s21  }
0x64: {  	v47 =	vld [tilespmem:s22+$0x0];
	[tilespmem:s7+$0x13000] =	vst v0;
	s21 =	sand.u32 $0x40, s21;
	s9 =	sadd.s32 s17, s22  }
0x65: {  	v0 =	vld [tilespmem:s2+$0x6810];
	s9 =	sor.u32 s21, s9  }
0x66: {  	v5 =	vld [tilespmem:s9+$0x6800]  }
0x67: {  	v3 =	vadd.f32 v4, v3;
	_ =	sdelay $0x1  }
0x68: {  	[tilespmem:s7+$0x13400] =	vst v3  }
0x69: {  	v0 =	vadd.f32 v48, v0;
	s22 =	sor.u32 $0x410, s7;
	v3 =	vld [tilespmem:s8+$0x6810]  }
0x6a: {  	v49 =	vld [tilespmem:s22+$0x0];
	v2 =	vadd.f32 v47, v5  }
0x6b: {  	v51 =	vld [tilespmem:s7+$0x20];
	[tilespmem:s7+$0x13010] =	vst v0  }
0x6c: {  	v0 =	vld [tilespmem:s2+$0x6820];
	[tilespmem:s7+$0x13800] =	vst v2  }
0x6d: {  	s23 =	sor.u32 $0x810, s7;
	v2 =	vld [tilespmem:s9+$0x6810]  }
0x6e: {  	v50 =	vld [tilespmem:s23+$0x0]  }
0x6f: {  	v3 =	vadd.f32 v49, v3;
	_ =	sdelay $0x1  }
0x70: {  	[tilespmem:s7+$0x13410] =	vst v3  }
0x71: {  	s24 =	sor.u32 $0x420, s7;
	v0 =	vadd.f32 v51, v0;
	v3 =	vld [tilespmem:s8+$0x6820]  }
0x72: {  	v52 =	vld [tilespmem:s24+$0x0];
	v2 =	vadd.f32 v50, v2  }
0x73: {  	v54 =	vld [tilespmem:s7+$0x30];
	[tilespmem:s7+$0x13020] =	vst v0  }
0x74: {  	(v2sf) =	vpush v1, $0x1;
	v0 =	vld [tilespmem:s2+$0x6830];
	[tilespmem:s7+$0x13810] =	vst v2  }
0x75: {  	s25 =	sor.u32 $0x820, s7;
	v2 =	vld [tilespmem:s9+$0x6820]  }
0x76: {  	v53 =	vld [tilespmem:s25+$0x0]  }
0x77: {  	v3 =	vadd.f32 v52, v3;
	_ =	sdelay $0x1  }
0x78: {  	s31 =	sor.u32 $0x80, s7;
	s29 =	sand.u32 $0xFFFFFF80, s5;
	v0 =	vadd.f32 v54, v0;
	[tilespmem:s7+$0x13420] =	vst v3  }
0x79: {  	s26 =	sor.u32 $0x430, s7;
	s16 =	sand.u32 $0x40, s5;
	s17 =	sadd.s32 s29, s31;
	v3 =	vld [tilespmem:s8+$0x6830]  }
0x7a: {  	s2 =	sor.u32 s16, s17;
	[tilespmem:s7+$0x13030] =	vst v0;
	v55 =	vld [tilespmem:s26+$0x0];
	v2 =	vadd.f32 v53, v2  }
0x7b: {  	v0 =	vld [tilespmem:s2+$0x6800]  }
0x7c: {  	v57 =	vld [tilespmem:s31+$0x0];
	[tilespmem:s7+$0x13820] =	vst v2  }
0x7d: {  	s28 =	sor.u32 $0x830, s7;
	v2 =	vld [tilespmem:s9+$0x6830]  }
0x7e: {  	v56 =	vld [tilespmem:s28+$0x0]  }
0x7f: {  	s20 =	sand.u32 $0xFFFFFF80, s6;
	s21 =	sor.u32 $0x480, s7;
	v3 =	vadd.f32 v55, v3  }
0x80: {  	s6 =	sand.u32 $0x40, s6;
	s5 =	sadd.s32 s20, s21  }
0x81: {  	s5 =	sor.u32 s6, s5;
	v0 =	vadd.f32 v57, v0;
	[tilespmem:s7+$0x13430] =	vst v3  }
0x82: {  	s22 =	spop (v2sf);
	v3 =	vld [tilespmem:s5+$0x6800]  }
0x83: {  	s23 =	sand.u32 $0xFFFFFF80, s22;
	s24 =	sor.u32 $0x880, s7;
	[tilespmem:s7+$0x13080] =	vst v0;
	v58 =	vld [tilespmem:s21+$0x0];
	v2 =	vadd.f32 v56, v2  }
0x84: {  	s6 =	sadd.s32 s23, s24;
	s25 =	sor.u32 $0x90, s7;
	s9 =	sand.u32 $0x40, s22;
	v0 =	vld [tilespmem:s2+$0x6810]  }
0x85: {  	v60 =	vld [tilespmem:s25+$0x0];
	s6 =	sor.u32 s9, s6;
	[tilespmem:s7+$0x13830] =	vst v2  }
0x86: {  	v2 =	vld [tilespmem:s6+$0x6800]  }
0x87: {  	v59 =	vld [tilespmem:s24+$0x0]  }
0x88: {  	v3 =	vadd.f32 v58, v3;
	_ =	sdelay $0x1  }
0x89: {  	v0 =	vadd.f32 v60, v0;
	[tilespmem:s7+$0x13480] =	vst v3  }
0x8a: {  	s26 =	sor.u32 $0x490, s7;
	v3 =	vld [tilespmem:s5+$0x6810]  }
0x8b: {  	[tilespmem:s7+$0x13090] =	vst v0;
	v61 =	vld [tilespmem:s26+$0x0];
	v2 =	vadd.f32 v59, v2  }
0x8c: {  	s29 =	sor.u32 $0xA0, s7;
	v0 =	vld [tilespmem:s2+$0x6820]  }
0x8d: {  	v63 =	vld [tilespmem:s29+$0x0];
	[tilespmem:s7+$0x13880] =	vst v2  }
0x8e: {  	s28 =	sor.u32 $0x890, s7;
	v2 =	vld [tilespmem:s6+$0x6810]  }
0x8f: {  	v62 =	vld [tilespmem:s28+$0x0]  }
0x90: {  	v3 =	vadd.f32 v61, v3;
	_ =	sdelay $0x1  }
0x91: {  	v0 =	vadd.f32 v63, v0;
	[tilespmem:s7+$0x13490] =	vst v3  }
0x92: {  	s31 =	sor.u32 $0x4A0, s7;
	v3 =	vld [tilespmem:s5+$0x6820]  }
0x93: {  	[tilespmem:s7+$0x130A0] =	vst v0;
	v8 =	vld [tilespmem:s31+$0x0];
	v2 =	vadd.f32 v62, v2  }
0x94: {  	s16 =	sor.u32 $0xB0, s7;
	v0 =	vld [tilespmem:s2+$0x6830]  }
0x95: {  	(v2sf) =	vpush v1, $0x2;
	v10 =	vld [tilespmem:s16+$0x0];
	[tilespmem:s7+$0x13890] =	vst v2  }
0x96: {  	s9 =	sor.u32 $0x8A0, s7;
	v2 =	vld [tilespmem:s6+$0x6820]  }
0x97: {  	v9 =	vld [tilespmem:s9+$0x0]  }
0x98: {  	v3 =	vadd.f32 v8, v3;
	_ =	sdelay $0x1  }
0x99: {  	s21 =	sand.u32 $0xFFFFFF80, s4;
	s22 =	sor.u32 $0x100, s7;
	v0 =	vadd.f32 v10, v0;
	[tilespmem:s7+$0x134A0] =	vst v3  }
0x9a: {  	s17 =	sor.u32 $0x4B0, s7;
	s23 =	sand.u32 $0x40, s4;
	s24 =	sadd.s32 s21, s22;
	v3 =	vld [tilespmem:s5+$0x6830]  }
0x9b: {  	s2 =	sor.u32 s23, s24;
	[tilespmem:s7+$0x130B0] =	vst v0;
	v11 =	vld [tilespmem:s17+$0x0];
	v2 =	vadd.f32 v9, v2  }
0x9c: {  	v0 =	vld [tilespmem:s2+$0x6800]  }
0x9d: {  	v13 =	vld [tilespmem:s22+$0x0];
	[tilespmem:s7+$0x138A0] =	vst v2  }
0x9e: {  	s20 =	sor.u32 $0x8B0, s7;
	v2 =	vld [tilespmem:s6+$0x6830]  }
0x9f: {  	v12 =	vld [tilespmem:s20+$0x0]  }
0xa0: {  	s25 =	sand.u32 $0xFFFFFF80, s3;
	s26 =	sor.u32 $0x500, s7;
	v3 =	vadd.f32 v11, v3  }
0xa1: {  	s3 =	sand.u32 $0x40, s3;
	s4 =	sadd.s32 s25, s26  }
0xa2: {  	s3 =	sor.u32 s3, s4;
	v0 =	vadd.f32 v13, v0;
	[tilespmem:s7+$0x134B0] =	vst v3  }
0xa3: {  	s28 =	spop (v2sf);
	v3 =	vld [tilespmem:s3+$0x6800]  }
0xa4: {  	s31 =	sor.u32 $0x900, s7;
	s29 =	sand.u32 $0xFFFFFF80, s28;
	[tilespmem:s7+$0x13100] =	vst v0;
	v14 =	vld [tilespmem:s26+$0x0];
	v2 =	vadd.f32 v12, v2  }
0xa5: {  	s4 =	sadd.s32 s29, s31;
	s9 =	sor.u32 $0x110, s7;
	s6 =	sand.u32 $0x40, s28;
	v0 =	vld [tilespmem:s2+$0x6810]  }
0xa6: {  	v16 =	vld [tilespmem:s9+$0x0];
	s4 =	sor.u32 s6, s4;
	[tilespmem:s7+$0x138B0] =	vst v2  }
0xa7: {  	v2 =	vld [tilespmem:s4+$0x6800]  }
0xa8: {  	v15 =	vld [tilespmem:s31+$0x0]  }
0xa9: {  	v3 =	vadd.f32 v14, v3;
	_ =	sdelay $0x1  }
0xaa: {  	v0 =	vadd.f32 v16, v0;
	[tilespmem:s7+$0x13500] =	vst v3  }
0xab: {  	s16 =	sor.u32 $0x510, s7;
	v3 =	vld [tilespmem:s3+$0x6810]  }
0xac: {  	[tilespmem:s7+$0x13110] =	vst v0;
	v17 =	vld [tilespmem:s16+$0x0];
	v2 =	vadd.f32 v15, v2  }
0xad: {  	s20 =	sor.u32 $0x120, s7;
	v0 =	vld [tilespmem:s2+$0x6820]  }
0xae: {  	v19 =	vld [tilespmem:s20+$0x0];
	[tilespmem:s7+$0x13900] =	vst v2  }
0xaf: {  	s17 =	sor.u32 $0x910, s7;
	v2 =	vld [tilespmem:s4+$0x6810]  }
0xb0: {  	v18 =	vld [tilespmem:s17+$0x0]  }
0xb1: {  	v3 =	vadd.f32 v17, v3;
	_ =	sdelay $0x1  }
0xb2: {  	v0 =	vadd.f32 v19, v0;
	[tilespmem:s7+$0x13510] =	vst v3  }
0xb3: {  	s21 =	sor.u32 $0x520, s7;
	v3 =	vld [tilespmem:s3+$0x6820]  }
0xb4: {  	[tilespmem:s7+$0x13120] =	vst v0;
	v20 =	vld [tilespmem:s21+$0x0];
	v2 =	vadd.f32 v18, v2  }
0xb5: {  	s23 =	sor.u32 $0x130, s7;
	v0 =	vld [tilespmem:s2+$0x6830]  }
0xb6: {  	(v2sf) =	vpush v1, $0x3;
	v22 =	vld [tilespmem:s23+$0x0];
	[tilespmem:s7+$0x13910] =	vst v2  }
0xb7: {  	s22 =	sor.u32 $0x920, s7;
	v2 =	vld [tilespmem:s4+$0x6820]  }
0xb8: {  	v21 =	vld [tilespmem:s22+$0x0];
	_ =	sdelay $0x1  }
0xb9: {  	v3 =	vadd.f32 v20, v3  }
0xba: {  	v0 =	vadd.f32 v22, v0  }
0xbb: {  	[tilespmem:s7+$0x13520] =	vst v3  }
0xbc: {  	[tilespmem:s7+$0x13130] =	vst v0;
	v0 =	vld [tilespmem:s30+$0x6618];
	v2 =	vadd.f32 v21, v2  }
0xbd: {  	s24 =	sor.u32 $0x530, s7;
	v3 =	vld [tilespmem:s3+$0x6830]  }
0xbe: {  	v23 =	vld [tilespmem:s24+$0x0];
	[tilespmem:s7+$0x13920] =	vst v2  }
0xbf: {  	s25 =	sor.u32 $0x930, s7;
	v2 =	vld [tilespmem:s4+$0x6830]  }
0xc0: {  	(v2sf) =	vpush v1, $0x4;
	s26 =	sand.u32 $0xFFFFFF80, s15;
	s28 =	sor.u32 $0x180, s7;
	v24 =	vld [tilespmem:s25+$0x0]  }
0xc1: {  	(v2sf) =	vpush v1, $0x5;
	s29 =	sand.u32 $0x40, s15;
	s3 =	sadd.s32 s26, s28  }
0xc2: {  	(v2sf) =	vpush v1, $0x6;
	v25 =	vld [tilespmem:s28+$0x0];
	s31 =	sor.u32 s29, s3  }
0xc3: {  	(v2sf) =	vpush v1, $0x7;
	s8 =	sand.u32 $0xFFFFFF80, s19;
	s9 =	sor.u32 $0x580, s7;
	v6 =	vld [tilespmem:s31+$0x6800];
	v3 =	vadd.f32 v23, v3  }
0xc4: {  	s15 =	sand.u32 $0x40, s19;
	s16 =	spop (v2sf);
	s2 =	sadd.s32 s8, s9;
	(v2sf) =	vpush v0, $0x0  }
0xc5: {  	s19 =	sor.u32 $0x980, s7;
	s17 =	sand.u32 $0xFFFFFF80, s16;
	s2 =	sor.u32 s15, s2;
	[tilespmem:s7+$0x13530] =	vst v3;
	v2 =	vadd.f32 v24, v2  }
0xc6: {  	s8 =	sand.u32 $0x40, s16;
	v3 =	vld [tilespmem:s2+$0x6800];
	s4 =	sadd.s32 s17, s19  }
0xc7: {  	v26 =	vld [tilespmem:s9+$0x0];
	s8 =	sor.u32 s8, s4;
	[tilespmem:s7+$0x13930] =	vst v2  }
0xc8: {  	v5 =	vadd.f32 v25, v6;
	v2 =	vld [tilespmem:s8+$0x6800]  }
0xc9: {  	v27 =	vld [tilespmem:s19+$0x0]  }
0xca: {  	[tilespmem:s7+$0x13180] =	vst v5  }
0xcb: {  	s20 =	sor.u32 $0x190, s7;
	v28 =	vld [tilespmem:s31+$0x6810]  }
0xcc: {  	v5 =	vld [tilespmem:s20+$0x0];
	v3 =	vadd.f32 v26, v3;
	_ =	sdelay $0x1  }
0xcd: {  	[tilespmem:s7+$0x13580] =	vst v3;
	v1 =	vadd.f32 v27, v2  }
0xce: {  	s6 =	spop (v2sf);
	s21 =	sor.u32 $0x590, s7;
	v29 =	vld [tilespmem:s2+$0x6810]  }
0xcf: {  	s3 =	spop (v2sf);
	v3 =	vld [tilespmem:s21+$0x0];
	[tilespmem:s7+$0x13980] =	vst v1  }
0xd0: {  	s22 =	sor.u32 $0x990, s7;
	v4 =	vadd.f32 v5, v28;
	s19 =	spop (v2sf);
	v1 =	vld [tilespmem:s8+$0x6810]  }
0xd1: {  	s15 =	spop (v2sf);
	v30 =	vld [tilespmem:s22+$0x0]  }
0xd2: {  	[tilespmem:s7+$0x13190] =	vst v4;
	s25 =	spop (v2sf)  }
0xd3: {  	s23 =	sor.u32 $0x1A0, s7;
	s28 =	sor.u32 $0xC00, s7;
	v31 =	vld [tilespmem:s31+$0x6820];
	s26 =	sand.u32 $0xFFFFFF80, s25  }
0xd4: {  	v4 =	vld [tilespmem:s23+$0x0];
	s9 =	sand.u32 $0x40, s25;
	v2 =	vadd.f32 v3, v29;
	s4 =	sadd.s32 s26, s28  }
0xd5: {  	v7 =	vld [tilespmem:s28+$0x0];
	s4 =	sor.u32 s9, s4  }
0xd6: {  	[tilespmem:s7+$0x13590] =	vst v2;
	v34 =	vld [tilespmem:s4+$0x6800];
	v1 =	vadd.f32 v30, v1  }
0xd7: {  	s24 =	sor.u32 $0x5A0, s7;
	v2 =	vld [tilespmem:s2+$0x6820]  }
0xd8: {  	v32 =	vld [tilespmem:s24+$0x0];
	[tilespmem:s7+$0x13990] =	vst v1  }
0xd9: {  	s29 =	sor.u32 $0x9A0, s7;
	v3 =	vadd.f32 v4, v31;
	v1 =	vld [tilespmem:s8+$0x6820]  }
0xda: {  	v33 =	vld [tilespmem:s29+$0x0]  }
0xdb: {  	[tilespmem:s7+$0x131A0] =	vst v3;
	v37 =	vadd.f32 v7, v34  }
0xdc: {  	v3 =	vld [tilespmem:s31+$0x6830];
	s31 =	sor.u32 $0x1B0, s7  }
0xdd: {  	v35 =	vld [tilespmem:s31+$0x0];
	v2 =	vadd.f32 v32, v2;
	[tilespmem:s7+$0x13C00] =	vst v37  }
0xde: {  	s17 =	sor.u32 $0xC10, s7;
	v41 =	vld [tilespmem:s4+$0x6810]  }
0xdf: {  	[tilespmem:s7+$0x135A0] =	vst v2;
	v42 =	vld [tilespmem:s17+$0x0];
	v1 =	vadd.f32 v33, v1  }
0xe0: {  	s5 =	sor.u32 $0x5B0, s7;
	v2 =	vld [tilespmem:s2+$0x6830]  }
0xe1: {  	v36 =	vld [tilespmem:s5+$0x0];
	[tilespmem:s7+$0x139A0] =	vst v1  }
0xe2: {  	s16 =	sor.u32 $0x200, s7;
	s9 =	sand.u32 $0xFFFFFF80, s1;
	v40 =	vadd.f32 v35, v3;
	v38 =	vld [tilespmem:s8+$0x6830];
	s8 =	sor.u32 $0x9B0, s7  }
0xe3: {  	s1 =	sand.u32 $0x40, s1;
	s2 =	sadd.s32 s9, s16;
	v39 =	vld [tilespmem:s8+$0x0]  }
0xe4: {  	s1 =	sor.u32 s1, s2;
	[tilespmem:s7+$0x131B0] =	vst v40;
	v49 =	vadd.f32 v42, v41  }
0xe5: {  	v44 =	vld [tilespmem:s1+$0x6800]  }
0xe6: {  	(v2sf) =	vpush v0, $0x1;
	s20 =	sand.u32 $0xFFFFFF80, s18;
	s21 =	sor.u32 $0x600, s7;
	v45 =	vld [tilespmem:s16+$0x0];
	v43 =	vadd.f32 v36, v2;
	[tilespmem:s7+$0x13C10] =	vst v49  }
0xe7: {  	s26 =	sor.u32 $0xC20, s7;
	s22 =	sand.u32 $0x40, s18;
	s2 =	sadd.s32 s20, s21;
	v53 =	vld [tilespmem:s4+$0x6820]  }
0xe8: {  	s25 =	sor.u32 $0xA00, s7;
	s24 =	sand.u32 $0xFFFFFF80, s6;
	s23 =	sor.u32 s22, s2;
	[tilespmem:s7+$0x135B0] =	vst v43;
	v54 =	vld [tilespmem:s26+$0x0];
	v46 =	vadd.f32 v39, v38  }
0xe9: {  	s6 =	sand.u32 $0x40, s6;
	s2 =	sadd.s32 s24, s25;
	v47 =	vld [tilespmem:s23+$0x6800]  }
0xea: {  	s2 =	sor.u32 s6, s2;
	v48 =	vld [tilespmem:s21+$0x0];
	[tilespmem:s7+$0x139B0] =	vst v46  }
0xeb: {  	v52 =	vadd.f32 v45, v44;
	v50 =	vld [tilespmem:s2+$0x6800]  }
0xec: {  	v51 =	vld [tilespmem:s25+$0x0]  }
0xed: {  	[tilespmem:s7+$0x13200] =	vst v52;
	v61 =	vadd.f32 v54, v53  }
0xee: {  	s28 =	sor.u32 $0x210, s7;
	v56 =	vld [tilespmem:s1+$0x6810]  }
0xef: {  	v57 =	vld [tilespmem:s28+$0x0];
	v55 =	vadd.f32 v48, v47;
	[tilespmem:s7+$0x13C20] =	vst v61  }
0xf0: {  	s6 =	sor.u32 $0xC30, s7;
	v10 =	vld [tilespmem:s4+$0x6830]  }
0xf1: {  	[tilespmem:s7+$0x13600] =	vst v55;
	v11 =	vld [tilespmem:s6+$0x0];
	v58 =	vadd.f32 v51, v50  }
0xf2: {  	s29 =	sor.u32 $0x610, s7;
	v59 =	vld [tilespmem:s23+$0x6810]  }
0xf3: {  	v60 =	vld [tilespmem:s29+$0x0];
	[tilespmem:s7+$0x13A00] =	vst v58  }
0xf4: {  	s31 =	sor.u32 $0xA10, s7;
	v9 =	vadd.f32 v57, v56;
	v62 =	vld [tilespmem:s2+$0x6810]  }
0xf5: {  	s16 =	spop (v2sf);
	v63 =	vld [tilespmem:s31+$0x0]  }
0xf6: {  	s18 =	sor.u32 $0xC80, s7;
	s17 =	sand.u32 $0xFFFFFF80, s16;
	[tilespmem:s7+$0x13210] =	vst v9;
	v18 =	vadd.f32 v11, v10  }
0xf7: {  	s8 =	sor.u32 $0x220, s7;
	s6 =	sand.u32 $0x40, s16;
	s4 =	sadd.s32 s17, s18;
	v13 =	vld [tilespmem:s1+$0x6820]  }
0xf8: {  	s4 =	sor.u32 s6, s4;
	v14 =	vld [tilespmem:s8+$0x0];
	v12 =	vadd.f32 v60, v59;
	[tilespmem:s7+$0x13C30] =	vst v18  }
0xf9: {  	v22 =	vld [tilespmem:s4+$0x6800]  }
0xfa: {  	[tilespmem:s7+$0x13610] =	vst v12;
	v23 =	vld [tilespmem:s18+$0x0];
	v15 =	vadd.f32 v63, v62  }
0xfb: {  	s9 =	sor.u32 $0x620, s7;
	v16 =	vld [tilespmem:s23+$0x6820]  }
0xfc: {  	v17 =	vld [tilespmem:s9+$0x0];
	[tilespmem:s7+$0x13A10] =	vst v15  }
0xfd: {  	s20 =	sor.u32 $0xA20, s7;
	v21 =	vadd.f32 v14, v13;
	v19 =	vld [tilespmem:s2+$0x6820]  }
0xfe: {  	v20 =	vld [tilespmem:s20+$0x0]  }
0xff: {  	[tilespmem:s7+$0x13220] =	vst v21;
	v30 =	vadd.f32 v23, v22  }
0x100: {  	s21 =	sor.u32 $0x230, s7;
	v25 =	vld [tilespmem:s1+$0x6830]  }
0x101: {  	v26 =	vld [tilespmem:s21+$0x0];
	v24 =	vadd.f32 v17, v16;
	[tilespmem:s7+$0x13C80] =	vst v30  }
0x102: {  	s26 =	sor.u32 $0xC90, s7;
	v34 =	vld [tilespmem:s4+$0x6810]  }
0x103: {  	[tilespmem:s7+$0x13620] =	vst v24;
	v35 =	vld [tilespmem:s26+$0x0];
	v27 =	vadd.f32 v20, v19  }
0x104: {  	s22 =	sor.u32 $0x630, s7;
	v28 =	vld [tilespmem:s23+$0x6830]  }
0x105: {  	v29 =	vld [tilespmem:s22+$0x0];
	[tilespmem:s7+$0x13A20] =	vst v27  }
0x106: {  	s24 =	sand.u32 $0xFFFFFF80, s13;
	s25 =	sor.u32 $0x280, s7;
	s23 =	sor.u32 $0xA30, s7;
	v33 =	vadd.f32 v26, v25;
	v31 =	vld [tilespmem:s2+$0x6830]  }
0x107: {  	s28 =	sand.u32 $0x40, s13;
	s1 =	sadd.s32 s24, s25;
	v32 =	vld [tilespmem:s23+$0x0]  }
0x108: {  	s1 =	sor.u32 s28, s1;
	[tilespmem:s7+$0x13230] =	vst v33;
	v42 =	vadd.f32 v35, v34  }
0x109: {  	v37 =	vld [tilespmem:s1+$0x6800]  }
0x10a: {  	(v2sf) =	vpush v0, $0x2;
	s29 =	sand.u32 $0xFFFFFF80, s14;
	s31 =	sor.u32 $0x680, s7;
	v38 =	vld [tilespmem:s25+$0x0];
	v36 =	vadd.f32 v29, v28;
	[tilespmem:s7+$0x13C90] =	vst v42  }
0x10b: {  	s16 =	sor.u32 $0xCA0, s7;
	s9 =	sand.u32 $0x40, s14;
	s5 =	sadd.s32 s29, s31;
	v46 =	vld [tilespmem:s4+$0x6820]  }
0x10c: {  	s13 =	sand.u32 $0xFFFFFF80, s3;
	s14 =	sor.u32 $0xA80, s7;
	s5 =	sor.u32 s9, s5;
	[tilespmem:s7+$0x13630] =	vst v36;
	v47 =	vld [tilespmem:s16+$0x0];
	v39 =	vadd.f32 v32, v31  }
0x10d: {  	s3 =	sand.u32 $0x40, s3;
	v40 =	vld [tilespmem:s5+$0x6800];
	s2 =	sadd.s32 s13, s14  }
0x10e: {  	v41 =	vld [tilespmem:s31+$0x0];
	s2 =	sor.u32 s3, s2;
	[tilespmem:s7+$0x13A30] =	vst v39  }
0x10f: {  	v45 =	vadd.f32 v38, v37;
	v43 =	vld [tilespmem:s2+$0x6800]  }
0x110: {  	v44 =	vld [tilespmem:s14+$0x0]  }
0x111: {  	[tilespmem:s7+$0x13280] =	vst v45;
	v54 =	vadd.f32 v47, v46  }
0x112: {  	s17 =	sor.u32 $0x290, s7;
	v49 =	vld [tilespmem:s1+$0x6810]  }
0x113: {  	v50 =	vld [tilespmem:s17+$0x0];
	v48 =	vadd.f32 v41, v40;
	[tilespmem:s7+$0x13CA0] =	vst v54  }
0x114: {  	s21 =	sor.u32 $0xCB0, s7;
	v58 =	vld [tilespmem:s4+$0x6830]  }
0x115: {  	[tilespmem:s7+$0x13680] =	vst v48;
	v59 =	vld [tilespmem:s21+$0x0];
	v51 =	vadd.f32 v44, v43  }
0x116: {  	s18 =	sor.u32 $0x690, s7;
	v52 =	vld [tilespmem:s5+$0x6810]  }
0x117: {  	v53 =	vld [tilespmem:s18+$0x0];
	[tilespmem:s7+$0x13A80] =	vst v51  }
0x118: {  	s20 =	sor.u32 $0xA90, s7;
	v57 =	vadd.f32 v50, v49;
	v55 =	vld [tilespmem:s2+$0x6810]  }
0x119: {  	s24 =	spop (v2sf);
	v56 =	vld [tilespmem:s20+$0x0]  }
0x11a: {  	s26 =	sor.u32 $0xD00, s7;
	s25 =	sand.u32 $0xFFFFFF80, s24;
	[tilespmem:s7+$0x13290] =	vst v57;
	v11 =	vadd.f32 v59, v58  }
0x11b: {  	s22 =	sor.u32 $0x2A0, s7;
	s3 =	sadd.s32 s25, s26;
	s4 =	sand.u32 $0x40, s24;
	v61 =	vld [tilespmem:s1+$0x6820]  }
0x11c: {  	s3 =	sor.u32 s4, s3;
	v62 =	vld [tilespmem:s22+$0x0];
	v60 =	vadd.f32 v53, v52;
	[tilespmem:s7+$0x13CB0] =	vst v11  }
0x11d: {  	v15 =	vld [tilespmem:s3+$0x6800]  }
0x11e: {  	[tilespmem:s7+$0x13690] =	vst v60;
	v16 =	vld [tilespmem:s26+$0x0];
	v63 =	vadd.f32 v56, v55  }
0x11f: {  	s23 =	sor.u32 $0x6A0, s7;
	v9 =	vld [tilespmem:s5+$0x6820]  }
0x120: {  	v10 =	vld [tilespmem:s23+$0x0];
	[tilespmem:s7+$0x13A90] =	vst v63  }
0x121: {  	s28 =	sor.u32 $0xAA0, s7;
	v14 =	vadd.f32 v62, v61;
	v12 =	vld [tilespmem:s2+$0x6820]  }
0x122: {  	v13 =	vld [tilespmem:s28+$0x0]  }
0x123: {  	[tilespmem:s7+$0x132A0] =	vst v14;
	v23 =	vadd.f32 v16, v15  }
0x124: {  	s29 =	sor.u32 $0x2B0, s7;
	v18 =	vld [tilespmem:s1+$0x6830]  }
0x125: {  	v19 =	vld [tilespmem:s29+$0x0];
	v17 =	vadd.f32 v10, v9;
	[tilespmem:s7+$0x13D00] =	vst v23  }
0x126: {  	s8 =	sor.u32 $0xD10, s7;
	v27 =	vld [tilespmem:s3+$0x6810]  }
0x127: {  	[tilespmem:s7+$0x136A0] =	vst v17;
	v28 =	vld [tilespmem:s8+$0x0];
	v20 =	vadd.f32 v13, v12  }
0x128: {  	s31 =	sor.u32 $0x6B0, s7;
	v21 =	vld [tilespmem:s5+$0x6830]  }
0x129: {  	v22 =	vld [tilespmem:s31+$0x0];
	[tilespmem:s7+$0x13AA0] =	vst v20  }
0x12a: {  	s6 =	sor.u32 $0x300, s7;
	s4 =	sor.u32 $0xAB0, s7;
	v26 =	vadd.f32 v19, v18;
	s5 =	sand.u32 $0xFFFFFF80, s0;
	v24 =	vld [tilespmem:s2+$0x6830]  }
0x12b: {  	s0 =	sand.u32 $0x40, s0;
	s1 =	sadd.s32 s5, s6;
	v25 =	vld [tilespmem:s4+$0x0]  }
0x12c: {  	[tilespmem:s7+$0x132B0] =	vst v26;
	s0 =	sor.u32 s0, s1;
	v35 =	vadd.f32 v28, v27  }
0x12d: {  	v30 =	vld [tilespmem:s0+$0x6800]  }
0x12e: {  	(v2sf) =	vpush v0, $0x3;
	s9 =	sand.u32 $0xFFFFFF80, s12;
	s16 =	sand.u32 $0xFFFFFF80, s19;
	v31 =	vld [tilespmem:s6+$0x0];
	v29 =	vadd.f32 v22, v21;
	[tilespmem:s7+$0x13D10] =	vst v35  }
0x12f: {  	s13 =	sor.u32 $0x700, s7;
	s18 =	sand.u32 $0x40, s19;
	s19 =	sor.u32 $0xD20, s7;
	v39 =	vld [tilespmem:s3+$0x6820]  }
0x130: {  	s17 =	sor.u32 $0xB00, s7;
	s14 =	sand.u32 $0x40, s12;
	s1 =	sadd.s32 s9, s13;
	[tilespmem:s7+$0x136B0] =	vst v29;
	v40 =	vld [tilespmem:s19+$0x0];
	v32 =	vadd.f32 v25, v24  }
0x131: {  	v34 =	vld [tilespmem:s13+$0x0];
	s4 =	sor.u32 s14, s1;
	s1 =	sadd.s32 s16, s17  }
0x132: {  	v33 =	vld [tilespmem:s4+$0x6800];
	s2 =	sor.u32 s18, s1;
	[tilespmem:s7+$0x13AB0] =	vst v32  }
0x133: {  	v38 =	vadd.f32 v31, v30;
	v36 =	vld [tilespmem:s2+$0x6800]  }
0x134: {  	v37 =	vld [tilespmem:s17+$0x0]  }
0x135: {  	[tilespmem:s7+$0x13300] =	vst v38;
	v47 =	vadd.f32 v40, v39  }
0x136: {  	s20 =	sor.u32 $0x310, s7;
	v42 =	vld [tilespmem:s0+$0x6810]  }
0x137: {  	v43 =	vld [tilespmem:s20+$0x0];
	[tilespmem:s7+$0x13D20] =	vst v47;
	v41 =	vadd.f32 v34, v33  }
0x138: {  	s23 =	sor.u32 $0xD30, s7;
	v51 =	vld [tilespmem:s3+$0x6830]  }
0x139: {  	v52 =	vld [tilespmem:s23+$0x0];
	[tilespmem:s7+$0x13700] =	vst v41;
	v44 =	vadd.f32 v37, v36  }
0x13a: {  	s21 =	sor.u32 $0x710, s7;
	v45 =	vld [tilespmem:s4+$0x6810]  }
0x13b: {  	v46 =	vld [tilespmem:s21+$0x0];
	[tilespmem:s7+$0x13B00] =	vst v44  }
0x13c: {  	s22 =	sor.u32 $0xB10, s7;
	v50 =	vadd.f32 v43, v42;
	v48 =	vld [tilespmem:s2+$0x6810]  }
0x13d: {  	s26 =	spop (v2sf);
	v49 =	vld [tilespmem:s22+$0x0]  }
0x13e: {  	s29 =	sor.u32 $0xD80, s7;
	s28 =	sand.u32 $0xFFFFFF80, s26;
	[tilespmem:s7+$0x13310] =	vst v50;
	v59 =	vadd.f32 v52, v51  }
0x13f: {  	s24 =	sor.u32 $0x320, s7;
	s1 =	sadd.s32 s28, s29;
	s3 =	sand.u32 $0x40, s26;
	v54 =	vld [tilespmem:s0+$0x6820]  }
0x140: {  	s1 =	sor.u32 s3, s1;
	v55 =	vld [tilespmem:s24+$0x0];
	[tilespmem:s7+$0x13D30] =	vst v59;
	v53 =	vadd.f32 v46, v45  }
0x141: {  	v63 =	vld [tilespmem:s1+$0x6800]  }
0x142: {  	v9 =	vld [tilespmem:s29+$0x0];
	[tilespmem:s7+$0x13710] =	vst v53;
	v56 =	vadd.f32 v49, v48  }
0x143: {  	s25 =	sor.u32 $0x720, s7;
	v57 =	vld [tilespmem:s4+$0x6820]  }
0x144: {  	v58 =	vld [tilespmem:s25+$0x0];
	[tilespmem:s7+$0x13B10] =	vst v56  }
0x145: {  	s31 =	sor.u32 $0xB20, s7;
	v62 =	vadd.f32 v55, v54;
	v60 =	vld [tilespmem:s2+$0x6820]  }
0x146: {  	v61 =	vld [tilespmem:s31+$0x0]  }
0x147: {  	[tilespmem:s7+$0x13320] =	vst v62;
	v16 =	vadd.f32 v9, v63  }
0x148: {  	s3 =	sor.u32 $0x330, s7;
	v11 =	vld [tilespmem:s0+$0x6830]  }
0x149: {  	v12 =	vld [tilespmem:s3+$0x0];
	[tilespmem:s7+$0x13D80] =	vst v16;
	v10 =	vadd.f32 v58, v57  }
0x14a: {  	s9 =	sor.u32 $0xD90, s7;
	v20 =	vld [tilespmem:s1+$0x6810]  }
0x14b: {  	v21 =	vld [tilespmem:s9+$0x0];
	[tilespmem:s7+$0x13720] =	vst v10;
	v13 =	vadd.f32 v61, v60  }
0x14c: {  	v14 =	vld [tilespmem:s4+$0x6830];
	s4 =	sor.u32 $0x730, s7  }
0x14d: {  	v15 =	vld [tilespmem:s4+$0x0];
	[tilespmem:s7+$0x13B20] =	vst v13  }
0x14e: {  	s8 =	sor.u32 $0x380, s7;
	s5 =	sor.u32 $0xB30, s7;
	s6 =	sand.u32 $0xFFFFFF80, s10;
	v19 =	vadd.f32 v12, v11;
	v17 =	vld [tilespmem:s2+$0x6830]  }
0x14f: {  	s10 =	sand.u32 $0x40, s10;
	s0 =	sadd.s32 s6, s8;
	v18 =	vld [tilespmem:s5+$0x0]  }
0x150: {  	s0 =	sor.u32 s10, s0;
	[tilespmem:s7+$0x13330] =	vst v19;
	v28 =	vadd.f32 v21, v20  }
0x151: {  	v23 =	vld [tilespmem:s0+$0x6800]  }
0x152: {  	(v2sf) =	vpush v0, $0x4;
	s12 =	sand.u32 $0xFFFFFF80, s11;
	s13 =	sor.u32 $0x780, s7;
	v24 =	vld [tilespmem:s8+$0x0];
	[tilespmem:s7+$0x13D90] =	vst v28;
	v22 =	vadd.f32 v15, v14  }
0x153: {  	s19 =	sor.u32 $0xDA0, s7;
	s14 =	sand.u32 $0x40, s11;
	s3 =	sadd.s32 s12, s13;
	v32 =	vld [tilespmem:s1+$0x6820]  }
0x154: {  	s16 =	sand.u32 $0xFFFFFF80, s15;
	s17 =	sor.u32 $0xB80, s7;
	s3 =	sor.u32 s14, s3;
	v33 =	vld [tilespmem:s19+$0x0];
	[tilespmem:s7+$0x13730] =	vst v22;
	v25 =	vadd.f32 v18, v17  }
0x155: {  	s18 =	sand.u32 $0x40, s15;
	s2 =	sadd.s32 s16, s17;
	v26 =	vld [tilespmem:s3+$0x6800]  }
0x156: {  	s2 =	sor.u32 s18, s2;
	v27 =	vld [tilespmem:s13+$0x0];
	[tilespmem:s7+$0x13B30] =	vst v25  }
0x157: {  	v31 =	vadd.f32 v24, v23;
	v29 =	vld [tilespmem:s2+$0x6800]  }
0x158: {  	v30 =	vld [tilespmem:s17+$0x0]  }
0x159: {  	[tilespmem:s7+$0x13380] =	vst v31;
	v40 =	vadd.f32 v33, v32  }
0x15a: {  	s20 =	sor.u32 $0x390, s7;
	v35 =	vld [tilespmem:s0+$0x6810]  }
0x15b: {  	v36 =	vld [tilespmem:s20+$0x0];
	[tilespmem:s7+$0x13DA0] =	vst v40;
	v34 =	vadd.f32 v27, v26  }
0x15c: {  	s23 =	sor.u32 $0xDB0, s7;
	v44 =	vld [tilespmem:s1+$0x6830]  }
0x15d: {  	v45 =	vld [tilespmem:s23+$0x0];
	[tilespmem:s7+$0x13780] =	vst v34;
	v37 =	vadd.f32 v30, v29  }
0x15e: {  	s21 =	sor.u32 $0x790, s7;
	v38 =	vld [tilespmem:s3+$0x6810]  }
0x15f: {  	v39 =	vld [tilespmem:s21+$0x0];
	[tilespmem:s7+$0x13B80] =	vst v37  }
0x160: {  	s22 =	sor.u32 $0xB90, s7;
	v43 =	vadd.f32 v36, v35;
	v41 =	vld [tilespmem:s2+$0x6810]  }
0x161: {  	s26 =	spop (v2sf);
	v42 =	vld [tilespmem:s22+$0x0]  }
0x162: {  	s28 =	sand.u32 $0xFFFFFF80, s26;
	s29 =	sor.u32 $0xE00, s7;
	[tilespmem:s7+$0x13390] =	vst v43;
	v52 =	vadd.f32 v45, v44  }
0x163: {  	s24 =	sor.u32 $0x3A0, s7;
	s4 =	sand.u32 $0x40, s26;
	s1 =	sadd.s32 s28, s29;
	v47 =	vld [tilespmem:s0+$0x6820]  }
0x164: {  	s28 =	sor.u32 s4, s1;
	v48 =	vld [tilespmem:s24+$0x0];
	[tilespmem:s7+$0x13DB0] =	vst v52;
	v46 =	vadd.f32 v39, v38  }
0x165: {  	v56 =	vld [tilespmem:s28+$0x6800]  }
0x166: {  	v57 =	vld [tilespmem:s29+$0x0];
	[tilespmem:s7+$0x13790] =	vst v46;
	v49 =	vadd.f32 v42, v41  }
0x167: {  	s25 =	sor.u32 $0x7A0, s7;
	v50 =	vld [tilespmem:s3+$0x6820]  }
0x168: {  	v51 =	vld [tilespmem:s25+$0x0];
	[tilespmem:s7+$0x13B90] =	vst v49  }
0x169: {  	s31 =	sor.u32 $0xBA0, s7;
	v55 =	vadd.f32 v48, v47;
	v53 =	vld [tilespmem:s2+$0x6820]  }
0x16a: {  	v54 =	vld [tilespmem:s31+$0x0]  }
0x16b: {  	[tilespmem:s7+$0x133A0] =	vst v55;
	v12 =	vadd.f32 v57, v56  }
0x16c: {  	s8 =	sor.u32 $0x3B0, s7;
	v59 =	vld [tilespmem:s0+$0x6830]  }
0x16d: {  	v60 =	vld [tilespmem:s8+$0x0];
	[tilespmem:s7+$0x13E00] =	vst v12;
	v58 =	vadd.f32 v51, v50  }
0x16e: {  	s11 =	sor.u32 $0xE10, s7;
	v1 =	vld [tilespmem:s28+$0x6810]  }
0x16f: {  	v8 =	vld [tilespmem:s11+$0x0];
	[tilespmem:s7+$0x137A0] =	vst v58;
	v61 =	vadd.f32 v54, v53  }
0x170: {  	s9 =	sor.u32 $0x7B0, s7;
	v62 =	vld [tilespmem:s3+$0x6830]  }
0x171: {  	v63 =	vld [tilespmem:s9+$0x0];
	[tilespmem:s7+$0x13BA0] =	vst v61  }
0x172: {  	s10 =	sor.u32 $0xBB0, s7;
	v13 =	vld [tilespmem:s2+$0x6830]  }
0x173: {  	v14 =	vld [tilespmem:s10+$0x0];
	_ =	sdelay $0x1  }
0x174: {  	v2 =	vadd.f32 v60, v59  }
0x175: {  	v1 =	vadd.f32 v8, v1  }
0x176: {  	v16 =	vld [tilespmem:s30+$0x6620];
	[tilespmem:s7+$0x133B0] =	vst v2;
	v4 =	vadd.f32 v63, v62  }
0x177: {  	[tilespmem:s7+$0x13E10] =	vst v1;
	v15 =	vadd.f32 v14, v13  }
0x178: {  	(v2sf) =	vpush v0, $0x5;
	[tilespmem:s7+$0x137B0] =	vst v4  }
0x179: {  	(v2sf) =	vpush v0, $0x6;
	[tilespmem:s7+$0x13BB0] =	vst v15  }
0x17a: {  	v1 =	vld [tilespmem:s28+$0x6820];
	(v2sf) =	vpush v0, $0x7  }
0x17b: {  	(v2sf) =	vpush v16, $0x0  }
0x17c: {  	(v2sf) =	vpush v16, $0x1  }
0x17d: {  	(v2sf) =	vpush v16, $0x2  }
0x17e: {  	v0 =	vld [tilespmem:s30+$0x6628];
	(v2sf) =	vpush v16, $0x3  }
0x17f: {  	(v2sf) =	vpush v16, $0x4  }
0x180: {  	(v2sf) =	vpush v16, $0x5  }
0x181: {  	(v2sf) =	vpush v16, $0x6  }
0x182: {  	(v2sf) =	vpush v16, $0x7  }
0x183: {  	(v2sf) =	vpush v0, $0x0  }
0x184: {  	(v2sf) =	vpush v0, $0x1  }
0x185: {  	(v2sf) =	vpush v0, $0x2  }
0x186: {  	v17 =	vld [tilespmem:s30+$0x6630];
	(v2sf) =	vpush v0, $0x3  }
0x187: {  	s25 =	spop (v2sf);
	(v2sf) =	vpush v0, $0x4  }
0x188: {  	s24 =	spop (v2sf);
	(v2sf) =	vpush v0, $0x5  }
0x189: {  	s13 =	spop (v2sf);
	(v2sf) =	vpush v0, $0x6  }
0x18a: {  	s12 =	spop (v2sf);
	(v2sf) =	vpush v0, $0x7  }
0x18b: {  	s9 =	spop (v2sf);
	(v2sf) =	vpush v17, $0x0  }
0x18c: {  	s3 =	spop (v2sf);
	(v2sf) =	vpush v17, $0x1  }
0x18d: {  	s21 =	spop (v2sf);
	(v2sf) =	vpush v17, $0x2  }
0x18e: {  	v0 =	vld [tilespmem:s30+$0x6638];
	s26 =	spop (v2sf);
	(v2sf) =	vpush v17, $0x3  }
0x18f: {  	s20 =	spop (v2sf);
	(v2sf) =	vpush v17, $0x4  }
0x190: {  	s14 =	spop (v2sf);
	(v2sf) =	vpush v17, $0x5  }
0x191: {  	s15 =	spop (v2sf);
	(v2sf) =	vpush v17, $0x6  }
0x192: {  	s16 =	spop (v2sf);
	(v2sf) =	vpush v17, $0x7  }
0x193: {  	s6 =	spop (v2sf);
	(v2sf) =	vpush v0, $0x0  }
0x194: {  	s4 =	spop (v2sf)  }
0x195: {  	s31 =	spop (v2sf)  }
0x196: {  	s29 =	spop (v2sf)  }
0x197: {  	s10 =	spop (v2sf)  }
0x198: {  	[dreg:$0x16] =	wrdreg s15;
	s15 =	spop (v2sf)  }
0x199: {  	s17 =	spop (v2sf)  }
0x19a: {  	s19 =	sor.u32 $0x1000, s7;
	s18 =	sand.u32 $0xFFFFFF80, s12;
	s22 =	spop (v2sf)  }
0x19b: {  	s1 =	sand.u32 $0x40, s12;
	s23 =	sadd.s32 s18, s19;
	s5 =	spop (v2sf)  }
0x19c: {  	s23 =	sor.u32 s1, s23;
	s8 =	spop (v2sf)  }
0x19d: {  	s0 =	sand.u32 $0xFFFFFF80, s16;
	s2 =	sand.u32 $0x40, s16;
	s1 =	spop (v2sf)  }
0x19e: {  	v18 =	vld [tilespmem:s19+$0x0];
	[dreg:$0x14] =	wrdreg s17;
	s17 =	sor.u32 $0x1400, s7;
	s18 =	spop (v2sf)  }
0x19f: {  	v19 =	vld [tilespmem:s23+$0x6800];
	s11 =	sadd.s32 s0, s17;
	s16 =	sand.u32 $0xFFFFFF80, s22;
	s19 =	spop (v2sf)  }
0x1a0: {  	v20 =	vld [tilespmem:s17+$0x0];
	s0 =	sor.u32 $0x1800, s7;
	s2 =	sor.u32 s2, s11;
	s11 =	spop (v2sf)  }
0x1a1: {  	s22 =	sand.u32 $0x40, s22;
	s17 =	sadd.s32 s16, s0;
	v21 =	vld [tilespmem:s2+$0x6800];
	s12 =	spop (v2sf)  }
0x1a2: {  	v22 =	vld [tilespmem:s0+$0x0];
	s22 =	sor.u32 s22, s17;
	s16 =	spop (v2sf)  }
0x1a3: {  	s17 =	sor.u32 $0x1C00, s7;
	v23 =	vld [tilespmem:s22+$0x6800];
	s0 =	sand.u32 $0xFFFFFF80, s16  }
0x1a4: {  	v2 =	vadd.f32 v18, v19;
	s16 =	sand.u32 $0x40, s16;
	s0 =	sadd.s32 s0, s17  }
0x1a5: {  	v24 =	vld [tilespmem:s17+$0x0];
	s0 =	sor.u32 s16, s0  }
0x1a6: {  	[tilespmem:s7+$0x14000] =	vst v2;
	v26 =	vadd.f32 v20, v21;
	v25 =	vld [tilespmem:s0+$0x6800]  }
0x1a7: {  	v28 =	vld [tilespmem:s23+$0x6810];
	s17 =	sor.u32 $0x1010, s7  }
0x1a8: {  	v29 =	vadd.f32 v22, v23;
	[tilespmem:s7+$0x14400] =	vst v26;
	v27 =	vld [tilespmem:s17+$0x0]  }
0x1a9: {  	s17 =	sor.u32 $0x1410, s7;
	v31 =	vld [tilespmem:s2+$0x6810]  }
0x1aa: {  	[tilespmem:s7+$0x14800] =	vst v29;
	v30 =	vld [tilespmem:s17+$0x0]  }
0x1ab: {  	s17 =	sor.u32 $0x1810, s7;
	v34 =	vld [tilespmem:s22+$0x6810];
	v32 =	vadd.f32 v24, v25  }
0x1ac: {  	v33 =	vld [tilespmem:s17+$0x0]  }
0x1ad: {  	s17 =	sor.u32 $0x1C10, s7;
	v4 =	vadd.f32 v27, v28;
	[tilespmem:s7+$0x14C00] =	vst v32  }
0x1ae: {  	v2 =	vld [tilespmem:s17+$0x0]  }
0x1af: {  	v36 =	vadd.f32 v30, v31;
	[tilespmem:s7+$0x14010] =	vst v4;
	v35 =	vld [tilespmem:s0+$0x6810]  }
0x1b0: {  	v38 =	vld [tilespmem:s23+$0x6820];
	s17 =	sor.u32 $0x1020, s7  }
0x1b1: {  	v3 =	vadd.f32 v33, v34;
	[tilespmem:s7+$0x14410] =	vst v36;
	v37 =	vld [tilespmem:s17+$0x0]  }
0x1b2: {  	v39 =	vld [tilespmem:s2+$0x6820];
	s17 =	sor.u32 $0x1420, s7  }
0x1b3: {  	[tilespmem:s7+$0x14810] =	vst v3;
	v4 =	vld [tilespmem:s17+$0x0]  }
0x1b4: {  	v40 =	vld [tilespmem:s22+$0x6820];
	s17 =	sor.u32 $0x1820, s7;
	v2 =	vadd.f32 v2, v35  }
0x1b5: {  	v3 =	vld [tilespmem:s17+$0x0]  }
0x1b6: {  	s17 =	sor.u32 $0x1C20, s7;
	v6 =	vadd.f32 v37, v38;
	[tilespmem:s7+$0x14C10] =	vst v2  }
0x1b7: {  	(v2sf) =	vpush v0, $0x1;
	v2 =	vld [tilespmem:s17+$0x0]  }
0x1b8: {  	v4 =	vadd.f32 v4, v39;
	v41 =	vld [tilespmem:s0+$0x6820];
	[tilespmem:s7+$0x14020] =	vst v6  }
0x1b9: {  	v6 =	vld [tilespmem:s23+$0x6830];
	s23 =	sor.u32 $0x1030, s7  }
0x1ba: {  	v3 =	vadd.f32 v3, v40;
	[tilespmem:s7+$0x14420] =	vst v4;
	v42 =	vld [tilespmem:s23+$0x0]  }
0x1bb: {  	s17 =	sor.u32 $0x1430, s7;
	v4 =	vld [tilespmem:s2+$0x6830]  }
0x1bc: {  	v43 =	vld [tilespmem:s17+$0x0];
	[tilespmem:s7+$0x14820] =	vst v3  }
0x1bd: {  	s23 =	sor.u32 $0x1830, s7;
	v3 =	vld [tilespmem:s22+$0x6830];
	v2 =	vadd.f32 v2, v41  }
0x1be: {  	v44 =	vld [tilespmem:s23+$0x0]  }
0x1bf: {  	[tilespmem:s7+$0x14C20] =	vst v2;
	v6 =	vadd.f32 v42, v6  }
0x1c0: {  	s16 =	sand.u32 $0xFFFFFF80, s9;
	s2 =	sor.u32 $0x1C30, s7;
	s17 =	sor.u32 $0x1080, s7;
	v2 =	vld [tilespmem:s0+$0x6830]  }
0x1c1: {  	s9 =	sand.u32 $0x40, s9;
	v4 =	vadd.f32 v43, v4;
	v45 =	vld [tilespmem:s2+$0x0];
	s0 =	sadd.s32 s16, s17;
	[tilespmem:s7+$0x14030] =	vst v6  }
0x1c2: {  	s22 =	sand.u32 $0xFFFFFF80, s6;
	s23 =	sor.u32 $0x1480, s7;
	s9 =	sor.u32 s9, s0;
	v46 =	vld [tilespmem:s17+$0x0]  }
0x1c3: {  	s6 =	sand.u32 $0x40, s6;
	v3 =	vadd.f32 v44, v3;
	[tilespmem:s7+$0x14430] =	vst v4;
	s0 =	sadd.s32 s22, s23;
	v6 =	vld [tilespmem:s9+$0x6800]  }
0x1c4: {  	s16 =	sand.u32 $0xFFFFFF80, s5;
	s6 =	sor.u32 s6, s0;
	v4 =	vld [tilespmem:s23+$0x0];
	s17 =	sor.u32 $0x1880, s7  }
0x1c5: {  	s22 =	sand.u32 $0x40, s5;
	[tilespmem:s7+$0x14830] =	vst v3;
	v47 =	vld [tilespmem:s6+$0x6800];
	s0 =	sadd.s32 s16, s17  }
0x1c6: {  	s23 =	spop (v2sf);
	v3 =	vld [tilespmem:s17+$0x0];
	s2 =	sor.u32 s22, s0;
	v2 =	vadd.f32 v45, v2  }
0x1c7: {  	s16 =	sand.u32 $0xFFFFFF80, s23;
	s17 =	sor.u32 $0x1C80, s7;
	v48 =	vld [tilespmem:s2+$0x6800]  }
0x1c8: {  	s5 =	sand.u32 $0x40, s23;
	s0 =	sadd.s32 s16, s17;
	[tilespmem:s7+$0x14C30] =	vst v2;
	v5 =	vadd.f32 v46, v6  }
0x1c9: {  	s5 =	sor.u32 s5, s0;
	v2 =	vld [tilespmem:s17+$0x0]  }
0x1ca: {  	s22 =	sor.u32 $0x1090, s7;
	v49 =	vld [tilespmem:s5+$0x6800];
	v4 =	vadd.f32 v4, v47;
	[tilespmem:s7+$0x14080] =	vst v5  }
0x1cb: {  	v5 =	vld [tilespmem:s22+$0x0]  }
0x1cc: {  	s23 =	sor.u32 $0x1490, s7;
	v50 =	vld [tilespmem:s9+$0x6810];
	[tilespmem:s7+$0x14480] =	vst v4;
	v3 =	vadd.f32 v3, v48  }
0x1cd: {  	v4 =	vld [tilespmem:s23+$0x0]  }
0x1ce: {  	s16 =	sor.u32 $0x1890, s7;
	v51 =	vld [tilespmem:s6+$0x6810];
	[tilespmem:s7+$0x14880] =	vst v3  }
0x1cf: {  	v2 =	vadd.f32 v2, v49;
	v3 =	vld [tilespmem:s16+$0x0]  }
0x1d0: {  	v52 =	vld [tilespmem:s2+$0x6810]  }
0x1d1: {  	s17 =	sor.u32 $0x1C90, s7;
	[tilespmem:s7+$0x14C80] =	vst v2;
	v5 =	vadd.f32 v5, v50  }
0x1d2: {  	v2 =	vld [tilespmem:s17+$0x0]  }
0x1d3: {  	s22 =	sor.u32 $0x10A0, s7;
	v53 =	vld [tilespmem:s5+$0x6810];
	v4 =	vadd.f32 v4, v51;
	[tilespmem:s7+$0x14090] =	vst v5  }
0x1d4: {  	v5 =	vld [tilespmem:s22+$0x0]  }
0x1d5: {  	s23 =	sor.u32 $0x14A0, s7;
	v54 =	vld [tilespmem:s9+$0x6820];
	[tilespmem:s7+$0x14490] =	vst v4;
	v3 =	vadd.f32 v3, v52  }
0x1d6: {  	v4 =	vld [tilespmem:s23+$0x0]  }
0x1d7: {  	s16 =	sor.u32 $0x18A0, s7;
	v55 =	vld [tilespmem:s6+$0x6820];
	[tilespmem:s7+$0x14890] =	vst v3  }
0x1d8: {  	v2 =	vadd.f32 v2, v53;
	v3 =	vld [tilespmem:s16+$0x0]  }
0x1d9: {  	s22 =	sor.u32 $0xE20, s7;
	v56 =	vld [tilespmem:s2+$0x6820]  }
0x1da: {  	(v2sf) =	vpush v0, $0x2;
	s17 =	sor.u32 $0x1CA0, s7;
	v9 =	vld [tilespmem:s22+$0x0];
	[tilespmem:s7+$0x14C90] =	vst v2;
	v5 =	vadd.f32 v5, v54  }
0x1db: {  	v2 =	vld [tilespmem:s17+$0x0]  }
0x1dc: {  	v57 =	vld [tilespmem:s5+$0x6820];
	v4 =	vadd.f32 v4, v55;
	[tilespmem:s7+$0x140A0] =	vst v5  }
0x1dd: {  	s23 =	sor.u32 $0x10B0, s7;
	v5 =	vld [tilespmem:s9+$0x6830]  }
0x1de: {  	v58 =	vld [tilespmem:s23+$0x0];
	[tilespmem:s7+$0x144A0] =	vst v4;
	v3 =	vadd.f32 v3, v56  }
0x1df: {  	s9 =	sor.u32 $0x14B0, s7;
	v4 =	vld [tilespmem:s6+$0x6830]  }
0x1e0: {  	v1 =	vadd.f32 v9, v1;
	v59 =	vld [tilespmem:s9+$0x0];
	[tilespmem:s7+$0x148A0] =	vst v3  }
0x1e1: {  	s16 =	sor.u32 $0x18B0, s7;
	v2 =	vadd.f32 v2, v57;
	v3 =	vld [tilespmem:s2+$0x6830]  }
0x1e2: {  	[tilespmem:s7+$0x13E20] =	vst v1;
	v60 =	vld [tilespmem:s16+$0x0]  }
0x1e3: {  	s22 =	sor.u32 $0x1100, s7;
	s17 =	sand.u32 $0xFFFFFF80, s3;
	v1 =	vld [tilespmem:s28+$0x6830];
	[tilespmem:s7+$0x14CA0] =	vst v2;
	v61 =	vadd.f32 v58, v5  }
0x1e4: {  	s3 =	sand.u32 $0x40, s3;
	s0 =	sadd.s32 s17, s22;
	s23 =	sor.u32 $0x1CB0, s7;
	v62 =	vld [tilespmem:s5+$0x6830]  }
0x1e5: {  	v63 =	vld [tilespmem:s23+$0x0];
	s5 =	sor.u32 s3, s0;
	v12 =	vadd.f32 v59, v4;
	[tilespmem:s7+$0x140B0] =	vst v61  }
0x1e6: {  	s6 =	sor.u32 $0x1500, s7;
	s3 =	sand.u32 $0xFFFFFF80, s4;
	v13 =	vld [tilespmem:s5+$0x6800]  }
0x1e7: {  	s4 =	sand.u32 $0x40, s4;
	s0 =	sadd.s32 s3, s6;
	v14 =	vld [tilespmem:s22+$0x0];
	[tilespmem:s7+$0x144B0] =	vst v12;
	v15 =	vadd.f32 v60, v3  }
0x1e8: {  	s17 =	sor.u32 $0x1900, s7;
	s9 =	sand.u32 $0xFFFFFF80, s8;
	s4 =	sor.u32 s4, s0;
	v16 =	vld [tilespmem:s6+$0x0]  }
0x1e9: {  	s16 =	sand.u32 $0x40, s8;
	s22 =	spop (v2sf);
	s0 =	sadd.s32 s9, s17;
	v17 =	vld [tilespmem:s4+$0x6800];
	[tilespmem:s7+$0x148B0] =	vst v15  }
0x1ea: {  	s28 =	sor.u32 $0x1D00, s7;
	s23 =	sand.u32 $0xFFFFFF80, s22;
	s8 =	sor.u32 s16, s0;
	v18 =	vadd.f32 v63, v62;
	v19 =	vld [tilespmem:s17+$0x0]  }
0x1eb: {  	s6 =	sand.u32 $0x40, s22;
	s9 =	sadd.s32 s23, s28;
	v20 =	vld [tilespmem:s8+$0x6800];
	s17 =	sor.u32 $0xE30, s7  }
0x1ec: {  	s6 =	sor.u32 s6, s9;
	v24 =	vld [tilespmem:s17+$0x0];
	[tilespmem:s7+$0x14CB0] =	vst v18;
	v21 =	vadd.f32 v14, v13  }
0x1ed: {  	v22 =	vld [tilespmem:s6+$0x6800]  }
0x1ee: {  	v23 =	vld [tilespmem:s28+$0x0];
	v25 =	vadd.f32 v16, v17;
	[tilespmem:s7+$0x14100] =	vst v21  }
0x1ef: {  	s22 =	sor.u32 $0x1110, s7;
	v26 =	vld [tilespmem:s5+$0x6810]  }
0x1f0: {  	v27 =	vld [tilespmem:s22+$0x0];
	[tilespmem:s7+$0x14500] =	vst v25;
	v28 =	vadd.f32 v19, v20  }
0x1f1: {  	s23 =	sor.u32 $0x1510, s7;
	v29 =	vld [tilespmem:s4+$0x6810]  }
0x1f2: {  	v30 =	vld [tilespmem:s23+$0x0];
	v1 =	vadd.f32 v24, v1;
	[tilespmem:s7+$0x14900] =	vst v28  }
0x1f3: {  	s3 =	sor.u32 $0xE80, s7;
	s28 =	sor.u32 $0x1910, s7;
	s22 =	sand.u32 $0xFFFFFF80, s25;
	v32 =	vld [tilespmem:s8+$0x6810]  }
0x1f4: {  	s0 =	sadd.s32 s22, s3;
	v31 =	vadd.f32 v23, v22;
	v33 =	vld [tilespmem:s28+$0x0];
	[tilespmem:s7+$0x13E30] =	vst v1;
	s28 =	sand.u32 $0x40, s25  }
0x1f5: {  	v37 =	vld [tilespmem:s3+$0x0];
	s3 =	sor.u32 s28, s0  }
0x1f6: {  	[tilespmem:s7+$0x14D00] =	vst v31;
	v34 =	vadd.f32 v27, v26;
	v46 =	vld [tilespmem:s3+$0x6800]  }
0x1f7: {  	s2 =	sor.u32 $0x1D10, s7;
	v35 =	vld [tilespmem:s6+$0x6810]  }
0x1f8: {  	v36 =	vld [tilespmem:s2+$0x0];
	v38 =	vadd.f32 v30, v29;
	[tilespmem:s7+$0x14110] =	vst v34  }
0x1f9: {  	s9 =	sor.u32 $0x1120, s7;
	v39 =	vld [tilespmem:s5+$0x6820]  }
0x1fa: {  	v40 =	vld [tilespmem:s9+$0x0];
	[tilespmem:s7+$0x14510] =	vst v38;
	v41 =	vadd.f32 v33, v32  }
0x1fb: {  	s16 =	sor.u32 $0x1520, s7;
	v42 =	vld [tilespmem:s4+$0x6820]  }
0x1fc: {  	s17 =	sor.u32 $0x1920, s7;
	v43 =	vld [tilespmem:s16+$0x0];
	[tilespmem:s7+$0x14910] =	vst v41;
	v49 =	vadd.f32 v37, v46  }
0x1fd: {  	v1 =	vadd.f32 v36, v35;
	v2 =	vld [tilespmem:s17+$0x0]  }
0x1fe: {  	v44 =	vld [tilespmem:s8+$0x6820];
	[tilespmem:s7+$0x13E80] =	vst v49  }
0x1ff: {  	s23 =	sor.u32 $0x1D20, s7;
	[tilespmem:s7+$0x14D10] =	vst v1;
	v5 =	vadd.f32 v40, v39;
	v54 =	vld [tilespmem:s3+$0x6810]  }
0x200: {  	(v2sf) =	vpush v0, $0x3;
	v1 =	vld [tilespmem:s23+$0x0]  }
0x201: {  	v45 =	vld [tilespmem:s6+$0x6820];
	v4 =	vadd.f32 v43, v42;
	[tilespmem:s7+$0x14120] =	vst v5  }
0x202: {  	s2 =	sor.u32 $0x1130, s7;
	v5 =	vld [tilespmem:s5+$0x6830]  }
0x203: {  	v47 =	vld [tilespmem:s2+$0x0];
	[tilespmem:s7+$0x14520] =	vst v4;
	v2 =	vadd.f32 v2, v44  }
0x204: {  	s5 =	sor.u32 $0x1530, s7;
	v48 =	vld [tilespmem:s4+$0x6830]  }
0x205: {  	s16 =	sand.u32 $0xFFFFFF80, s21;
	s17 =	sor.u32 $0x1180, s7;
	v4 =	vld [tilespmem:s5+$0x0];
	[tilespmem:s7+$0x14920] =	vst v2  }
0x206: {  	s9 =	sor.u32 $0x1930, s7;
	s0 =	sadd.s32 s16, s17;
	s23 =	sand.u32 $0x40, s21;
	v1 =	vadd.f32 v1, v45;
	v2 =	vld [tilespmem:s8+$0x6830]  }
0x207: {  	s4 =	sor.u32 s23, s0;
	s23 =	sor.u32 $0xE90, s7;
	v50 =	vld [tilespmem:s9+$0x0]  }
0x208: {  	v15 =	vld [tilespmem:s23+$0x0];
	[tilespmem:s7+$0x14D20] =	vst v1;
	v51 =	vadd.f32 v47, v5  }
0x209: {  	s22 =	sor.u32 $0x1D30, s7;
	v52 =	vld [tilespmem:s6+$0x6830]  }
0x20a: {  	s25 =	sand.u32 $0xFFFFFF80, s31;
	s28 =	sor.u32 $0x1580, s7;
	v53 =	vld [tilespmem:s22+$0x0];
	v55 =	vadd.f32 v4, v48;
	[tilespmem:s7+$0x14130] =	vst v51  }
0x20b: {  	s0 =	sadd.s32 s25, s28;
	s8 =	sand.u32 $0x40, s31;
	v56 =	vld [tilespmem:s4+$0x6800]  }
0x20c: {  	s5 =	sor.u32 s8, s0;
	v57 =	vld [tilespmem:s17+$0x0];
	[tilespmem:s7+$0x14530] =	vst v55;
	v58 =	vadd.f32 v50, v2  }
0x20d: {  	s16 =	sor.u32 $0x1980, s7;
	s9 =	sand.u32 $0xFFFFFF80, s1;
	v59 =	vld [tilespmem:s5+$0x6800]  }
0x20e: {  	s1 =	sand.u32 $0x40, s1;
	s0 =	sadd.s32 s9, s16;
	v24 =	vadd.f32 v15, v54;
	v60 =	vld [tilespmem:s28+$0x0];
	[tilespmem:s7+$0x14930] =	vst v58  }
0x20f: {  	s1 =	sor.u32 s1, s0;
	s17 =	spop (v2sf);
	v61 =	vadd.f32 v53, v52;
	v62 =	vld [tilespmem:s16+$0x0]  }
0x210: {  	s8 =	sor.u32 $0xEA0, s7;
	s22 =	sor.u32 $0x1D80, s7;
	s21 =	sand.u32 $0xFFFFFF80, s17;
	[tilespmem:s7+$0x13E90] =	vst v24;
	v63 =	vld [tilespmem:s1+$0x6800]  }
0x211: {  	s6 =	sand.u32 $0x40, s17;
	s0 =	sadd.s32 s21, s22;
	v29 =	vld [tilespmem:s8+$0x0];
	[tilespmem:s7+$0x14D30] =	vst v61;
	v12 =	vadd.f32 v57, v56  }
0x212: {  	s6 =	sor.u32 s6, s0;
	v13 =	vld [tilespmem:s22+$0x0]  }
0x213: {  	v14 =	vld [tilespmem:s6+$0x6800];
	v16 =	vadd.f32 v60, v59;
	[tilespmem:s7+$0x14180] =	vst v12  }
0x214: {  	s25 =	sor.u32 $0x1190, s7;
	v17 =	vld [tilespmem:s4+$0x6810]  }
0x215: {  	v18 =	vld [tilespmem:s25+$0x0];
	[tilespmem:s7+$0x14580] =	vst v16;
	v19 =	vadd.f32 v62, v63  }
0x216: {  	s28 =	sor.u32 $0x1590, s7;
	v20 =	vld [tilespmem:s5+$0x6810]  }
0x217: {  	v21 =	vld [tilespmem:s28+$0x0];
	[tilespmem:s7+$0x14980] =	vst v19  }
0x218: {  	s31 =	sor.u32 $0x1990, s7;
	v22 =	vadd.f32 v13, v14;
	v23 =	vld [tilespmem:s1+$0x6810]  }
0x219: {  	v25 =	vld [tilespmem:s31+$0x0]  }
0x21a: {  	s2 =	sor.u32 $0x1D90, s7;
	v40 =	vld [tilespmem:s3+$0x6820];
	[tilespmem:s7+$0x14D80] =	vst v22;
	v26 =	vadd.f32 v18, v17  }
0x21b: {  	v27 =	vld [tilespmem:s2+$0x0]  }
0x21c: {  	v28 =	vld [tilespmem:s6+$0x6810];
	v30 =	vadd.f32 v21, v20;
	[tilespmem:s7+$0x14190] =	vst v26  }
0x21d: {  	s9 =	sor.u32 $0x11A0, s7;
	v31 =	vld [tilespmem:s4+$0x6820]  }
0x21e: {  	v32 =	vld [tilespmem:s9+$0x0];
	[tilespmem:s7+$0x14590] =	vst v30;
	v33 =	vadd.f32 v25, v23  }
0x21f: {  	s16 =	sor.u32 $0x15A0, s7;
	v34 =	vld [tilespmem:s5+$0x6820]  }
0x220: {  	v43 =	vadd.f32 v29, v40;
	v35 =	vld [tilespmem:s16+$0x0];
	[tilespmem:s7+$0x14990] =	vst v33  }
0x221: {  	s17 =	sor.u32 $0x19A0, s7;
	v36 =	vadd.f32 v27, v28;
	v37 =	vld [tilespmem:s1+$0x6820]  }
0x222: {  	[tilespmem:s7+$0x13EA0] =	vst v43;
	v38 =	vld [tilespmem:s17+$0x0]  }
0x223: {  	(v2sf) =	vpush v0, $0x4;
	s21 =	sor.u32 $0x1DA0, s7;
	v48 =	vld [tilespmem:s3+$0x6830];
	[tilespmem:s7+$0x14D90] =	vst v36;
	v5 =	vadd.f32 v32, v31  }
0x224: {  	v1 =	vld [tilespmem:s21+$0x0]  }
0x225: {  	v39 =	vld [tilespmem:s6+$0x6820];
	v3 =	vadd.f32 v35, v34;
	[tilespmem:s7+$0x141A0] =	vst v5  }
0x226: {  	s22 =	sor.u32 $0x11B0, s7;
	v5 =	vld [tilespmem:s4+$0x6830]  }
0x227: {  	v41 =	vld [tilespmem:s22+$0x0];
	[tilespmem:s7+$0x145A0] =	vst v3;
	v2 =	vadd.f32 v38, v37  }
0x228: {  	s23 =	sor.u32 $0x15B0, s7;
	v3 =	vld [tilespmem:s5+$0x6830]  }
0x229: {  	v42 =	vld [tilespmem:s23+$0x0];
	[tilespmem:s7+$0x149A0] =	vst v2  }
0x22a: {  	s25 =	sor.u32 $0x19B0, s7;
	s28 =	sand.u32 $0xFFFFFF80, s26;
	s31 =	sor.u32 $0x1200, s7;
	v1 =	vadd.f32 v1, v39;
	v2 =	vld [tilespmem:s1+$0x6830]  }
0x22b: {  	s0 =	sadd.s32 s28, s31;
	s28 =	sor.u32 $0xEB0, s7;
	v44 =	vld [tilespmem:s25+$0x0]  }
0x22c: {  	v61 =	vld [tilespmem:s28+$0x0];
	[tilespmem:s7+$0x14DA0] =	vst v1;
	v45 =	vadd.f32 v41, v5  }
0x22d: {  	s5 =	sor.u32 $0x1DB0, s7;
	v46 =	vld [tilespmem:s6+$0x6830];
	s6 =	sand.u32 $0x40, s26  }
0x22e: {  	s8 =	sand.u32 $0xFFFFFF80, s29;
	s9 =	sor.u32 $0x1600, s7;
	v47 =	vld [tilespmem:s5+$0x0];
	v49 =	vadd.f32 v42, v3;
	[tilespmem:s7+$0x141B0] =	vst v45;
	s3 =	sor.u32 s6, s0  }
0x22f: {  	s16 =	sand.u32 $0x40, s29;
	s0 =	sadd.s32 s8, s9;
	v50 =	vld [tilespmem:s3+$0x6800]  }
0x230: {  	s17 =	sand.u32 $0xFFFFFF80, s18;
	s21 =	sor.u32 $0x1A00, s7;
	v51 =	vld [tilespmem:s31+$0x0];
	[tilespmem:s7+$0x145B0] =	vst v49;
	s4 =	sor.u32 s16, s0;
	v52 =	vadd.f32 v44, v2  }
0x231: {  	s22 =	sand.u32 $0x40, s18;
	s0 =	sadd.s32 s17, s21;
	v53 =	vld [tilespmem:s4+$0x6800]  }
0x232: {  	v18 =	vadd.f32 v61, v48;
	s23 =	spop (v2sf);
	v54 =	vld [tilespmem:s9+$0x0];
	s5 =	sor.u32 s22, s0;
	[tilespmem:s7+$0x149B0] =	vst v52  }
0x233: {  	s25 =	sand.u32 $0xFFFFFF80, s23;
	s26 =	sor.u32 $0x1E00, s7;
	v55 =	vadd.f32 v47, v46;
	v56 =	vld [tilespmem:s5+$0x6800]  }
0x234: {  	[tilespmem:s7+$0x13EB0] =	vst v18;
	s6 =	sand.u32 $0x40, s23;
	s8 =	sor.u32 $0xF00, s7;
	s0 =	sadd.s32 s25, s26;
	v57 =	vld [tilespmem:s21+$0x0]  }
0x235: {  	v23 =	vld [tilespmem:s8+$0x0];
	s6 =	sor.u32 s6, s0;
	[tilespmem:s7+$0x14DB0] =	vst v55;
	v58 =	vadd.f32 v51, v50  }
0x236: {  	v59 =	vld [tilespmem:s6+$0x6800]  }
0x237: {  	v60 =	vld [tilespmem:s26+$0x0];
	v62 =	vadd.f32 v54, v53;
	[tilespmem:s7+$0x14200] =	vst v58  }
0x238: {  	s29 =	sor.u32 $0x1210, s7;
	v63 =	vld [tilespmem:s3+$0x6810]  }
0x239: {  	v12 =	vld [tilespmem:s29+$0x0];
	[tilespmem:s7+$0x14600] =	vst v62;
	v13 =	vadd.f32 v57, v56  }
0x23a: {  	s31 =	sor.u32 $0x1610, s7;
	v14 =	vld [tilespmem:s4+$0x6810]  }
0x23b: {  	s18 =	sand.u32 $0xFFFFFF80, s24;
	s1 =	sor.u32 $0x1A10, s7;
	v15 =	vld [tilespmem:s31+$0x0];
	[tilespmem:s7+$0x14A00] =	vst v13  }
0x23c: {  	s22 =	sand.u32 $0x40, s24;
	v16 =	vadd.f32 v60, v59;
	v19 =	vld [tilespmem:s1+$0x0];
	s1 =	sadd.s32 s18, s8  }
0x23d: {  	v17 =	vld [tilespmem:s5+$0x6810];
	s1 =	sor.u32 s22, s1  }
0x23e: {  	[tilespmem:s7+$0x14E00] =	vst v16;
	v20 =	vadd.f32 v12, v63;
	v34 =	vld [tilespmem:s1+$0x6800]  }
0x23f: {  	s2 =	sor.u32 $0x1E10, s7;
	v21 =	vld [tilespmem:s6+$0x6810]  }
0x240: {  	v22 =	vld [tilespmem:s2+$0x0];
	v24 =	vadd.f32 v15, v14;
	[tilespmem:s7+$0x14210] =	vst v20  }
0x241: {  	s9 =	sor.u32 $0x1220, s7;
	v25 =	vld [tilespmem:s3+$0x6820]  }
0x242: {  	v26 =	vld [tilespmem:s9+$0x0];
	[tilespmem:s7+$0x14610] =	vst v24;
	v27 =	vadd.f32 v19, v17  }
0x243: {  	s16 =	sor.u32 $0x1620, s7;
	v28 =	vld [tilespmem:s4+$0x6820]  }
0x244: {  	v29 =	vld [tilespmem:s16+$0x0];
	[tilespmem:s7+$0x14A10] =	vst v27;
	v37 =	vadd.f32 v23, v34  }
0x245: {  	s17 =	sor.u32 $0x1A20, s7;
	v30 =	vadd.f32 v22, v21;
	v31 =	vld [tilespmem:s5+$0x6820]  }
0x246: {  	v32 =	vld [tilespmem:s17+$0x0];
	[tilespmem:s7+$0x13F00] =	vst v37  }
0x247: {  	s21 =	sor.u32 $0x1E20, s7;
	[tilespmem:s7+$0x14E10] =	vst v30;
	v42 =	vld [tilespmem:s1+$0x6810]  }
0x248: {  	(v2sf) =	vpush v0, $0x5;
	v5 =	vadd.f32 v26, v25;
	v1 =	vld [tilespmem:s21+$0x0]  }
0x249: {  	s26 =	sand.u32 $0xFFFFFF80, s20;
	s31 =	sand.u32 $0x40, s20;
	s20 =	sor.u32 $0xF10, s7;
	v33 =	vld [tilespmem:s6+$0x6820]  }
0x24a: {  	v55 =	vld [tilespmem:s20+$0x0];
	v3 =	vadd.f32 v29, v28;
	[tilespmem:s7+$0x14220] =	vst v5  }
0x24b: {  	s23 =	sor.u32 $0x1230, s7;
	v5 =	vld [tilespmem:s3+$0x6830]  }
0x24c: {  	v35 =	vld [tilespmem:s23+$0x0];
	[tilespmem:s7+$0x14620] =	vst v3;
	v2 =	vadd.f32 v32, v31  }
0x24d: {  	s24 =	sor.u32 $0x1630, s7;
	v3 =	vld [tilespmem:s4+$0x6830]  }
0x24e: {  	v36 =	vld [tilespmem:s24+$0x0];
	[tilespmem:s7+$0x14A20] =	vst v2;
	v1 =	vadd.f32 v1, v33  }
0x24f: {  	s25 =	sor.u32 $0x1A30, s7;
	v2 =	vld [tilespmem:s5+$0x6830]  }
0x250: {  	v11 =	vadd.f32 v55, v42;
	v38 =	vld [tilespmem:s25+$0x0];
	[tilespmem:s7+$0x14E20] =	vst v1  }
0x251: {  	s28 =	sor.u32 $0x1280, s7;
	s29 =	sor.u32 $0x1E30, s7;
	v39 =	vadd.f32 v35, v5;
	v40 =	vld [tilespmem:s6+$0x6830]  }
0x252: {  	s0 =	sadd.s32 s26, s28;
	s25 =	sor.u32 $0xF20, s7;
	[tilespmem:s7+$0x13F10] =	vst v11;
	v41 =	vld [tilespmem:s29+$0x0]  }
0x253: {  	s3 =	sor.u32 s31, s0;
	s5 =	sand.u32 $0xFFFFFF80, s10;
	v16 =	vld [tilespmem:s25+$0x0];
	v43 =	vadd.f32 v36, v3;
	s6 =	sor.u32 $0x1680, s7;
	[tilespmem:s7+$0x14230] =	vst v39  }
0x254: {  	s8 =	sand.u32 $0x40, s10;
	s0 =	sadd.s32 s5, s6;
	v44 =	vld [tilespmem:s3+$0x6800]  }
0x255: {  	v45 =	vld [tilespmem:s28+$0x0];
	[tilespmem:s7+$0x14630] =	vst v43;
	s0 =	sor.u32 s8, s0;
	v46 =	vadd.f32 v38, v2  }
0x256: {  	s9 =	sand.u32 $0xFFFFFF80, s19;
	s10 =	sor.u32 $0x1A80, s7;
	v47 =	vld [tilespmem:s0+$0x6800]  }
0x257: {  	s16 =	sand.u32 $0x40, s19;
	s17 =	spop (v2sf);
	s2 =	sadd.s32 s9, s10;
	v48 =	vld [tilespmem:s6+$0x0];
	[tilespmem:s7+$0x14A30] =	vst v46;
	v49 =	vadd.f32 v41, v40  }
0x258: {  	s19 =	sor.u32 $0x1E80, s7;
	s18 =	sand.u32 $0xFFFFFF80, s17;
	s4 =	sor.u32 s16, s2;
	v50 =	vld [tilespmem:s10+$0x0]  }
0x259: {  	s2 =	sadd.s32 s18, s19;
	s6 =	sand.u32 $0x40, s17;
	v51 =	vld [tilespmem:s4+$0x6800];
	[tilespmem:s7+$0x14E30] =	vst v49  }
0x25a: {  	s2 =	sor.u32 s6, s2;
	v52 =	vadd.f32 v45, v44;
	v53 =	vld [tilespmem:s19+$0x0]  }
0x25b: {  	v54 =	vld [tilespmem:s2+$0x6800]  }
0x25c: {  	v27 =	vld [tilespmem:s1+$0x6820];
	v56 =	vadd.f32 v48, v47;
	[tilespmem:s7+$0x14280] =	vst v52  }
0x25d: {  	s21 =	sor.u32 $0x1290, s7;
	v57 =	vld [tilespmem:s3+$0x6810]  }
0x25e: {  	v58 =	vld [tilespmem:s21+$0x0];
	[tilespmem:s7+$0x14680] =	vst v56;
	v59 =	vadd.f32 v50, v51  }
0x25f: {  	s22 =	sor.u32 $0x1690, s7;
	v60 =	vld [tilespmem:s0+$0x6810]  }
0x260: {  	v61 =	vld [tilespmem:s22+$0x0];
	[tilespmem:s7+$0x14A80] =	vst v59;
	v62 =	vadd.f32 v53, v54  }
0x261: {  	s23 =	sor.u32 $0x1A90, s7;
	v63 =	vld [tilespmem:s4+$0x6810]  }
0x262: {  	s24 =	sor.u32 $0x1E90, s7;
	v30 =	vadd.f32 v16, v27;
	v12 =	vld [tilespmem:s23+$0x0];
	[tilespmem:s7+$0x14E80] =	vst v62  }
0x263: {  	v13 =	vadd.f32 v58, v57;
	v14 =	vld [tilespmem:s24+$0x0]  }
0x264: {  	[tilespmem:s7+$0x13F20] =	vst v30;
	v15 =	vld [tilespmem:s2+$0x6810]  }
0x265: {  	v33 =	vld [tilespmem:s1+$0x6830];
	v17 =	vadd.f32 v61, v60;
	[tilespmem:s7+$0x14290] =	vst v13  }
0x266: {  	s26 =	sor.u32 $0x12A0, s7;
	v18 =	vld [tilespmem:s3+$0x6820]  }
0x267: {  	v19 =	vld [tilespmem:s26+$0x0];
	[tilespmem:s7+$0x14690] =	vst v17;
	v20 =	vadd.f32 v12, v63  }
0x268: {  	s28 =	sor.u32 $0x16A0, s7;
	v21 =	vld [tilespmem:s0+$0x6820]  }
0x269: {  	v22 =	vld [tilespmem:s28+$0x0];
	[tilespmem:s7+$0x14A90] =	vst v20;
	v23 =	vadd.f32 v14, v15  }
0x26a: {  	s29 =	sor.u32 $0x1AA0, s7;
	v24 =	vld [tilespmem:s4+$0x6820]  }
0x26b: {  	s31 =	sor.u32 $0x1EA0, s7;
	v25 =	vld [tilespmem:s29+$0x0];
	[tilespmem:s7+$0x14E90] =	vst v23  }
0x26c: {  	(v2sf) =	vpush v0, $0x6;
	v5 =	vadd.f32 v19, v18;
	v1 =	vld [tilespmem:s31+$0x0]  }
0x26d: {  	s18 =	sor.u32 $0xF30, s7;
	v26 =	vld [tilespmem:s2+$0x6820]  }
0x26e: {  	v34 =	vld [tilespmem:s18+$0x0];
	v3 =	vadd.f32 v22, v21;
	[tilespmem:s7+$0x142A0] =	vst v5  }
0x26f: {  	s6 =	sor.u32 $0x12B0, s7;
	v5 =	vld [tilespmem:s3+$0x6830]  }
0x270: {  	v28 =	vld [tilespmem:s6+$0x0];
	[tilespmem:s7+$0x146A0] =	vst v3;
	v2 =	vadd.f32 v25, v24  }
0x271: {  	s8 =	sor.u32 $0x16B0, s7;
	v3 =	vld [tilespmem:s0+$0x6830]  }
0x272: {  	v29 =	vld [tilespmem:s8+$0x0];
	[tilespmem:s7+$0x14AA0] =	vst v2;
	v1 =	vadd.f32 v1, v26  }
0x273: {  	s9 =	sor.u32 $0x1AB0, s7;
	v2 =	vld [tilespmem:s4+$0x6830]  }
0x274: {  	v37 =	vadd.f32 v34, v33;
	v31 =	vld [tilespmem:s9+$0x0];
	[tilespmem:s7+$0x14EA0] =	vst v1  }
0x275: {  	s16 =	sand.u32 $0xFFFFFF80, s14;
	s17 =	sor.u32 $0x1300, s7;
	s10 =	sor.u32 $0x1EB0, s7;
	v5 =	vadd.f32 v28, v5;
	v1 =	vld [tilespmem:s2+$0x6830]  }
0x276: {  	s25 =	sor.u32 $0xF80, s7;
	s19 =	sand.u32 $0x40, s14;
	[tilespmem:s7+$0x13F30] =	vst v37;
	v32 =	vld [tilespmem:s10+$0x0];
	s2 =	sadd.s32 s16, s17  }
0x277: {  	s20 =	sand.u32 $0xFFFFFF80, s15;
	s21 =	sor.u32 $0x1700, s7;
	v42 =	vld [tilespmem:s25+$0x0];
	v3 =	vadd.f32 v29, v3;
	[tilespmem:s7+$0x142B0] =	vst v5;
	s1 =	sor.u32 s19, s2  }
0x278: {  	s22 =	sand.u32 $0x40, s15;
	s0 =	sadd.s32 s20, s21;
	v35 =	vld [tilespmem:s1+$0x6800]  }
0x279: {  	s3 =	sor.u32 s22, s0;
	v5 =	vld [tilespmem:s17+$0x0];
	[tilespmem:s7+$0x146B0] =	vst v3;
	v2 =	vadd.f32 v31, v2  }
0x27a: {  	s23 =	sand.u32 $0xFFFFFF80, s13;
	s26 =	sand.u32 $0xFFFFFF80, s11;
	s29 =	sor.u32 $0x1B00, s7;
	v3 =	vld [tilespmem:s3+$0x6800]  }
0x27b: {  	s28 =	sand.u32 $0x40, s11;
	s31 =	spop (v2sf);
	s2 =	sadd.s32 s26, s29;
	v36 =	vld [tilespmem:s21+$0x0];
	[tilespmem:s7+$0x14AB0] =	vst v2;
	v1 =	vadd.f32 v32, v1  }
0x27c: {  	s11 =	sand.u32 $0xFFFFFF80, s31;
	s10 =	sor.u32 $0x1F00, s7;
	s4 =	sor.u32 s28, s2;
	v38 =	vld [tilespmem:s29+$0x0]  }
0x27d: {  	s24 =	sand.u32 $0x40, s13;
	s13 =	sand.u32 $0x40, s31;
	s2 =	sadd.s32 s11, s10;
	v39 =	vld [tilespmem:s4+$0x6800];
	[tilespmem:s7+$0x14EB0] =	vst v1  }
0x27e: {  	s0 =	sadd.s32 s23, s25;
	s5 =	sor.u32 s13, s2;
	v4 =	vadd.f32 v5, v35;
	v1 =	vld [tilespmem:s10+$0x0]  }
0x27f: {  	s0 =	sor.u32 s24, s0;
	v41 =	vld [tilespmem:s5+$0x6800]  }
0x280: {  	v40 =	vld [tilespmem:s0+$0x6800];
	v3 =	vadd.f32 v36, v3;
	[tilespmem:s7+$0x14300] =	vst v4  }
0x281: {  	s14 =	sor.u32 $0x1310, s7;
	v4 =	vld [tilespmem:s1+$0x6810]  }
0x282: {  	v43 =	vld [tilespmem:s14+$0x0];
	[tilespmem:s7+$0x14700] =	vst v3;
	v2 =	vadd.f32 v38, v39  }
0x283: {  	s15 =	sor.u32 $0x1710, s7;
	v3 =	vld [tilespmem:s3+$0x6810]  }
0x284: {  	v44 =	vld [tilespmem:s15+$0x0];
	[tilespmem:s7+$0x14B00] =	vst v2;
	v1 =	vadd.f32 v1, v41  }
0x285: {  	s16 =	sor.u32 $0x1B10, s7;
	v2 =	vld [tilespmem:s4+$0x6810]  }
0x286: {  	s17 =	sor.u32 $0x1F10, s7;
	v45 =	vadd.f32 v42, v40;
	v46 =	vld [tilespmem:s16+$0x0];
	[tilespmem:s7+$0x14F00] =	vst v1  }
0x287: {  	v47 =	vadd.f32 v43, v4;
	v48 =	vld [tilespmem:s17+$0x0]  }
0x288: {  	s18 =	sor.u32 $0xF90, s7;
	[tilespmem:s7+$0x13F80] =	vst v45;
	v49 =	vld [tilespmem:s5+$0x6810]  }
0x289: {  	v50 =	vld [tilespmem:s18+$0x0];
	v51 =	vadd.f32 v44, v3;
	[tilespmem:s7+$0x14310] =	vst v47  }
0x28a: {  	s19 =	sor.u32 $0x1320, s7;
	v52 =	vld [tilespmem:s1+$0x6820]  }
0x28b: {  	v53 =	vld [tilespmem:s19+$0x0];
	[tilespmem:s7+$0x14710] =	vst v51;
	v54 =	vadd.f32 v46, v2  }
0x28c: {  	s20 =	sor.u32 $0x1720, s7;
	v55 =	vld [tilespmem:s3+$0x6820]  }
0x28d: {  	v56 =	vld [tilespmem:s20+$0x0];
	[tilespmem:s7+$0x14B10] =	vst v54;
	v57 =	vadd.f32 v48, v49  }
0x28e: {  	s21 =	sor.u32 $0x1B20, s7;
	v58 =	vld [tilespmem:s4+$0x6820]  }
0x28f: {  	s22 =	sor.u32 $0x1F20, s7;
	v59 =	vld [tilespmem:s21+$0x0];
	[tilespmem:s7+$0x14F10] =	vst v57  }
0x290: {  	(v2sf) =	vpush v0, $0x7;
	v3 =	vadd.f32 v53, v52;
	v1 =	vld [tilespmem:s22+$0x0]  }
0x291: {  	v60 =	vld [tilespmem:s5+$0x6820]  }
0x292: {  	v61 =	vld [tilespmem:s0+$0x6810];
	v2 =	vadd.f32 v56, v55;
	[tilespmem:s7+$0x14320] =	vst v3  }
0x293: {  	s23 =	sor.u32 $0x1330, s7;
	v3 =	vld [tilespmem:s1+$0x6830]  }
0x294: {  	v62 =	vld [tilespmem:s23+$0x0];
	[tilespmem:s7+$0x14720] =	vst v2;
	v63 =	vadd.f32 v59, v58  }
0x295: {  	s24 =	sor.u32 $0x1730, s7;
	v9 =	vld [tilespmem:s3+$0x6830]  }
0x296: {  	v10 =	vld [tilespmem:s24+$0x0];
	[tilespmem:s7+$0x14B20] =	vst v63;
	v0 =	vadd.f32 v1, v60  }
0x297: {  	s25 =	sor.u32 $0x1B30, s7;
	s26 =	rddreg [dreg:$0x16];
	v11 =	vld [tilespmem:s4+$0x6830]  }
0x298: {  	s28 =	sand.u32 $0xFFFFFF80, s26;
	s29 =	sor.u32 $0x1380, s7;
	v12 =	vadd.f32 v50, v61;
	v13 =	vld [tilespmem:s25+$0x0];
	[tilespmem:s7+$0x14F20] =	vst v0  }
0x299: {  	s31 =	sor.u32 $0x1F30, s7;
	s1 =	sadd.s32 s28, s29;
	s4 =	sand.u32 $0x40, s26;
	v14 =	vadd.f32 v62, v3;
	v15 =	vld [tilespmem:s5+$0x6830]  }
0x29a: {  	[tilespmem:s7+$0x13F90] =	vst v12;
	s1 =	sor.u32 s4, s1;
	s4 =	rddreg [dreg:$0x14];
	v16 =	vld [tilespmem:s31+$0x0]  }
0x29b: {  	s8 =	sor.u32 $0x1780, s7;
	v17 =	vld [tilespmem:s0+$0x6820];
	s6 =	sand.u32 $0xFFFFFF80, s4;
	v18 =	vadd.f32 v10, v9;
	[tilespmem:s7+$0x14330] =	vst v14  }
0x29c: {  	s5 =	sand.u32 $0x40, s4;
	s3 =	sadd.s32 s6, s8;
	v19 =	vld [tilespmem:s1+$0x6800]  }
0x29d: {  	s3 =	sor.u32 s5, s3;
	v20 =	vld [tilespmem:s29+$0x0];
	[tilespmem:s7+$0x14730] =	vst v18;
	v21 =	vadd.f32 v13, v11  }
0x29e: {  	s9 =	sand.u32 $0xFFFFFF80, s12;
	s10 =	sor.u32 $0x1B80, s7;
	v22 =	vld [tilespmem:s3+$0x6800]  }
0x29f: {  	s11 =	sand.u32 $0x40, s12;
	s12 =	spop (v2sf);
	s2 =	sadd.s32 s9, s10;
	v23 =	vld [tilespmem:s8+$0x0];
	[tilespmem:s7+$0x14B30] =	vst v21;
	v24 =	vadd.f32 v16, v15  }
0x2a0: {  	s13 =	sand.u32 $0xFFFFFF80, s12;
	s14 =	sor.u32 $0x1F80, s7;
	s4 =	sor.u32 s11, s2;
	v25 =	vld [tilespmem:s10+$0x0]  }
0x2a1: {  	s6 =	sand.u32 $0x40, s12;
	s2 =	sadd.s32 s13, s14;
	v26 =	vld [tilespmem:s4+$0x6800];
	[tilespmem:s7+$0x14F30] =	vst v24  }
0x2a2: {  	s2 =	sor.u32 s6, s2;
	v27 =	vadd.f32 v20, v19;
	v28 =	vld [tilespmem:s14+$0x0]  }
0x2a3: {  	s15 =	sor.u32 $0xFA0, s7;
	v29 =	vld [tilespmem:s2+$0x6800]  }
0x2a4: {  	v30 =	vld [tilespmem:s15+$0x0];
	v31 =	vadd.f32 v23, v22;
	[tilespmem:s7+$0x14380] =	vst v27  }
0x2a5: {  	s16 =	sor.u32 $0x1390, s7;
	v32 =	vld [tilespmem:s1+$0x6810]  }
0x2a6: {  	v33 =	vld [tilespmem:s16+$0x0];
	[tilespmem:s7+$0x14780] =	vst v31;
	v34 =	vadd.f32 v25, v26  }
0x2a7: {  	s17 =	sor.u32 $0x1790, s7;
	v35 =	vld [tilespmem:s3+$0x6810]  }
0x2a8: {  	v36 =	vld [tilespmem:s17+$0x0];
	[tilespmem:s7+$0x14B80] =	vst v34;
	v37 =	vadd.f32 v28, v29  }
0x2a9: {  	s18 =	sor.u32 $0x1B90, s7;
	v38 =	vld [tilespmem:s4+$0x6810]  }
0x2aa: {  	s19 =	sor.u32 $0x1F90, s7;
	v39 =	vadd.f32 v30, v17;
	v40 =	vld [tilespmem:s18+$0x0];
	[tilespmem:s7+$0x14F80] =	vst v37  }
0x2ab: {  	v1 =	vadd.f32 v33, v32;
	v0 =	vld [tilespmem:s19+$0x0]  }
0x2ac: {  	[tilespmem:s7+$0x13FA0] =	vst v39;
	v41 =	vld [tilespmem:s2+$0x6810]  }
0x2ad: {  	v42 =	vld [tilespmem:s0+$0x6830];
	v43 =	vadd.f32 v36, v35;
	[tilespmem:s7+$0x14390] =	vst v1  }
0x2ae: {  	s20 =	sor.u32 $0x13A0, s7;
	v44 =	vld [tilespmem:s1+$0x6820]  }
0x2af: {  	v45 =	vld [tilespmem:s20+$0x0];
	[tilespmem:s7+$0x14790] =	vst v43;
	v46 =	vadd.f32 v40, v38  }
0x2b0: {  	s21 =	sor.u32 $0x17A0, s7;
	v47 =	vld [tilespmem:s3+$0x6820]  }
0x2b1: {  	v48 =	vld [tilespmem:s21+$0x0];
	[tilespmem:s7+$0x14B90] =	vst v46;
	v0 =	vadd.f32 v0, v41  }
0x2b2: {  	s22 =	sor.u32 $0x1BA0, s7;
	v1 =	vld [tilespmem:s4+$0x6820]  }
0x2b3: {  	s23 =	sor.u32 $0x1FA0, s7;
	v49 =	vld [tilespmem:s22+$0x0];
	[tilespmem:s7+$0x14F90] =	vst v0  }
0x2b4: {  	v50 =	vadd.f32 v45, v44;
	v51 =	vld [tilespmem:s23+$0x0]  }
0x2b5: {  	s24 =	sor.u32 $0xFB0, s7;
	v52 =	vld [tilespmem:s2+$0x6820]  }
0x2b6: {  	v53 =	vld [tilespmem:s24+$0x0];
	v54 =	vadd.f32 v48, v47;
	[tilespmem:s7+$0x143A0] =	vst v50  }
0x2b7: {  	s25 =	sor.u32 $0x13B0, s7;
	v55 =	vld [tilespmem:s1+$0x6830]  }
0x2b8: {  	v56 =	vld [tilespmem:s25+$0x0];
	[tilespmem:s7+$0x147A0] =	vst v54;
	v57 =	vadd.f32 v49, v1  }
0x2b9: {  	s26 =	sor.u32 $0x17B0, s7;
	v58 =	vld [tilespmem:s3+$0x6830]  }
0x2ba: {  	v59 =	vld [tilespmem:s26+$0x0];
	[tilespmem:s7+$0x14BA0] =	vst v57;
	v60 =	vadd.f32 v51, v52  }
0x2bb: {  	s28 =	sor.u32 $0x1BB0, s7;
	v61 =	vld [tilespmem:s4+$0x6830]  }
0x2bc: {  	v62 =	vld [tilespmem:s28+$0x0];
	[tilespmem:s7+$0x14FA0] =	vst v60  }
0x2bd: {  	s29 =	sor.u32 $0x1FB0, s7;
	v0 =	vld [tilespmem:s2+$0x6830]  }
0x2be: {  	v63 =	vld [tilespmem:s29+$0x0]  }
0x2bf: {  	v6 =	vadd.f32 v53, v42  }
0x2c0: {  	p1 =	slt.u32 s30, $0x80;
	v4 =	vadd.f32 v56, v55  }
.Ltmp2:
0x2c1: {  	[tilespmem:s7+$0x13FB0] =	vst v6;
	v1 =	vadd.f32 v59, v58;
	(pc) =	sbr.rel @p1 .LBB2_3-.Ltmp2, $4  }
0x2c2: {  	[tilespmem:s7+$0x143B0] =	vst v4;
	v2 =	vadd.f32 v62, v61  }
0x2c3: {  	[tilespmem:s7+$0x147B0] =	vst v1;
	v0 =	vadd.f32 v63, v0  }
0x2c4: {  	s31 =	sadd.s32 $0x40, s30;
	[tilespmem:s7+$0x14BB0] =	vst v2  }
0x2c5: {  	s30 =	smov.u32 s31;
	[tilespmem:s7+$0x14FB0] =	vst v0  }
0x2c6: {  	v0 =	vld [tilespmem:$0x66C0];
	_ =	sdelay $0x4  }
0x2c7: {  	(v2sf) =	vpush v0, $0x0;
	_ =	sdelay $0xe  }
0x2c8: {  	s0 =	spop (v2sf)  }
0x2c9: {  	v2 =	vld [tilespmem:$0x6000];
	s0 =	sand.u32 $0xFFFFFFC0, s0  }
0x2ca: {  	v1 =	vld [tilespmem:s0+$0xC800];
	_ =	sdelay $0x4  }
0x2cb: {  	v1 =	vadd.f32 v2, v1;
	_ =	sdelay $0x1  }
0x2cc: {  	v32 =	vld [tilespmem:$0x6010];
	[tilespmem:$0x19000] =	vst v1  }
0x2cd: {  	v1 =	vld [tilespmem:s0+$0xC810];
	_ =	sdelay $0x4  }
0x2ce: {  	v1 =	vadd.f32 v32, v1;
	_ =	sdelay $0x1  }
0x2cf: {  	v33 =	vld [tilespmem:$0x6020];
	(v2sf) =	vpush v0, $0x1;
	[tilespmem:$0x19010] =	vst v1  }
0x2d0: {  	v1 =	vld [tilespmem:s0+$0xC820];
	_ =	sdelay $0x4  }
0x2d1: {  	v1 =	vadd.f32 v33, v1;
	_ =	sdelay $0x1  }
0x2d2: {  	v34 =	vld [tilespmem:$0x6030];
	[tilespmem:$0x19020] =	vst v1  }
0x2d3: {  	v1 =	vld [tilespmem:s0+$0xC830];
	_ =	sdelay $0x4  }
0x2d4: {  	v1 =	vadd.f32 v34, v1  }
0x2d5: {  	s22 =	spop (v2sf)  }
0x2d6: {  	v35 =	vld [tilespmem:$0x6080];
	s0 =	sand.u32 $0xFFFFFFC0, s22;
	[tilespmem:$0x19030] =	vst v1  }
0x2d7: {  	v1 =	vld [tilespmem:s0+$0xC880];
	_ =	sdelay $0x4  }
0x2d8: {  	v1 =	vadd.f32 v35, v1;
	_ =	sdelay $0x1  }
0x2d9: {  	v36 =	vld [tilespmem:$0x6090];
	[tilespmem:$0x19080] =	vst v1  }
0x2da: {  	v1 =	vld [tilespmem:s0+$0xC890];
	_ =	sdelay $0x4  }
0x2db: {  	v1 =	vadd.f32 v36, v1;
	_ =	sdelay $0x1  }
0x2dc: {  	v37 =	vld [tilespmem:$0x60A0];
	(v2sf) =	vpush v0, $0x2;
	[tilespmem:$0x19090] =	vst v1  }
0x2dd: {  	v1 =	vld [tilespmem:s0+$0xC8A0];
	_ =	sdelay $0x4  }
0x2de: {  	v1 =	vadd.f32 v37, v1;
	_ =	sdelay $0x1  }
0x2df: {  	v38 =	vld [tilespmem:$0x60B0];
	[tilespmem:$0x190A0] =	vst v1  }
0x2e0: {  	v1 =	vld [tilespmem:s0+$0xC8B0];
	_ =	sdelay $0x4  }
0x2e1: {  	v1 =	vadd.f32 v38, v1  }
0x2e2: {  	s23 =	spop (v2sf)  }
0x2e3: {  	v39 =	vld [tilespmem:$0x6100];
	s0 =	sand.u32 $0xFFFFFFC0, s23;
	[tilespmem:$0x190B0] =	vst v1  }
0x2e4: {  	v1 =	vld [tilespmem:s0+$0xC900];
	_ =	sdelay $0x4  }
0x2e5: {  	v1 =	vadd.f32 v39, v1;
	_ =	sdelay $0x1  }
0x2e6: {  	v40 =	vld [tilespmem:$0x6110];
	[tilespmem:$0x19100] =	vst v1  }
0x2e7: {  	v1 =	vld [tilespmem:s0+$0xC910];
	_ =	sdelay $0x4  }
0x2e8: {  	v1 =	vadd.f32 v40, v1;
	_ =	sdelay $0x1  }
0x2e9: {  	v41 =	vld [tilespmem:$0x6120];
	(v2sf) =	vpush v0, $0x3;
	[tilespmem:$0x19110] =	vst v1  }
0x2ea: {  	v1 =	vld [tilespmem:s0+$0xC920];
	_ =	sdelay $0x4  }
0x2eb: {  	v1 =	vadd.f32 v41, v1;
	_ =	sdelay $0x1  }
0x2ec: {  	v42 =	vld [tilespmem:$0x6130];
	[tilespmem:$0x19120] =	vst v1  }
0x2ed: {  	v1 =	vld [tilespmem:s0+$0xC930];
	_ =	sdelay $0x4  }
0x2ee: {  	v1 =	vadd.f32 v42, v1  }
0x2ef: {  	s24 =	spop (v2sf)  }
0x2f0: {  	v43 =	vld [tilespmem:$0x6180];
	s0 =	sand.u32 $0xFFFFFFC0, s24;
	[tilespmem:$0x19130] =	vst v1  }
0x2f1: {  	v1 =	vld [tilespmem:s0+$0xC980];
	_ =	sdelay $0x4  }
0x2f2: {  	v1 =	vadd.f32 v43, v1;
	_ =	sdelay $0x1  }
0x2f3: {  	v44 =	vld [tilespmem:$0x6190];
	[tilespmem:$0x19180] =	vst v1  }
0x2f4: {  	v1 =	vld [tilespmem:s0+$0xC990];
	_ =	sdelay $0x4  }
0x2f5: {  	v1 =	vadd.f32 v44, v1;
	_ =	sdelay $0x1  }
0x2f6: {  	v45 =	vld [tilespmem:$0x61A0];
	(v2sf) =	vpush v0, $0x4;
	[tilespmem:$0x19190] =	vst v1  }
0x2f7: {  	v1 =	vld [tilespmem:s0+$0xC9A0];
	_ =	sdelay $0x4  }
0x2f8: {  	v1 =	vadd.f32 v45, v1;
	_ =	sdelay $0x1  }
0x2f9: {  	v46 =	vld [tilespmem:$0x61B0];
	[tilespmem:$0x191A0] =	vst v1  }
0x2fa: {  	v1 =	vld [tilespmem:s0+$0xC9B0];
	_ =	sdelay $0x4  }
0x2fb: {  	v1 =	vadd.f32 v46, v1  }
0x2fc: {  	s25 =	spop (v2sf)  }
0x2fd: {  	v47 =	vld [tilespmem:$0x6200];
	s0 =	sand.u32 $0xFFFFFFC0, s25;
	[tilespmem:$0x191B0] =	vst v1  }
0x2fe: {  	v1 =	vld [tilespmem:s0+$0xCA00];
	_ =	sdelay $0x4  }
0x2ff: {  	v1 =	vadd.f32 v47, v1;
	_ =	sdelay $0x1  }
0x300: {  	v48 =	vld [tilespmem:$0x6210];
	[tilespmem:$0x19200] =	vst v1  }
0x301: {  	v1 =	vld [tilespmem:s0+$0xCA10];
	_ =	sdelay $0x4  }
0x302: {  	v1 =	vadd.f32 v48, v1;
	_ =	sdelay $0x1  }
0x303: {  	v49 =	vld [tilespmem:$0x6220];
	(v2sf) =	vpush v0, $0x5;
	[tilespmem:$0x19210] =	vst v1  }
0x304: {  	v1 =	vld [tilespmem:s0+$0xCA20];
	_ =	sdelay $0x4  }
0x305: {  	v1 =	vadd.f32 v49, v1;
	_ =	sdelay $0x1  }
0x306: {  	v50 =	vld [tilespmem:$0x6230];
	[tilespmem:$0x19220] =	vst v1  }
0x307: {  	v1 =	vld [tilespmem:s0+$0xCA30];
	_ =	sdelay $0x4  }
0x308: {  	v1 =	vadd.f32 v50, v1  }
0x309: {  	s26 =	spop (v2sf)  }
0x30a: {  	v51 =	vld [tilespmem:$0x6280];
	s0 =	sand.u32 $0xFFFFFFC0, s26;
	[tilespmem:$0x19230] =	vst v1  }
0x30b: {  	v1 =	vld [tilespmem:s0+$0xCA80];
	_ =	sdelay $0x4  }
0x30c: {  	v1 =	vadd.f32 v51, v1;
	_ =	sdelay $0x1  }
0x30d: {  	v52 =	vld [tilespmem:$0x6290];
	[tilespmem:$0x19280] =	vst v1  }
0x30e: {  	v1 =	vld [tilespmem:s0+$0xCA90];
	_ =	sdelay $0x4  }
0x30f: {  	v1 =	vadd.f32 v52, v1;
	_ =	sdelay $0x1  }
0x310: {  	v53 =	vld [tilespmem:$0x62A0];
	(v2sf) =	vpush v0, $0x6;
	[tilespmem:$0x19290] =	vst v1  }
0x311: {  	v1 =	vld [tilespmem:s0+$0xCAA0];
	_ =	sdelay $0x4  }
0x312: {  	v1 =	vadd.f32 v53, v1;
	_ =	sdelay $0x1  }
0x313: {  	v54 =	vld [tilespmem:$0x62B0];
	[tilespmem:$0x192A0] =	vst v1  }
0x314: {  	v1 =	vld [tilespmem:s0+$0xCAB0];
	_ =	sdelay $0x4  }
0x315: {  	v1 =	vadd.f32 v54, v1  }
0x316: {  	s28 =	spop (v2sf)  }
0x317: {  	v55 =	vld [tilespmem:$0x6300];
	s0 =	sand.u32 $0xFFFFFFC0, s28;
	[tilespmem:$0x192B0] =	vst v1  }
0x318: {  	v1 =	vld [tilespmem:s0+$0xCB00];
	_ =	sdelay $0x4  }
0x319: {  	v1 =	vadd.f32 v55, v1;
	_ =	sdelay $0x1  }
0x31a: {  	v56 =	vld [tilespmem:$0x6310];
	[tilespmem:$0x19300] =	vst v1  }
0x31b: {  	v1 =	vld [tilespmem:s0+$0xCB10];
	_ =	sdelay $0x4  }
0x31c: {  	v1 =	vadd.f32 v56, v1;
	_ =	sdelay $0x1  }
0x31d: {  	v57 =	vld [tilespmem:$0x6320];
	(v2sf) =	vpush v0, $0x7;
	[tilespmem:$0x19310] =	vst v1  }
0x31e: {  	v1 =	vld [tilespmem:s0+$0xCB20];
	_ =	sdelay $0x4  }
0x31f: {  	v58 =	vadd.f32 v57, v1;
	_ =	sdelay $0x1  }
0x320: {  	v59 =	vld [tilespmem:$0x6330];
	[tilespmem:$0x19320] =	vst v58  }
0x321: {  	v0 =	vld [tilespmem:s0+$0xCB30];
	_ =	sdelay $0x4  }
0x322: {  	v0 =	vadd.f32 v59, v0  }
0x323: {  	s29 =	spop (v2sf)  }
0x324: {  	v60 =	vld [tilespmem:$0x6380];
	s0 =	sand.u32 $0xFFFFFFC0, s29;
	[tilespmem:$0x19330] =	vst v0  }
0x325: {  	v0 =	vld [tilespmem:s0+$0xCB80];
	_ =	sdelay $0x4  }
0x326: {  	v0 =	vadd.f32 v60, v0;
	_ =	sdelay $0x1  }
0x327: {  	v61 =	vld [tilespmem:$0x6390];
	[tilespmem:$0x19380] =	vst v0  }
0x328: {  	v0 =	vld [tilespmem:s0+$0xCB90];
	_ =	sdelay $0x4  }
0x329: {  	v0 =	vadd.f32 v61, v0;
	_ =	sdelay $0x1  }
0x32a: {  	v62 =	vld [tilespmem:$0x63A0];
	[tilespmem:$0x19390] =	vst v0  }
0x32b: {  	v0 =	vld [tilespmem:s0+$0xCBA0];
	_ =	sdelay $0x4  }
0x32c: {  	v0 =	vadd.f32 v62, v0;
	_ =	sdelay $0x1  }
0x32d: {  	v63 =	vld [tilespmem:$0x63B0];
	[tilespmem:$0x193A0] =	vst v0  }
0x32e: {  	v0 =	vld [tilespmem:s0+$0xCBB0];
	_ =	sdelay $0x1  }
0x32f: {  	s30 =	rddreg [dreg:$0x8]  }
0x330: {  	s5 =	rddreg [dreg:$0x10]  }
0x331: {  	s0 =	sadd.s32 s30, s5  }
0x332: {  	s0 =	smul.u32 $0xC80, s0;
	v0 =	vadd.f32 v63, v0  }
0x333: {  	s1 =	rddreg [dreg:$0x7];
	s31 =	simm.s32 $0x0  }
0x334: {  	s2 =	simm.s32 $0x13000;
	s0 =	sadd.s32 s1, s0;
	s1 =	rddreg [dreg:$0x13];
	[tilespmem:$0x193B0] =	vst v0  }
0x335: {  	[hbm4b:s0+s31] =	stream.linear.scatter [tilespmem:s2], [sflag:$0x3], $0x6400, $0x38;
	[tilespmem:$0x1F800] =	vst v63  }
0x336: {  	s0 =	rddreg [dreg:$0x3]  }
0x337: {  	s2 =	simm.s32 @!p0 $0x6600;
	s1 =	sadd.s32 @!p0 s0, s1;
	s0 =	simm.s32 @!p0 $0x0  }
0x338: {  	[tilespmem:s2], [sflag:$0x5] =	stream.linear.gather @!p0 [hbm4b:s1+s0], $0xC8, $0x38;
	[tilespmem:$0x1F800] =	vst v63  }
0x339: {  	s1 =	simm.s32 @!p0 $0x5  }
0x33a: {  	_ =	swait.ge @!p0 [sflag:s1], $0xC8  }
0x33b: {  	[sflag:s1] =	ssyncset.done @!p0 $0x0  }
0x33c: {  	[sflag:s1] =	ssyncadd.s32 @!p0 $0xFFFFFF38  }
0x33d: {  	_ =	swait.ge @!p0 [sflag:s1], $0xC8  }
0x33e: {  	s2 =	rddreg [dreg:$0xf]  }
0x33f: {  	p1 =	seq.s32 @!p0 s2, $0x0  }
0x340: {  	p1 =	por p0, !p1  }
.Ltmp3:
0x341: {  	_ = 	snop;
	(pc) =	sbr.rel @!p1 .LBB2_5-.Ltmp3, $4  }
0x342: {  	s3 =	simm.s32 @!p0 $0x6800;
	[sflag:s1] =	ssyncset.done @!p0 $0x0;
	s4 =	rddreg [dreg:$0x5]  }
0x343: {  	[sflag:s1] =	ssyncadd.s32 @!p0 $0xFFFFFF38;
	s1 =	simm.s32 @!p0 $0xC8;
	s2 =	simm.s32 @!p0 $0x6400  }
0x344: {  	[tilespmem:s3], [sflag:$0x1] =	stream.indirect.gather @!p0 [hbm4b:s4+s1], $0x80, s2, s1, $0xb8;
	[tilespmem:$0x1F800] =	vst v63  }
0x345: {  	s2 =	sor.u32 @!p0 $0x1, s5  }
.Ltmp4:
0x346: {  	(pc) =	sbr.rel .LBB2_7-.Ltmp4, $4  }
0x347: {  	s1 =	simm.s32 $0x4  }
0x348: {  	s2 =	simm.s32 @p0 $0x7F;
	_ =	swait.ge [sflag:s1], $0x6400  }
0x349: {  	[dreg:$0x11] =	wrdreg s2;
	[sflag:s1] =	ssyncset.done $0x0  }
0x34a: {  	s2 =	rddreg [dreg:$0x4];
	[sflag:s1] =	ssyncadd.s32 $0xFFFF9C00  }
.LBB2_5:
0x34b: {  	[dreg:$0x11] =	wrdreg s2  }
0x34c: {  	s2 =	rddreg [dreg:$0x4]  }
.LBB2_7:
0x34d: {  	s1 =	sadd.s32 $0x3, s5  }
0x34e: {  	s3 =	simm.s32 $0x2;
	[dreg:$0x12] =	wrdreg s1  }
0x34f: {  	s1 =	smul.u32 @!p0 $0xC8, s1;
	_ =	swait.ge [sflag:s3], $0x6400  }
0x350: {  	[sflag:s3] =	ssyncset.done $0x0  }
0x351: {  	s1 =	sadd.s32 @!p0 s2, s1;
	[sflag:s3] =	ssyncadd.s32 $0xFFFF9C00  }
0x352: {  	s1 =	sshrl.u32 @!p0 s1, $0x3;
	s2 =	rddreg [dreg:$0x0]  }
0x353: {  	s30 =	simm.s32 $0x0;
	s1 =	sadd.s32 @!p0 s2, s1;
	s2 =	simm.s32 @!p0 $0x6500  }
0x354: {  	[tilespmem:s2], [sflag:$0x6] =	stream.linear.gather @!p0 [hbm4b:s1+s0], $0xC8, $0x38;
	[tilespmem:$0x1F800] =	vst v63  }
.LBB2_8:
0x355: {  	v0 =	vld [tilespmem:s30+$0x6700];
	_ =	sdelay $0x4  }
0x356: {  	(v2sf) =	vpush v0, $0x0  }
0x357: {  	(v2sf) =	vpush v0, $0x1  }
0x358: {  	(v2sf) =	vpush v0, $0x2  }
0x359: {  	v2 =	vld [tilespmem:s30+$0x6708];
	(v2sf) =	vpush v0, $0x3  }
0x35a: {  	(v2sf) =	vpush v0, $0x4  }
0x35b: {  	(v2sf) =	vpush v0, $0x5  }
0x35c: {  	(v2sf) =	vpush v0, $0x6  }
0x35d: {  	(v2sf) =	vpush v0, $0x7  }
0x35e: {  	(v2sf) =	vpush v2, $0x0  }
0x35f: {  	(v2sf) =	vpush v2, $0x1  }
0x360: {  	(v2sf) =	vpush v2, $0x2  }
0x361: {  	v1 =	vld [tilespmem:s30+$0x6710];
	(v2sf) =	vpush v2, $0x3  }
0x362: {  	(v2sf) =	vpush v2, $0x4  }
0x363: {  	(v2sf) =	vpush v2, $0x5  }
0x364: {  	(v2sf) =	vpush v2, $0x6  }
0x365: {  	s2 =	spop (v2sf);
	(v2sf) =	vpush v2, $0x7  }
0x366: {  	s5 =	spop (v2sf);
	(v2sf) =	vpush v1, $0x0  }
0x367: {  	s4 =	spop (v2sf)  }
0x368: {  	s15 =	spop (v2sf)  }
0x369: {  	s1 =	spop (v2sf)  }
0x36a: {  	s13 =	spop (v2sf)  }
0x36b: {  	s0 =	spop (v2sf)  }
0x36c: {  	s10 =	spop (v2sf)  }
0x36d: {  	s7 =	sshll.u32 s30, $0x7;
	s9 =	sand.u32 $0xFFFFFF80, s2;
	s8 =	spop (v2sf)  }
0x36e: {  	s2 =	sand.u32 $0x40, s2;
	s9 =	sadd.s32 s9, s7;
	s6 =	spop (v2sf)  }
0x36f: {  	v46 =	vld [tilespmem:s7+$0x0];
	s2 =	sor.u32 s2, s9;
	s3 =	spop (v2sf)  }
0x370: {  	v45 =	vld [tilespmem:s2+$0xCC00];
	s19 =	spop (v2sf)  }
0x371: {  	s18 =	spop (v2sf)  }
0x372: {  	s17 =	sor.u32 $0x400, s7;
	s31 =	sand.u32 $0xFFFFFF80, s8;
	s14 =	spop (v2sf)  }
0x373: {  	s8 =	sand.u32 $0x40, s8;
	s9 =	sadd.s32 s31, s17;
	s12 =	spop (v2sf)  }
0x374: {  	v4 =	vld [tilespmem:s17+$0x0];
	s8 =	sor.u32 s8, s9;
	s11 =	spop (v2sf)  }
0x375: {  	v0 =	vadd.f32 v46, v45;
	v3 =	vld [tilespmem:s8+$0xCC00];
	s20 =	spop (v2sf)  }
0x376: {  	s21 =	sor.u32 $0x800, s7;
	v48 =	vld [tilespmem:s7+$0x10];
	s16 =	sand.u32 $0xFFFFFF80, s20  }
0x377: {  	v47 =	vld [tilespmem:s21+$0x0];
	[tilespmem:s7+$0x19400] =	vst v0;
	s20 =	sand.u32 $0x40, s20;
	s9 =	sadd.s32 s16, s21  }
0x378: {  	v0 =	vld [tilespmem:s2+$0xCC10];
	s9 =	sor.u32 s20, s9  }
0x379: {  	v5 =	vld [tilespmem:s9+$0xCC00]  }
0x37a: {  	v3 =	vadd.f32 v4, v3;
	_ =	sdelay $0x1  }
0x37b: {  	[tilespmem:s7+$0x19800] =	vst v3  }
0x37c: {  	s22 =	sor.u32 $0x410, s7;
	v0 =	vadd.f32 v48, v0;
	v3 =	vld [tilespmem:s8+$0xCC10]  }
0x37d: {  	v49 =	vld [tilespmem:s22+$0x0];
	v2 =	vadd.f32 v47, v5  }
0x37e: {  	v51 =	vld [tilespmem:s7+$0x20];
	[tilespmem:s7+$0x19410] =	vst v0  }
0x37f: {  	v0 =	vld [tilespmem:s2+$0xCC20];
	[tilespmem:s7+$0x19C00] =	vst v2  }
0x380: {  	s23 =	sor.u32 $0x810, s7;
	v2 =	vld [tilespmem:s9+$0xCC10]  }
0x381: {  	v50 =	vld [tilespmem:s23+$0x0]  }
0x382: {  	v3 =	vadd.f32 v49, v3;
	_ =	sdelay $0x1  }
0x383: {  	[tilespmem:s7+$0x19810] =	vst v3  }
0x384: {  	s24 =	sor.u32 $0x420, s7;
	v0 =	vadd.f32 v51, v0;
	v3 =	vld [tilespmem:s8+$0xCC20]  }
0x385: {  	v52 =	vld [tilespmem:s24+$0x0];
	v2 =	vadd.f32 v50, v2  }
0x386: {  	v54 =	vld [tilespmem:s7+$0x30];
	[tilespmem:s7+$0x19420] =	vst v0  }
0x387: {  	(v2sf) =	vpush v1, $0x1;
	v0 =	vld [tilespmem:s2+$0xCC30];
	[tilespmem:s7+$0x19C10] =	vst v2  }
0x388: {  	s25 =	sor.u32 $0x820, s7;
	v2 =	vld [tilespmem:s9+$0xCC20]  }
0x389: {  	v53 =	vld [tilespmem:s25+$0x0]  }
0x38a: {  	v3 =	vadd.f32 v52, v3;
	_ =	sdelay $0x1  }
0x38b: {  	s29 =	sand.u32 $0xFFFFFF80, s5;
	s31 =	sor.u32 $0x80, s7;
	v0 =	vadd.f32 v54, v0;
	[tilespmem:s7+$0x19820] =	vst v3  }
0x38c: {  	s26 =	sor.u32 $0x430, s7;
	s17 =	sadd.s32 s29, s31;
	s16 =	sand.u32 $0x40, s5;
	v3 =	vld [tilespmem:s8+$0xCC30]  }
0x38d: {  	s2 =	sor.u32 s16, s17;
	[tilespmem:s7+$0x19430] =	vst v0;
	v55 =	vld [tilespmem:s26+$0x0];
	v2 =	vadd.f32 v53, v2  }
0x38e: {  	v0 =	vld [tilespmem:s2+$0xCC00]  }
0x38f: {  	v57 =	vld [tilespmem:s31+$0x0];
	[tilespmem:s7+$0x19C20] =	vst v2  }
0x390: {  	s28 =	sor.u32 $0x830, s7;
	v2 =	vld [tilespmem:s9+$0xCC30]  }
0x391: {  	v56 =	vld [tilespmem:s28+$0x0]  }
0x392: {  	s21 =	sor.u32 $0x480, s7;
	s20 =	sand.u32 $0xFFFFFF80, s6;
	v3 =	vadd.f32 v55, v3  }
0x393: {  	s6 =	sand.u32 $0x40, s6;
	s5 =	sadd.s32 s20, s21  }
0x394: {  	s5 =	sor.u32 s6, s5;
	v0 =	vadd.f32 v57, v0;
	[tilespmem:s7+$0x19830] =	vst v3  }
0x395: {  	s22 =	spop (v2sf);
	v3 =	vld [tilespmem:s5+$0xCC00]  }
0x396: {  	s23 =	sand.u32 $0xFFFFFF80, s22;
	s24 =	sor.u32 $0x880, s7;
	[tilespmem:s7+$0x19480] =	vst v0;
	v58 =	vld [tilespmem:s21+$0x0];
	v2 =	vadd.f32 v56, v2  }
0x397: {  	s6 =	sadd.s32 s23, s24;
	s25 =	sor.u32 $0x90, s7;
	s9 =	sand.u32 $0x40, s22;
	v0 =	vld [tilespmem:s2+$0xCC10]  }
0x398: {  	v60 =	vld [tilespmem:s25+$0x0];
	s6 =	sor.u32 s9, s6;
	[tilespmem:s7+$0x19C30] =	vst v2  }
0x399: {  	v2 =	vld [tilespmem:s6+$0xCC00]  }
0x39a: {  	v59 =	vld [tilespmem:s24+$0x0]  }
0x39b: {  	v3 =	vadd.f32 v58, v3;
	_ =	sdelay $0x1  }
0x39c: {  	v0 =	vadd.f32 v60, v0;
	[tilespmem:s7+$0x19880] =	vst v3  }
0x39d: {  	s26 =	sor.u32 $0x490, s7;
	v3 =	vld [tilespmem:s5+$0xCC10]  }
0x39e: {  	[tilespmem:s7+$0x19490] =	vst v0;
	v61 =	vld [tilespmem:s26+$0x0];
	v2 =	vadd.f32 v59, v2  }
0x39f: {  	s29 =	sor.u32 $0xA0, s7;
	v0 =	vld [tilespmem:s2+$0xCC20]  }
0x3a0: {  	v63 =	vld [tilespmem:s29+$0x0];
	[tilespmem:s7+$0x19C80] =	vst v2  }
0x3a1: {  	s28 =	sor.u32 $0x890, s7;
	v2 =	vld [tilespmem:s6+$0xCC10]  }
0x3a2: {  	v62 =	vld [tilespmem:s28+$0x0]  }
0x3a3: {  	v3 =	vadd.f32 v61, v3;
	_ =	sdelay $0x1  }
0x3a4: {  	v0 =	vadd.f32 v63, v0;
	[tilespmem:s7+$0x19890] =	vst v3  }
0x3a5: {  	s31 =	sor.u32 $0x4A0, s7;
	v3 =	vld [tilespmem:s5+$0xCC20]  }
0x3a6: {  	[tilespmem:s7+$0x194A0] =	vst v0;
	v8 =	vld [tilespmem:s31+$0x0];
	v2 =	vadd.f32 v62, v2  }
0x3a7: {  	s16 =	sor.u32 $0xB0, s7;
	v0 =	vld [tilespmem:s2+$0xCC30]  }
0x3a8: {  	(v2sf) =	vpush v1, $0x2;
	v10 =	vld [tilespmem:s16+$0x0];
	[tilespmem:s7+$0x19C90] =	vst v2  }
0x3a9: {  	s9 =	sor.u32 $0x8A0, s7;
	v2 =	vld [tilespmem:s6+$0xCC20]  }
0x3aa: {  	v9 =	vld [tilespmem:s9+$0x0]  }
0x3ab: {  	v3 =	vadd.f32 v8, v3;
	_ =	sdelay $0x1  }
0x3ac: {  	s21 =	sand.u32 $0xFFFFFF80, s4;
	s22 =	sor.u32 $0x100, s7;
	v0 =	vadd.f32 v10, v0;
	[tilespmem:s7+$0x198A0] =	vst v3  }
0x3ad: {  	s17 =	sor.u32 $0x4B0, s7;
	s23 =	sand.u32 $0x40, s4;
	s24 =	sadd.s32 s21, s22;
	v3 =	vld [tilespmem:s5+$0xCC30]  }
0x3ae: {  	s2 =	sor.u32 s23, s24;
	[tilespmem:s7+$0x194B0] =	vst v0;
	v11 =	vld [tilespmem:s17+$0x0];
	v2 =	vadd.f32 v9, v2  }
0x3af: {  	v0 =	vld [tilespmem:s2+$0xCC00]  }
0x3b0: {  	v13 =	vld [tilespmem:s22+$0x0];
	[tilespmem:s7+$0x19CA0] =	vst v2  }
0x3b1: {  	s20 =	sor.u32 $0x8B0, s7;
	v2 =	vld [tilespmem:s6+$0xCC30]  }
0x3b2: {  	v12 =	vld [tilespmem:s20+$0x0]  }
0x3b3: {  	s25 =	sand.u32 $0xFFFFFF80, s3;
	s26 =	sor.u32 $0x500, s7;
	v3 =	vadd.f32 v11, v3  }
0x3b4: {  	s3 =	sand.u32 $0x40, s3;
	s4 =	sadd.s32 s25, s26  }
0x3b5: {  	s3 =	sor.u32 s3, s4;
	v0 =	vadd.f32 v13, v0;
	[tilespmem:s7+$0x198B0] =	vst v3  }
0x3b6: {  	s28 =	spop (v2sf);
	v3 =	vld [tilespmem:s3+$0xCC00]  }
0x3b7: {  	s31 =	sor.u32 $0x900, s7;
	s29 =	sand.u32 $0xFFFFFF80, s28;
	[tilespmem:s7+$0x19500] =	vst v0;
	v14 =	vld [tilespmem:s26+$0x0];
	v2 =	vadd.f32 v12, v2  }
0x3b8: {  	s4 =	sadd.s32 s29, s31;
	s9 =	sor.u32 $0x110, s7;
	s6 =	sand.u32 $0x40, s28;
	v0 =	vld [tilespmem:s2+$0xCC10]  }
0x3b9: {  	v16 =	vld [tilespmem:s9+$0x0];
	s4 =	sor.u32 s6, s4;
	[tilespmem:s7+$0x19CB0] =	vst v2  }
0x3ba: {  	v2 =	vld [tilespmem:s4+$0xCC00]  }
0x3bb: {  	v15 =	vld [tilespmem:s31+$0x0]  }
0x3bc: {  	v3 =	vadd.f32 v14, v3;
	_ =	sdelay $0x1  }
0x3bd: {  	v0 =	vadd.f32 v16, v0;
	[tilespmem:s7+$0x19900] =	vst v3  }
0x3be: {  	s16 =	sor.u32 $0x510, s7;
	v3 =	vld [tilespmem:s3+$0xCC10]  }
0x3bf: {  	[tilespmem:s7+$0x19510] =	vst v0;
	v17 =	vld [tilespmem:s16+$0x0];
	v2 =	vadd.f32 v15, v2  }
0x3c0: {  	s20 =	sor.u32 $0x120, s7;
	v0 =	vld [tilespmem:s2+$0xCC20]  }
0x3c1: {  	v19 =	vld [tilespmem:s20+$0x0];
	[tilespmem:s7+$0x19D00] =	vst v2  }
0x3c2: {  	s17 =	sor.u32 $0x910, s7;
	v2 =	vld [tilespmem:s4+$0xCC10]  }
0x3c3: {  	v18 =	vld [tilespmem:s17+$0x0]  }
0x3c4: {  	v3 =	vadd.f32 v17, v3;
	_ =	sdelay $0x1  }
0x3c5: {  	v0 =	vadd.f32 v19, v0;
	[tilespmem:s7+$0x19910] =	vst v3  }
0x3c6: {  	s21 =	sor.u32 $0x520, s7;
	v3 =	vld [tilespmem:s3+$0xCC20]  }
0x3c7: {  	[tilespmem:s7+$0x19520] =	vst v0;
	v20 =	vld [tilespmem:s21+$0x0];
	v2 =	vadd.f32 v18, v2  }
0x3c8: {  	s23 =	sor.u32 $0x130, s7;
	v0 =	vld [tilespmem:s2+$0xCC30]  }
0x3c9: {  	(v2sf) =	vpush v1, $0x3;
	v22 =	vld [tilespmem:s23+$0x0];
	[tilespmem:s7+$0x19D10] =	vst v2  }
0x3ca: {  	s22 =	sor.u32 $0x920, s7;
	v2 =	vld [tilespmem:s4+$0xCC20]  }
0x3cb: {  	v21 =	vld [tilespmem:s22+$0x0];
	_ =	sdelay $0x1  }
0x3cc: {  	v3 =	vadd.f32 v20, v3  }
0x3cd: {  	v0 =	vadd.f32 v22, v0  }
0x3ce: {  	[tilespmem:s7+$0x19920] =	vst v3  }
0x3cf: {  	[tilespmem:s7+$0x19530] =	vst v0;
	v0 =	vld [tilespmem:s30+$0x6718];
	v2 =	vadd.f32 v21, v2  }
0x3d0: {  	s24 =	sor.u32 $0x530, s7;
	v3 =	vld [tilespmem:s3+$0xCC30]  }
0x3d1: {  	v23 =	vld [tilespmem:s24+$0x0];
	[tilespmem:s7+$0x19D20] =	vst v2  }
0x3d2: {  	s25 =	sor.u32 $0x930, s7;
	v2 =	vld [tilespmem:s4+$0xCC30]  }
0x3d3: {  	(v2sf) =	vpush v1, $0x4;
	s26 =	sand.u32 $0xFFFFFF80, s15;
	s28 =	sor.u32 $0x180, s7;
	v24 =	vld [tilespmem:s25+$0x0]  }
0x3d4: {  	(v2sf) =	vpush v1, $0x5;
	s29 =	sand.u32 $0x40, s15;
	s3 =	sadd.s32 s26, s28  }
0x3d5: {  	(v2sf) =	vpush v1, $0x6;
	v25 =	vld [tilespmem:s28+$0x0];
	s31 =	sor.u32 s29, s3  }
0x3d6: {  	(v2sf) =	vpush v1, $0x7;
	s8 =	sand.u32 $0xFFFFFF80, s19;
	s9 =	sor.u32 $0x580, s7;
	v6 =	vld [tilespmem:s31+$0xCC00];
	v3 =	vadd.f32 v23, v3  }
0x3d7: {  	s15 =	sand.u32 $0x40, s19;
	s16 =	spop (v2sf);
	s2 =	sadd.s32 s8, s9;
	(v2sf) =	vpush v0, $0x0  }
0x3d8: {  	s19 =	sor.u32 $0x980, s7;
	s17 =	sand.u32 $0xFFFFFF80, s16;
	s2 =	sor.u32 s15, s2;
	[tilespmem:s7+$0x19930] =	vst v3;
	v2 =	vadd.f32 v24, v2  }
0x3d9: {  	s8 =	sand.u32 $0x40, s16;
	v3 =	vld [tilespmem:s2+$0xCC00];
	s4 =	sadd.s32 s17, s19  }
0x3da: {  	v26 =	vld [tilespmem:s9+$0x0];
	s8 =	sor.u32 s8, s4;
	[tilespmem:s7+$0x19D30] =	vst v2  }
0x3db: {  	v5 =	vadd.f32 v25, v6;
	v2 =	vld [tilespmem:s8+$0xCC00]  }
0x3dc: {  	v27 =	vld [tilespmem:s19+$0x0]  }
0x3dd: {  	[tilespmem:s7+$0x19580] =	vst v5  }
0x3de: {  	s20 =	sor.u32 $0x190, s7;
	v28 =	vld [tilespmem:s31+$0xCC10]  }
0x3df: {  	v5 =	vld [tilespmem:s20+$0x0];
	v3 =	vadd.f32 v26, v3;
	_ =	sdelay $0x1  }
0x3e0: {  	[tilespmem:s7+$0x19980] =	vst v3;
	v1 =	vadd.f32 v27, v2  }
0x3e1: {  	s6 =	spop (v2sf);
	s21 =	sor.u32 $0x590, s7;
	v29 =	vld [tilespmem:s2+$0xCC10]  }
0x3e2: {  	s3 =	spop (v2sf);
	v3 =	vld [tilespmem:s21+$0x0];
	[tilespmem:s7+$0x19D80] =	vst v1  }
0x3e3: {  	s22 =	sor.u32 $0x990, s7;
	v4 =	vadd.f32 v5, v28;
	s19 =	spop (v2sf);
	v1 =	vld [tilespmem:s8+$0xCC10]  }
0x3e4: {  	s15 =	spop (v2sf);
	v30 =	vld [tilespmem:s22+$0x0]  }
0x3e5: {  	[tilespmem:s7+$0x19590] =	vst v4;
	s25 =	spop (v2sf)  }
0x3e6: {  	s23 =	sor.u32 $0x1A0, s7;
	s28 =	sor.u32 $0xC00, s7;
	v31 =	vld [tilespmem:s31+$0xCC20];
	s26 =	sand.u32 $0xFFFFFF80, s25  }
0x3e7: {  	v4 =	vld [tilespmem:s23+$0x0];
	s9 =	sand.u32 $0x40, s25;
	v2 =	vadd.f32 v3, v29;
	s4 =	sadd.s32 s26, s28  }
0x3e8: {  	v7 =	vld [tilespmem:s28+$0x0];
	s4 =	sor.u32 s9, s4  }
0x3e9: {  	[tilespmem:s7+$0x19990] =	vst v2;
	v34 =	vld [tilespmem:s4+$0xCC00];
	v1 =	vadd.f32 v30, v1  }
0x3ea: {  	s24 =	sor.u32 $0x5A0, s7;
	v2 =	vld [tilespmem:s2+$0xCC20]  }
0x3eb: {  	v32 =	vld [tilespmem:s24+$0x0];
	[tilespmem:s7+$0x19D90] =	vst v1  }
0x3ec: {  	s29 =	sor.u32 $0x9A0, s7;
	v3 =	vadd.f32 v4, v31;
	v1 =	vld [tilespmem:s8+$0xCC20]  }
0x3ed: {  	v33 =	vld [tilespmem:s29+$0x0]  }
0x3ee: {  	[tilespmem:s7+$0x195A0] =	vst v3;
	v37 =	vadd.f32 v7, v34  }
0x3ef: {  	v3 =	vld [tilespmem:s31+$0xCC30];
	s31 =	sor.u32 $0x1B0, s7  }
0x3f0: {  	v35 =	vld [tilespmem:s31+$0x0];
	v2 =	vadd.f32 v32, v2;
	[tilespmem:s7+$0x1A000] =	vst v37  }
0x3f1: {  	s17 =	sor.u32 $0xC10, s7;
	v41 =	vld [tilespmem:s4+$0xCC10]  }
0x3f2: {  	[tilespmem:s7+$0x199A0] =	vst v2;
	v42 =	vld [tilespmem:s17+$0x0];
	v1 =	vadd.f32 v33, v1  }
0x3f3: {  	s5 =	sor.u32 $0x5B0, s7;
	v2 =	vld [tilespmem:s2+$0xCC30]  }
0x3f4: {  	v36 =	vld [tilespmem:s5+$0x0];
	[tilespmem:s7+$0x19DA0] =	vst v1  }
0x3f5: {  	s16 =	sor.u32 $0x200, s7;
	s9 =	sand.u32 $0xFFFFFF80, s1;
	v40 =	vadd.f32 v35, v3;
	v38 =	vld [tilespmem:s8+$0xCC30];
	s8 =	sor.u32 $0x9B0, s7  }
0x3f6: {  	s1 =	sand.u32 $0x40, s1;
	s2 =	sadd.s32 s9, s16;
	v39 =	vld [tilespmem:s8+$0x0]  }
0x3f7: {  	s1 =	sor.u32 s1, s2;
	[tilespmem:s7+$0x195B0] =	vst v40;
	v49 =	vadd.f32 v42, v41  }
0x3f8: {  	v44 =	vld [tilespmem:s1+$0xCC00]  }
0x3f9: {  	(v2sf) =	vpush v0, $0x1;
	s20 =	sand.u32 $0xFFFFFF80, s18;
	s21 =	sor.u32 $0x600, s7;
	v45 =	vld [tilespmem:s16+$0x0];
	v43 =	vadd.f32 v36, v2;
	[tilespmem:s7+$0x1A010] =	vst v49  }
0x3fa: {  	s26 =	sor.u32 $0xC20, s7;
	s22 =	sand.u32 $0x40, s18;
	s2 =	sadd.s32 s20, s21;
	v53 =	vld [tilespmem:s4+$0xCC20]  }
0x3fb: {  	s25 =	sor.u32 $0xA00, s7;
	s24 =	sand.u32 $0xFFFFFF80, s6;
	s23 =	sor.u32 s22, s2;
	[tilespmem:s7+$0x199B0] =	vst v43;
	v54 =	vld [tilespmem:s26+$0x0];
	v46 =	vadd.f32 v39, v38  }
0x3fc: {  	s6 =	sand.u32 $0x40, s6;
	s2 =	sadd.s32 s24, s25;
	v47 =	vld [tilespmem:s23+$0xCC00]  }
0x3fd: {  	s2 =	sor.u32 s6, s2;
	v48 =	vld [tilespmem:s21+$0x0];
	[tilespmem:s7+$0x19DB0] =	vst v46  }
0x3fe: {  	v52 =	vadd.f32 v45, v44;
	v50 =	vld [tilespmem:s2+$0xCC00]  }
0x3ff: {  	v51 =	vld [tilespmem:s25+$0x0]  }
0x400: {  	[tilespmem:s7+$0x19600] =	vst v52;
	v61 =	vadd.f32 v54, v53  }
0x401: {  	s28 =	sor.u32 $0x210, s7;
	v56 =	vld [tilespmem:s1+$0xCC10]  }
0x402: {  	v57 =	vld [tilespmem:s28+$0x0];
	v55 =	vadd.f32 v48, v47;
	[tilespmem:s7+$0x1A020] =	vst v61  }
0x403: {  	s6 =	sor.u32 $0xC30, s7;
	v10 =	vld [tilespmem:s4+$0xCC30]  }
0x404: {  	[tilespmem:s7+$0x19A00] =	vst v55;
	v11 =	vld [tilespmem:s6+$0x0];
	v58 =	vadd.f32 v51, v50  }
0x405: {  	s29 =	sor.u32 $0x610, s7;
	v59 =	vld [tilespmem:s23+$0xCC10]  }
0x406: {  	v60 =	vld [tilespmem:s29+$0x0];
	[tilespmem:s7+$0x19E00] =	vst v58  }
0x407: {  	s31 =	sor.u32 $0xA10, s7;
	v9 =	vadd.f32 v57, v56;
	v62 =	vld [tilespmem:s2+$0xCC10]  }
0x408: {  	s16 =	spop (v2sf);
	v63 =	vld [tilespmem:s31+$0x0]  }
0x409: {  	s18 =	sor.u32 $0xC80, s7;
	s17 =	sand.u32 $0xFFFFFF80, s16;
	[tilespmem:s7+$0x19610] =	vst v9;
	v18 =	vadd.f32 v11, v10  }
0x40a: {  	s8 =	sor.u32 $0x220, s7;
	s6 =	sand.u32 $0x40, s16;
	s4 =	sadd.s32 s17, s18;
	v13 =	vld [tilespmem:s1+$0xCC20]  }
0x40b: {  	s4 =	sor.u32 s6, s4;
	v14 =	vld [tilespmem:s8+$0x0];
	v12 =	vadd.f32 v60, v59;
	[tilespmem:s7+$0x1A030] =	vst v18  }
0x40c: {  	v22 =	vld [tilespmem:s4+$0xCC00]  }
0x40d: {  	[tilespmem:s7+$0x19A10] =	vst v12;
	v23 =	vld [tilespmem:s18+$0x0];
	v15 =	vadd.f32 v63, v62  }
0x40e: {  	s9 =	sor.u32 $0x620, s7;
	v16 =	vld [tilespmem:s23+$0xCC20]  }
0x40f: {  	v17 =	vld [tilespmem:s9+$0x0];
	[tilespmem:s7+$0x19E10] =	vst v15  }
0x410: {  	s20 =	sor.u32 $0xA20, s7;
	v21 =	vadd.f32 v14, v13;
	v19 =	vld [tilespmem:s2+$0xCC20]  }
0x411: {  	v20 =	vld [tilespmem:s20+$0x0]  }
0x412: {  	[tilespmem:s7+$0x19620] =	vst v21;
	v30 =	vadd.f32 v23, v22  }
0x413: {  	s21 =	sor.u32 $0x230, s7;
	v25 =	vld [tilespmem:s1+$0xCC30]  }
0x414: {  	v26 =	vld [tilespmem:s21+$0x0];
	v24 =	vadd.f32 v17, v16;
	[tilespmem:s7+$0x1A080] =	vst v30  }
0x415: {  	s26 =	sor.u32 $0xC90, s7;
	v34 =	vld [tilespmem:s4+$0xCC10]  }
0x416: {  	[tilespmem:s7+$0x19A20] =	vst v24;
	v35 =	vld [tilespmem:s26+$0x0];
	v27 =	vadd.f32 v20, v19  }
0x417: {  	s22 =	sor.u32 $0x630, s7;
	v28 =	vld [tilespmem:s23+$0xCC30]  }
0x418: {  	v29 =	vld [tilespmem:s22+$0x0];
	[tilespmem:s7+$0x19E20] =	vst v27  }
0x419: {  	s24 =	sand.u32 $0xFFFFFF80, s13;
	s25 =	sor.u32 $0x280, s7;
	s23 =	sor.u32 $0xA30, s7;
	v33 =	vadd.f32 v26, v25;
	v31 =	vld [tilespmem:s2+$0xCC30]  }
0x41a: {  	s28 =	sand.u32 $0x40, s13;
	s1 =	sadd.s32 s24, s25;
	v32 =	vld [tilespmem:s23+$0x0]  }
0x41b: {  	s1 =	sor.u32 s28, s1;
	[tilespmem:s7+$0x19630] =	vst v33;
	v42 =	vadd.f32 v35, v34  }
0x41c: {  	v37 =	vld [tilespmem:s1+$0xCC00]  }
0x41d: {  	(v2sf) =	vpush v0, $0x2;
	s29 =	sand.u32 $0xFFFFFF80, s14;
	s31 =	sor.u32 $0x680, s7;
	v38 =	vld [tilespmem:s25+$0x0];
	v36 =	vadd.f32 v29, v28;
	[tilespmem:s7+$0x1A090] =	vst v42  }
0x41e: {  	s16 =	sor.u32 $0xCA0, s7;
	s9 =	sand.u32 $0x40, s14;
	s5 =	sadd.s32 s29, s31;
	v46 =	vld [tilespmem:s4+$0xCC20]  }
0x41f: {  	s13 =	sand.u32 $0xFFFFFF80, s3;
	s14 =	sor.u32 $0xA80, s7;
	s5 =	sor.u32 s9, s5;
	[tilespmem:s7+$0x19A30] =	vst v36;
	v47 =	vld [tilespmem:s16+$0x0];
	v39 =	vadd.f32 v32, v31  }
0x420: {  	s3 =	sand.u32 $0x40, s3;
	v40 =	vld [tilespmem:s5+$0xCC00];
	s2 =	sadd.s32 s13, s14  }
0x421: {  	v41 =	vld [tilespmem:s31+$0x0];
	s2 =	sor.u32 s3, s2;
	[tilespmem:s7+$0x19E30] =	vst v39  }
0x422: {  	v45 =	vadd.f32 v38, v37;
	v43 =	vld [tilespmem:s2+$0xCC00]  }
0x423: {  	v44 =	vld [tilespmem:s14+$0x0]  }
0x424: {  	[tilespmem:s7+$0x19680] =	vst v45;
	v54 =	vadd.f32 v47, v46  }
0x425: {  	s17 =	sor.u32 $0x290, s7;
	v49 =	vld [tilespmem:s1+$0xCC10]  }
0x426: {  	v50 =	vld [tilespmem:s17+$0x0];
	v48 =	vadd.f32 v41, v40;
	[tilespmem:s7+$0x1A0A0] =	vst v54  }
0x427: {  	s21 =	sor.u32 $0xCB0, s7;
	v58 =	vld [tilespmem:s4+$0xCC30]  }
0x428: {  	[tilespmem:s7+$0x19A80] =	vst v48;
	v59 =	vld [tilespmem:s21+$0x0];
	v51 =	vadd.f32 v44, v43  }
0x429: {  	s18 =	sor.u32 $0x690, s7;
	v52 =	vld [tilespmem:s5+$0xCC10]  }
0x42a: {  	v53 =	vld [tilespmem:s18+$0x0];
	[tilespmem:s7+$0x19E80] =	vst v51  }
0x42b: {  	s20 =	sor.u32 $0xA90, s7;
	v57 =	vadd.f32 v50, v49;
	v55 =	vld [tilespmem:s2+$0xCC10]  }
0x42c: {  	s24 =	spop (v2sf);
	v56 =	vld [tilespmem:s20+$0x0]  }
0x42d: {  	s26 =	sor.u32 $0xD00, s7;
	s25 =	sand.u32 $0xFFFFFF80, s24;
	[tilespmem:s7+$0x19690] =	vst v57;
	v11 =	vadd.f32 v59, v58  }
0x42e: {  	s22 =	sor.u32 $0x2A0, s7;
	s3 =	sadd.s32 s25, s26;
	s4 =	sand.u32 $0x40, s24;
	v61 =	vld [tilespmem:s1+$0xCC20]  }
0x42f: {  	s3 =	sor.u32 s4, s3;
	v62 =	vld [tilespmem:s22+$0x0];
	v60 =	vadd.f32 v53, v52;
	[tilespmem:s7+$0x1A0B0] =	vst v11  }
0x430: {  	v15 =	vld [tilespmem:s3+$0xCC00]  }
0x431: {  	[tilespmem:s7+$0x19A90] =	vst v60;
	v16 =	vld [tilespmem:s26+$0x0];
	v63 =	vadd.f32 v56, v55  }
0x432: {  	s23 =	sor.u32 $0x6A0, s7;
	v9 =	vld [tilespmem:s5+$0xCC20]  }
0x433: {  	v10 =	vld [tilespmem:s23+$0x0];
	[tilespmem:s7+$0x19E90] =	vst v63  }
0x434: {  	s28 =	sor.u32 $0xAA0, s7;
	v14 =	vadd.f32 v62, v61;
	v12 =	vld [tilespmem:s2+$0xCC20]  }
0x435: {  	v13 =	vld [tilespmem:s28+$0x0]  }
0x436: {  	[tilespmem:s7+$0x196A0] =	vst v14;
	v23 =	vadd.f32 v16, v15  }
0x437: {  	s29 =	sor.u32 $0x2B0, s7;
	v18 =	vld [tilespmem:s1+$0xCC30]  }
0x438: {  	v19 =	vld [tilespmem:s29+$0x0];
	v17 =	vadd.f32 v10, v9;
	[tilespmem:s7+$0x1A100] =	vst v23  }
0x439: {  	s8 =	sor.u32 $0xD10, s7;
	v27 =	vld [tilespmem:s3+$0xCC10]  }
0x43a: {  	[tilespmem:s7+$0x19AA0] =	vst v17;
	v28 =	vld [tilespmem:s8+$0x0];
	v20 =	vadd.f32 v13, v12  }
0x43b: {  	s31 =	sor.u32 $0x6B0, s7;
	v21 =	vld [tilespmem:s5+$0xCC30]  }
0x43c: {  	v22 =	vld [tilespmem:s31+$0x0];
	[tilespmem:s7+$0x19EA0] =	vst v20  }
0x43d: {  	s6 =	sor.u32 $0x300, s7;
	s4 =	sor.u32 $0xAB0, s7;
	v26 =	vadd.f32 v19, v18;
	s5 =	sand.u32 $0xFFFFFF80, s0;
	v24 =	vld [tilespmem:s2+$0xCC30]  }
0x43e: {  	s0 =	sand.u32 $0x40, s0;
	s1 =	sadd.s32 s5, s6;
	v25 =	vld [tilespmem:s4+$0x0]  }
0x43f: {  	[tilespmem:s7+$0x196B0] =	vst v26;
	s0 =	sor.u32 s0, s1;
	v35 =	vadd.f32 v28, v27  }
0x440: {  	v30 =	vld [tilespmem:s0+$0xCC00]  }
0x441: {  	(v2sf) =	vpush v0, $0x3;
	s9 =	sand.u32 $0xFFFFFF80, s12;
	s16 =	sand.u32 $0xFFFFFF80, s19;
	v31 =	vld [tilespmem:s6+$0x0];
	v29 =	vadd.f32 v22, v21;
	[tilespmem:s7+$0x1A110] =	vst v35  }
0x442: {  	s13 =	sor.u32 $0x700, s7;
	s18 =	sand.u32 $0x40, s19;
	s19 =	sor.u32 $0xD20, s7;
	v39 =	vld [tilespmem:s3+$0xCC20]  }
0x443: {  	s17 =	sor.u32 $0xB00, s7;
	s14 =	sand.u32 $0x40, s12;
	s1 =	sadd.s32 s9, s13;
	[tilespmem:s7+$0x19AB0] =	vst v29;
	v40 =	vld [tilespmem:s19+$0x0];
	v32 =	vadd.f32 v25, v24  }
0x444: {  	v34 =	vld [tilespmem:s13+$0x0];
	s4 =	sor.u32 s14, s1;
	s1 =	sadd.s32 s16, s17  }
0x445: {  	v33 =	vld [tilespmem:s4+$0xCC00];
	s2 =	sor.u32 s18, s1;
	[tilespmem:s7+$0x19EB0] =	vst v32  }
0x446: {  	v38 =	vadd.f32 v31, v30;
	v36 =	vld [tilespmem:s2+$0xCC00]  }
0x447: {  	v37 =	vld [tilespmem:s17+$0x0]  }
0x448: {  	[tilespmem:s7+$0x19700] =	vst v38;
	v47 =	vadd.f32 v40, v39  }
0x449: {  	s20 =	sor.u32 $0x310, s7;
	v42 =	vld [tilespmem:s0+$0xCC10]  }
0x44a: {  	v43 =	vld [tilespmem:s20+$0x0];
	[tilespmem:s7+$0x1A120] =	vst v47;
	v41 =	vadd.f32 v34, v33  }
0x44b: {  	s23 =	sor.u32 $0xD30, s7;
	v51 =	vld [tilespmem:s3+$0xCC30]  }
0x44c: {  	v52 =	vld [tilespmem:s23+$0x0];
	[tilespmem:s7+$0x19B00] =	vst v41;
	v44 =	vadd.f32 v37, v36  }
0x44d: {  	s21 =	sor.u32 $0x710, s7;
	v45 =	vld [tilespmem:s4+$0xCC10]  }
0x44e: {  	v46 =	vld [tilespmem:s21+$0x0];
	[tilespmem:s7+$0x19F00] =	vst v44  }
0x44f: {  	s22 =	sor.u32 $0xB10, s7;
	v50 =	vadd.f32 v43, v42;
	v48 =	vld [tilespmem:s2+$0xCC10]  }
0x450: {  	s26 =	spop (v2sf);
	v49 =	vld [tilespmem:s22+$0x0]  }
0x451: {  	s29 =	sor.u32 $0xD80, s7;
	s28 =	sand.u32 $0xFFFFFF80, s26;
	[tilespmem:s7+$0x19710] =	vst v50;
	v59 =	vadd.f32 v52, v51  }
0x452: {  	s24 =	sor.u32 $0x320, s7;
	s1 =	sadd.s32 s28, s29;
	s3 =	sand.u32 $0x40, s26;
	v54 =	vld [tilespmem:s0+$0xCC20]  }
0x453: {  	s1 =	sor.u32 s3, s1;
	v55 =	vld [tilespmem:s24+$0x0];
	[tilespmem:s7+$0x1A130] =	vst v59;
	v53 =	vadd.f32 v46, v45  }
0x454: {  	v63 =	vld [tilespmem:s1+$0xCC00]  }
0x455: {  	v9 =	vld [tilespmem:s29+$0x0];
	[tilespmem:s7+$0x19B10] =	vst v53;
	v56 =	vadd.f32 v49, v48  }
0x456: {  	s25 =	sor.u32 $0x720, s7;
	v57 =	vld [tilespmem:s4+$0xCC20]  }
0x457: {  	v58 =	vld [tilespmem:s25+$0x0];
	[tilespmem:s7+$0x19F10] =	vst v56  }
0x458: {  	s31 =	sor.u32 $0xB20, s7;
	v62 =	vadd.f32 v55, v54;
	v60 =	vld [tilespmem:s2+$0xCC20]  }
0x459: {  	v61 =	vld [tilespmem:s31+$0x0]  }
0x45a: {  	[tilespmem:s7+$0x19720] =	vst v62;
	v16 =	vadd.f32 v9, v63  }
0x45b: {  	s3 =	sor.u32 $0x330, s7;
	v11 =	vld [tilespmem:s0+$0xCC30]  }
0x45c: {  	v12 =	vld [tilespmem:s3+$0x0];
	[tilespmem:s7+$0x1A180] =	vst v16;
	v10 =	vadd.f32 v58, v57  }
0x45d: {  	s9 =	sor.u32 $0xD90, s7;
	v20 =	vld [tilespmem:s1+$0xCC10]  }
0x45e: {  	v21 =	vld [tilespmem:s9+$0x0];
	[tilespmem:s7+$0x19B20] =	vst v10;
	v13 =	vadd.f32 v61, v60  }
0x45f: {  	v14 =	vld [tilespmem:s4+$0xCC30];
	s4 =	sor.u32 $0x730, s7  }
0x460: {  	v15 =	vld [tilespmem:s4+$0x0];
	[tilespmem:s7+$0x19F20] =	vst v13  }
0x461: {  	s8 =	sor.u32 $0x380, s7;
	s5 =	sor.u32 $0xB30, s7;
	s6 =	sand.u32 $0xFFFFFF80, s10;
	v19 =	vadd.f32 v12, v11;
	v17 =	vld [tilespmem:s2+$0xCC30]  }
0x462: {  	s10 =	sand.u32 $0x40, s10;
	s0 =	sadd.s32 s6, s8;
	v18 =	vld [tilespmem:s5+$0x0]  }
0x463: {  	s0 =	sor.u32 s10, s0;
	[tilespmem:s7+$0x19730] =	vst v19;
	v28 =	vadd.f32 v21, v20  }
0x464: {  	v23 =	vld [tilespmem:s0+$0xCC00]  }
0x465: {  	(v2sf) =	vpush v0, $0x4;
	s12 =	sand.u32 $0xFFFFFF80, s11;
	s13 =	sor.u32 $0x780, s7;
	v24 =	vld [tilespmem:s8+$0x0];
	[tilespmem:s7+$0x1A190] =	vst v28;
	v22 =	vadd.f32 v15, v14  }
0x466: {  	s19 =	sor.u32 $0xDA0, s7;
	s14 =	sand.u32 $0x40, s11;
	s3 =	sadd.s32 s12, s13;
	v32 =	vld [tilespmem:s1+$0xCC20]  }
0x467: {  	s16 =	sand.u32 $0xFFFFFF80, s15;
	s17 =	sor.u32 $0xB80, s7;
	s3 =	sor.u32 s14, s3;
	v33 =	vld [tilespmem:s19+$0x0];
	[tilespmem:s7+$0x19B30] =	vst v22;
	v25 =	vadd.f32 v18, v17  }
0x468: {  	s18 =	sand.u32 $0x40, s15;
	s2 =	sadd.s32 s16, s17;
	v26 =	vld [tilespmem:s3+$0xCC00]  }
0x469: {  	s2 =	sor.u32 s18, s2;
	v27 =	vld [tilespmem:s13+$0x0];
	[tilespmem:s7+$0x19F30] =	vst v25  }
0x46a: {  	v31 =	vadd.f32 v24, v23;
	v29 =	vld [tilespmem:s2+$0xCC00]  }
0x46b: {  	v30 =	vld [tilespmem:s17+$0x0]  }
0x46c: {  	[tilespmem:s7+$0x19780] =	vst v31;
	v40 =	vadd.f32 v33, v32  }
0x46d: {  	s20 =	sor.u32 $0x390, s7;
	v35 =	vld [tilespmem:s0+$0xCC10]  }
0x46e: {  	v36 =	vld [tilespmem:s20+$0x0];
	[tilespmem:s7+$0x1A1A0] =	vst v40;
	v34 =	vadd.f32 v27, v26  }
0x46f: {  	s23 =	sor.u32 $0xDB0, s7;
	v44 =	vld [tilespmem:s1+$0xCC30]  }
0x470: {  	v45 =	vld [tilespmem:s23+$0x0];
	[tilespmem:s7+$0x19B80] =	vst v34;
	v37 =	vadd.f32 v30, v29  }
0x471: {  	s21 =	sor.u32 $0x790, s7;
	v38 =	vld [tilespmem:s3+$0xCC10]  }
0x472: {  	v39 =	vld [tilespmem:s21+$0x0];
	[tilespmem:s7+$0x19F80] =	vst v37  }
0x473: {  	s22 =	sor.u32 $0xB90, s7;
	v43 =	vadd.f32 v36, v35;
	v41 =	vld [tilespmem:s2+$0xCC10]  }
0x474: {  	s26 =	spop (v2sf);
	v42 =	vld [tilespmem:s22+$0x0]  }
0x475: {  	s28 =	sand.u32 $0xFFFFFF80, s26;
	s29 =	sor.u32 $0xE00, s7;
	[tilespmem:s7+$0x19790] =	vst v43;
	v52 =	vadd.f32 v45, v44  }
0x476: {  	s24 =	sor.u32 $0x3A0, s7;
	s4 =	sand.u32 $0x40, s26;
	s1 =	sadd.s32 s28, s29;
	v47 =	vld [tilespmem:s0+$0xCC20]  }
0x477: {  	s28 =	sor.u32 s4, s1;
	v48 =	vld [tilespmem:s24+$0x0];
	[tilespmem:s7+$0x1A1B0] =	vst v52;
	v46 =	vadd.f32 v39, v38  }
0x478: {  	v56 =	vld [tilespmem:s28+$0xCC00]  }
0x479: {  	v57 =	vld [tilespmem:s29+$0x0];
	[tilespmem:s7+$0x19B90] =	vst v46;
	v49 =	vadd.f32 v42, v41  }
0x47a: {  	s25 =	sor.u32 $0x7A0, s7;
	v50 =	vld [tilespmem:s3+$0xCC20]  }
0x47b: {  	v51 =	vld [tilespmem:s25+$0x0];
	[tilespmem:s7+$0x19F90] =	vst v49  }
0x47c: {  	s31 =	sor.u32 $0xBA0, s7;
	v55 =	vadd.f32 v48, v47;
	v53 =	vld [tilespmem:s2+$0xCC20]  }
0x47d: {  	v54 =	vld [tilespmem:s31+$0x0]  }
0x47e: {  	[tilespmem:s7+$0x197A0] =	vst v55;
	v12 =	vadd.f32 v57, v56  }
0x47f: {  	s8 =	sor.u32 $0x3B0, s7;
	v59 =	vld [tilespmem:s0+$0xCC30]  }
0x480: {  	v60 =	vld [tilespmem:s8+$0x0];
	[tilespmem:s7+$0x1A200] =	vst v12;
	v58 =	vadd.f32 v51, v50  }
0x481: {  	s11 =	sor.u32 $0xE10, s7;
	v1 =	vld [tilespmem:s28+$0xCC10]  }
0x482: {  	v8 =	vld [tilespmem:s11+$0x0];
	[tilespmem:s7+$0x19BA0] =	vst v58;
	v61 =	vadd.f32 v54, v53  }
0x483: {  	s9 =	sor.u32 $0x7B0, s7;
	v62 =	vld [tilespmem:s3+$0xCC30]  }
0x484: {  	v63 =	vld [tilespmem:s9+$0x0];
	[tilespmem:s7+$0x19FA0] =	vst v61  }
0x485: {  	s10 =	sor.u32 $0xBB0, s7;
	v13 =	vld [tilespmem:s2+$0xCC30]  }
0x486: {  	v14 =	vld [tilespmem:s10+$0x0];
	_ =	sdelay $0x1  }
0x487: {  	v2 =	vadd.f32 v60, v59  }
0x488: {  	v1 =	vadd.f32 v8, v1  }
0x489: {  	v16 =	vld [tilespmem:s30+$0x6720];
	[tilespmem:s7+$0x197B0] =	vst v2;
	v4 =	vadd.f32 v63, v62  }
0x48a: {  	[tilespmem:s7+$0x1A210] =	vst v1;
	v15 =	vadd.f32 v14, v13  }
0x48b: {  	(v2sf) =	vpush v0, $0x5;
	[tilespmem:s7+$0x19BB0] =	vst v4  }
0x48c: {  	(v2sf) =	vpush v0, $0x6;
	[tilespmem:s7+$0x19FB0] =	vst v15  }
0x48d: {  	v1 =	vld [tilespmem:s28+$0xCC20];
	(v2sf) =	vpush v0, $0x7  }
0x48e: {  	(v2sf) =	vpush v16, $0x0  }
0x48f: {  	(v2sf) =	vpush v16, $0x1  }
0x490: {  	(v2sf) =	vpush v16, $0x2  }
0x491: {  	v0 =	vld [tilespmem:s30+$0x6728];
	(v2sf) =	vpush v16, $0x3  }
0x492: {  	(v2sf) =	vpush v16, $0x4  }
0x493: {  	(v2sf) =	vpush v16, $0x5  }
0x494: {  	(v2sf) =	vpush v16, $0x6  }
0x495: {  	(v2sf) =	vpush v16, $0x7  }
0x496: {  	(v2sf) =	vpush v0, $0x0  }
0x497: {  	(v2sf) =	vpush v0, $0x1  }
0x498: {  	(v2sf) =	vpush v0, $0x2  }
0x499: {  	v17 =	vld [tilespmem:s30+$0x6730];
	(v2sf) =	vpush v0, $0x3  }
0x49a: {  	s25 =	spop (v2sf);
	(v2sf) =	vpush v0, $0x4  }
0x49b: {  	s24 =	spop (v2sf);
	(v2sf) =	vpush v0, $0x5  }
0x49c: {  	s13 =	spop (v2sf);
	(v2sf) =	vpush v0, $0x6  }
0x49d: {  	s12 =	spop (v2sf);
	(v2sf) =	vpush v0, $0x7  }
0x49e: {  	s9 =	spop (v2sf);
	(v2sf) =	vpush v17, $0x0  }
0x49f: {  	s3 =	spop (v2sf);
	(v2sf) =	vpush v17, $0x1  }
0x4a0: {  	s21 =	spop (v2sf);
	(v2sf) =	vpush v17, $0x2  }
0x4a1: {  	v0 =	vld [tilespmem:s30+$0x6738];
	s26 =	spop (v2sf);
	(v2sf) =	vpush v17, $0x3  }
0x4a2: {  	s20 =	spop (v2sf);
	(v2sf) =	vpush v17, $0x4  }
0x4a3: {  	s14 =	spop (v2sf);
	(v2sf) =	vpush v17, $0x5  }
0x4a4: {  	s15 =	spop (v2sf);
	(v2sf) =	vpush v17, $0x6  }
0x4a5: {  	s16 =	spop (v2sf);
	(v2sf) =	vpush v17, $0x7  }
0x4a6: {  	s5 =	spop (v2sf);
	(v2sf) =	vpush v0, $0x0  }
0x4a7: {  	s4 =	spop (v2sf)  }
0x4a8: {  	s31 =	spop (v2sf)  }
0x4a9: {  	s29 =	spop (v2sf)  }
0x4aa: {  	s10 =	spop (v2sf)  }
0x4ab: {  	[dreg:$0x17] =	wrdreg s15;
	s15 =	spop (v2sf)  }
0x4ac: {  	s17 =	spop (v2sf)  }
0x4ad: {  	[dreg:$0x15] =	wrdreg s17;
	s17 =	spop (v2sf)  }
0x4ae: {  	s19 =	sor.u32 $0x1000, s7;
	s18 =	sand.u32 $0xFFFFFF80, s12;
	s6 =	spop (v2sf)  }
0x4af: {  	s1 =	sand.u32 $0x40, s12;
	s23 =	sadd.s32 s18, s19;
	s8 =	spop (v2sf)  }
0x4b0: {  	s22 =	sor.u32 $0x1400, s7;
	s23 =	sor.u32 s1, s23;
	s1 =	spop (v2sf)  }
0x4b1: {  	v18 =	vld [tilespmem:s19+$0x0];
	s0 =	sand.u32 $0xFFFFFF80, s16;
	s2 =	sand.u32 $0x40, s16;
	s18 =	spop (v2sf)  }
0x4b2: {  	v19 =	vld [tilespmem:s23+$0xCC00];
	s11 =	sadd.s32 s0, s22;
	s0 =	sor.u32 $0x1800, s7;
	s19 =	spop (v2sf)  }
0x4b3: {  	v20 =	vld [tilespmem:s22+$0x0];
	s2 =	sor.u32 s2, s11;
	s16 =	sand.u32 $0xFFFFFF80, s17;
	s11 =	spop (v2sf)  }
0x4b4: {  	v21 =	vld [tilespmem:s2+$0xCC00];
	s17 =	sand.u32 $0x40, s17;
	s22 =	sadd.s32 s16, s0;
	s12 =	spop (v2sf)  }
0x4b5: {  	v22 =	vld [tilespmem:s0+$0x0];
	s17 =	sor.u32 s17, s22;
	s16 =	spop (v2sf)  }
0x4b6: {  	s22 =	sor.u32 $0x1C00, s7;
	v23 =	vld [tilespmem:s17+$0xCC00];
	s0 =	sand.u32 $0xFFFFFF80, s16  }
0x4b7: {  	v2 =	vadd.f32 v18, v19;
	s16 =	sand.u32 $0x40, s16;
	s0 =	sadd.s32 s0, s22  }
0x4b8: {  	v24 =	vld [tilespmem:s22+$0x0];
	s0 =	sor.u32 s16, s0  }
0x4b9: {  	[tilespmem:s7+$0x1A400] =	vst v2;
	v26 =	vadd.f32 v20, v21;
	v25 =	vld [tilespmem:s0+$0xCC00]  }
0x4ba: {  	v28 =	vld [tilespmem:s23+$0xCC10];
	s22 =	sor.u32 $0x1010, s7  }
0x4bb: {  	[tilespmem:s7+$0x1A800] =	vst v26;
	v29 =	vadd.f32 v22, v23;
	v27 =	vld [tilespmem:s22+$0x0]  }
0x4bc: {  	v31 =	vld [tilespmem:s2+$0xCC10];
	s22 =	sor.u32 $0x1410, s7  }
0x4bd: {  	[tilespmem:s7+$0x1AC00] =	vst v29;
	v30 =	vld [tilespmem:s22+$0x0]  }
0x4be: {  	s22 =	sor.u32 $0x1810, s7;
	v34 =	vld [tilespmem:s17+$0xCC10];
	v32 =	vadd.f32 v24, v25  }
0x4bf: {  	v33 =	vld [tilespmem:s22+$0x0]  }
0x4c0: {  	s22 =	sor.u32 $0x1C10, s7;
	v4 =	vadd.f32 v27, v28;
	[tilespmem:s7+$0x1B000] =	vst v32  }
0x4c1: {  	v2 =	vld [tilespmem:s22+$0x0]  }
0x4c2: {  	v36 =	vadd.f32 v30, v31;
	[tilespmem:s7+$0x1A410] =	vst v4;
	v35 =	vld [tilespmem:s0+$0xCC10]  }
0x4c3: {  	v38 =	vld [tilespmem:s23+$0xCC20];
	s22 =	sor.u32 $0x1020, s7  }
0x4c4: {  	v3 =	vadd.f32 v33, v34;
	[tilespmem:s7+$0x1A810] =	vst v36;
	v37 =	vld [tilespmem:s22+$0x0]  }
0x4c5: {  	v39 =	vld [tilespmem:s2+$0xCC20];
	s22 =	sor.u32 $0x1420, s7  }
0x4c6: {  	[tilespmem:s7+$0x1AC10] =	vst v3;
	v4 =	vld [tilespmem:s22+$0x0]  }
0x4c7: {  	v40 =	vld [tilespmem:s17+$0xCC20];
	s22 =	sor.u32 $0x1820, s7;
	v2 =	vadd.f32 v2, v35  }
0x4c8: {  	v3 =	vld [tilespmem:s22+$0x0]  }
0x4c9: {  	s22 =	sor.u32 $0x1C20, s7;
	v6 =	vadd.f32 v37, v38;
	[tilespmem:s7+$0x1B010] =	vst v2  }
0x4ca: {  	(v2sf) =	vpush v0, $0x1;
	v2 =	vld [tilespmem:s22+$0x0]  }
0x4cb: {  	v4 =	vadd.f32 v4, v39;
	v41 =	vld [tilespmem:s0+$0xCC20];
	[tilespmem:s7+$0x1A420] =	vst v6  }
0x4cc: {  	v6 =	vld [tilespmem:s23+$0xCC30];
	s23 =	sor.u32 $0x1030, s7  }
0x4cd: {  	v3 =	vadd.f32 v3, v40;
	[tilespmem:s7+$0x1A820] =	vst v4;
	v42 =	vld [tilespmem:s23+$0x0]  }
0x4ce: {  	s22 =	sor.u32 $0x1430, s7;
	v4 =	vld [tilespmem:s2+$0xCC30]  }
0x4cf: {  	v43 =	vld [tilespmem:s22+$0x0];
	[tilespmem:s7+$0x1AC20] =	vst v3  }
0x4d0: {  	s23 =	sor.u32 $0x1830, s7;
	v3 =	vld [tilespmem:s17+$0xCC30];
	v2 =	vadd.f32 v2, v41  }
0x4d1: {  	v44 =	vld [tilespmem:s23+$0x0]  }
0x4d2: {  	[tilespmem:s7+$0x1B020] =	vst v2;
	v6 =	vadd.f32 v42, v6  }
0x4d3: {  	s16 =	sand.u32 $0xFFFFFF80, s9;
	s2 =	sor.u32 $0x1C30, s7;
	s17 =	sor.u32 $0x1080, s7;
	v2 =	vld [tilespmem:s0+$0xCC30]  }
0x4d4: {  	s9 =	sand.u32 $0x40, s9;
	v4 =	vadd.f32 v43, v4;
	v45 =	vld [tilespmem:s2+$0x0];
	s0 =	sadd.s32 s16, s17;
	[tilespmem:s7+$0x1A430] =	vst v6  }
0x4d5: {  	s22 =	sand.u32 $0xFFFFFF80, s5;
	s23 =	sor.u32 $0x1480, s7;
	s9 =	sor.u32 s9, s0;
	v46 =	vld [tilespmem:s17+$0x0]  }
0x4d6: {  	s5 =	sand.u32 $0x40, s5;
	v3 =	vadd.f32 v44, v3;
	[tilespmem:s7+$0x1A830] =	vst v4;
	s0 =	sadd.s32 s22, s23;
	v6 =	vld [tilespmem:s9+$0xCC00]  }
0x4d7: {  	s16 =	sand.u32 $0xFFFFFF80, s6;
	s5 =	sor.u32 s5, s0;
	v4 =	vld [tilespmem:s23+$0x0];
	s17 =	sor.u32 $0x1880, s7  }
0x4d8: {  	s22 =	sand.u32 $0x40, s6;
	[tilespmem:s7+$0x1AC30] =	vst v3;
	v47 =	vld [tilespmem:s5+$0xCC00];
	s0 =	sadd.s32 s16, s17  }
0x4d9: {  	s23 =	spop (v2sf);
	v3 =	vld [tilespmem:s17+$0x0];
	s2 =	sor.u32 s22, s0;
	v2 =	vadd.f32 v45, v2  }
0x4da: {  	s16 =	sand.u32 $0xFFFFFF80, s23;
	s17 =	sor.u32 $0x1C80, s7;
	v48 =	vld [tilespmem:s2+$0xCC00]  }
0x4db: {  	s6 =	sand.u32 $0x40, s23;
	s0 =	sadd.s32 s16, s17;
	[tilespmem:s7+$0x1B030] =	vst v2;
	v5 =	vadd.f32 v46, v6  }
0x4dc: {  	s6 =	sor.u32 s6, s0;
	v2 =	vld [tilespmem:s17+$0x0]  }
0x4dd: {  	s22 =	sor.u32 $0x1090, s7;
	v49 =	vld [tilespmem:s6+$0xCC00];
	v4 =	vadd.f32 v4, v47;
	[tilespmem:s7+$0x1A480] =	vst v5  }
0x4de: {  	v5 =	vld [tilespmem:s22+$0x0]  }
0x4df: {  	s23 =	sor.u32 $0x1490, s7;
	v50 =	vld [tilespmem:s9+$0xCC10];
	[tilespmem:s7+$0x1A880] =	vst v4;
	v3 =	vadd.f32 v3, v48  }
0x4e0: {  	v4 =	vld [tilespmem:s23+$0x0]  }
0x4e1: {  	s16 =	sor.u32 $0x1890, s7;
	v51 =	vld [tilespmem:s5+$0xCC10];
	[tilespmem:s7+$0x1AC80] =	vst v3  }
0x4e2: {  	v2 =	vadd.f32 v2, v49;
	v3 =	vld [tilespmem:s16+$0x0]  }
0x4e3: {  	v52 =	vld [tilespmem:s2+$0xCC10]  }
0x4e4: {  	s17 =	sor.u32 $0x1C90, s7;
	[tilespmem:s7+$0x1B080] =	vst v2;
	v5 =	vadd.f32 v5, v50  }
0x4e5: {  	v2 =	vld [tilespmem:s17+$0x0]  }
0x4e6: {  	s22 =	sor.u32 $0x10A0, s7;
	v53 =	vld [tilespmem:s6+$0xCC10];
	v4 =	vadd.f32 v4, v51;
	[tilespmem:s7+$0x1A490] =	vst v5  }
0x4e7: {  	v5 =	vld [tilespmem:s22+$0x0]  }
0x4e8: {  	s23 =	sor.u32 $0x14A0, s7;
	v54 =	vld [tilespmem:s9+$0xCC20];
	[tilespmem:s7+$0x1A890] =	vst v4;
	v3 =	vadd.f32 v3, v52  }
0x4e9: {  	v4 =	vld [tilespmem:s23+$0x0]  }
0x4ea: {  	s16 =	sor.u32 $0x18A0, s7;
	v55 =	vld [tilespmem:s5+$0xCC20];
	[tilespmem:s7+$0x1AC90] =	vst v3  }
0x4eb: {  	v2 =	vadd.f32 v2, v53;
	v3 =	vld [tilespmem:s16+$0x0]  }
0x4ec: {  	s22 =	sor.u32 $0xE20, s7;
	v56 =	vld [tilespmem:s2+$0xCC20]  }
0x4ed: {  	(v2sf) =	vpush v0, $0x2;
	s17 =	sor.u32 $0x1CA0, s7;
	v9 =	vld [tilespmem:s22+$0x0];
	[tilespmem:s7+$0x1B090] =	vst v2;
	v5 =	vadd.f32 v5, v54  }
0x4ee: {  	v2 =	vld [tilespmem:s17+$0x0]  }
0x4ef: {  	v57 =	vld [tilespmem:s6+$0xCC20];
	v4 =	vadd.f32 v4, v55;
	[tilespmem:s7+$0x1A4A0] =	vst v5  }
0x4f0: {  	s23 =	sor.u32 $0x10B0, s7;
	v5 =	vld [tilespmem:s9+$0xCC30]  }
0x4f1: {  	v58 =	vld [tilespmem:s23+$0x0];
	[tilespmem:s7+$0x1A8A0] =	vst v4;
	v3 =	vadd.f32 v3, v56  }
0x4f2: {  	s9 =	sor.u32 $0x14B0, s7;
	v4 =	vld [tilespmem:s5+$0xCC30]  }
0x4f3: {  	v1 =	vadd.f32 v9, v1;
	v59 =	vld [tilespmem:s9+$0x0];
	[tilespmem:s7+$0x1ACA0] =	vst v3  }
0x4f4: {  	s16 =	sor.u32 $0x18B0, s7;
	v2 =	vadd.f32 v2, v57;
	v3 =	vld [tilespmem:s2+$0xCC30]  }
0x4f5: {  	[tilespmem:s7+$0x1A220] =	vst v1;
	v60 =	vld [tilespmem:s16+$0x0]  }
0x4f6: {  	s22 =	sor.u32 $0x1100, s7;
	s17 =	sand.u32 $0xFFFFFF80, s3;
	v1 =	vld [tilespmem:s28+$0xCC30];
	[tilespmem:s7+$0x1B0A0] =	vst v2;
	v61 =	vadd.f32 v58, v5  }
0x4f7: {  	s3 =	sand.u32 $0x40, s3;
	s0 =	sadd.s32 s17, s22;
	s23 =	sor.u32 $0x1CB0, s7;
	v62 =	vld [tilespmem:s6+$0xCC30]  }
0x4f8: {  	s5 =	sor.u32 s3, s0;
	v63 =	vld [tilespmem:s23+$0x0];
	v12 =	vadd.f32 v59, v4;
	[tilespmem:s7+$0x1A4B0] =	vst v61  }
0x4f9: {  	s3 =	sand.u32 $0xFFFFFF80, s4;
	s6 =	sor.u32 $0x1500, s7;
	v13 =	vld [tilespmem:s5+$0xCC00]  }
0x4fa: {  	s4 =	sand.u32 $0x40, s4;
	s0 =	sadd.s32 s3, s6;
	v14 =	vld [tilespmem:s22+$0x0];
	[tilespmem:s7+$0x1A8B0] =	vst v12;
	v15 =	vadd.f32 v60, v3  }
0x4fb: {  	s17 =	sor.u32 $0x1900, s7;
	s9 =	sand.u32 $0xFFFFFF80, s8;
	s4 =	sor.u32 s4, s0;
	v16 =	vld [tilespmem:s6+$0x0]  }
0x4fc: {  	s16 =	sand.u32 $0x40, s8;
	s22 =	spop (v2sf);
	s0 =	sadd.s32 s9, s17;
	v17 =	vld [tilespmem:s4+$0xCC00];
	[tilespmem:s7+$0x1ACB0] =	vst v15  }
0x4fd: {  	s28 =	sor.u32 $0x1D00, s7;
	s23 =	sand.u32 $0xFFFFFF80, s22;
	s8 =	sor.u32 s16, s0;
	v18 =	vadd.f32 v63, v62;
	v19 =	vld [tilespmem:s17+$0x0]  }
0x4fe: {  	s6 =	sand.u32 $0x40, s22;
	s9 =	sadd.s32 s23, s28;
	v20 =	vld [tilespmem:s8+$0xCC00];
	s17 =	sor.u32 $0xE30, s7  }
0x4ff: {  	s6 =	sor.u32 s6, s9;
	v24 =	vld [tilespmem:s17+$0x0];
	[tilespmem:s7+$0x1B0B0] =	vst v18;
	v21 =	vadd.f32 v14, v13  }
0x500: {  	v22 =	vld [tilespmem:s6+$0xCC00]  }
0x501: {  	v23 =	vld [tilespmem:s28+$0x0];
	v25 =	vadd.f32 v16, v17;
	[tilespmem:s7+$0x1A500] =	vst v21  }
0x502: {  	s22 =	sor.u32 $0x1110, s7;
	v26 =	vld [tilespmem:s5+$0xCC10]  }
0x503: {  	v27 =	vld [tilespmem:s22+$0x0];
	[tilespmem:s7+$0x1A900] =	vst v25;
	v28 =	vadd.f32 v19, v20  }
0x504: {  	s23 =	sor.u32 $0x1510, s7;
	v29 =	vld [tilespmem:s4+$0xCC10]  }
0x505: {  	v30 =	vld [tilespmem:s23+$0x0];
	v1 =	vadd.f32 v24, v1;
	[tilespmem:s7+$0x1AD00] =	vst v28  }
0x506: {  	s3 =	sor.u32 $0xE80, s7;
	s28 =	sor.u32 $0x1910, s7;
	s22 =	sand.u32 $0xFFFFFF80, s25;
	v32 =	vld [tilespmem:s8+$0xCC10]  }
0x507: {  	s0 =	sadd.s32 s22, s3;
	v31 =	vadd.f32 v23, v22;
	v33 =	vld [tilespmem:s28+$0x0];
	[tilespmem:s7+$0x1A230] =	vst v1;
	s28 =	sand.u32 $0x40, s25  }
0x508: {  	v37 =	vld [tilespmem:s3+$0x0];
	s3 =	sor.u32 s28, s0  }
0x509: {  	[tilespmem:s7+$0x1B100] =	vst v31;
	v34 =	vadd.f32 v27, v26;
	v46 =	vld [tilespmem:s3+$0xCC00]  }
0x50a: {  	s2 =	sor.u32 $0x1D10, s7;
	v35 =	vld [tilespmem:s6+$0xCC10]  }
0x50b: {  	v36 =	vld [tilespmem:s2+$0x0];
	v38 =	vadd.f32 v30, v29;
	[tilespmem:s7+$0x1A510] =	vst v34  }
0x50c: {  	s9 =	sor.u32 $0x1120, s7;
	v39 =	vld [tilespmem:s5+$0xCC20]  }
0x50d: {  	v40 =	vld [tilespmem:s9+$0x0];
	[tilespmem:s7+$0x1A910] =	vst v38;
	v41 =	vadd.f32 v33, v32  }
0x50e: {  	s16 =	sor.u32 $0x1520, s7;
	v42 =	vld [tilespmem:s4+$0xCC20]  }
0x50f: {  	s17 =	sor.u32 $0x1920, s7;
	v43 =	vld [tilespmem:s16+$0x0];
	[tilespmem:s7+$0x1AD10] =	vst v41;
	v49 =	vadd.f32 v37, v46  }
0x510: {  	v1 =	vadd.f32 v36, v35;
	v2 =	vld [tilespmem:s17+$0x0]  }
0x511: {  	v44 =	vld [tilespmem:s8+$0xCC20];
	[tilespmem:s7+$0x1A280] =	vst v49  }
0x512: {  	s23 =	sor.u32 $0x1D20, s7;
	[tilespmem:s7+$0x1B110] =	vst v1;
	v5 =	vadd.f32 v40, v39;
	v54 =	vld [tilespmem:s3+$0xCC10]  }
0x513: {  	(v2sf) =	vpush v0, $0x3;
	v1 =	vld [tilespmem:s23+$0x0]  }
0x514: {  	v45 =	vld [tilespmem:s6+$0xCC20];
	v4 =	vadd.f32 v43, v42;
	[tilespmem:s7+$0x1A520] =	vst v5  }
0x515: {  	s2 =	sor.u32 $0x1130, s7;
	v5 =	vld [tilespmem:s5+$0xCC30]  }
0x516: {  	v47 =	vld [tilespmem:s2+$0x0];
	[tilespmem:s7+$0x1A920] =	vst v4;
	v2 =	vadd.f32 v2, v44  }
0x517: {  	s5 =	sor.u32 $0x1530, s7;
	v48 =	vld [tilespmem:s4+$0xCC30]  }
0x518: {  	s16 =	sand.u32 $0xFFFFFF80, s21;
	s17 =	sor.u32 $0x1180, s7;
	v4 =	vld [tilespmem:s5+$0x0];
	[tilespmem:s7+$0x1AD20] =	vst v2  }
0x519: {  	s9 =	sor.u32 $0x1930, s7;
	s0 =	sadd.s32 s16, s17;
	s23 =	sand.u32 $0x40, s21;
	v1 =	vadd.f32 v1, v45;
	v2 =	vld [tilespmem:s8+$0xCC30]  }
0x51a: {  	s4 =	sor.u32 s23, s0;
	s23 =	sor.u32 $0xE90, s7;
	v50 =	vld [tilespmem:s9+$0x0]  }
0x51b: {  	v15 =	vld [tilespmem:s23+$0x0];
	[tilespmem:s7+$0x1B120] =	vst v1;
	v51 =	vadd.f32 v47, v5  }
0x51c: {  	s22 =	sor.u32 $0x1D30, s7;
	v52 =	vld [tilespmem:s6+$0xCC30]  }
0x51d: {  	s25 =	sand.u32 $0xFFFFFF80, s31;
	s28 =	sor.u32 $0x1580, s7;
	v53 =	vld [tilespmem:s22+$0x0];
	v55 =	vadd.f32 v4, v48;
	[tilespmem:s7+$0x1A530] =	vst v51  }
0x51e: {  	s0 =	sadd.s32 s25, s28;
	s8 =	sand.u32 $0x40, s31;
	v56 =	vld [tilespmem:s4+$0xCC00]  }
0x51f: {  	s5 =	sor.u32 s8, s0;
	v57 =	vld [tilespmem:s17+$0x0];
	[tilespmem:s7+$0x1A930] =	vst v55;
	v58 =	vadd.f32 v50, v2  }
0x520: {  	s16 =	sor.u32 $0x1980, s7;
	s9 =	sand.u32 $0xFFFFFF80, s1;
	v59 =	vld [tilespmem:s5+$0xCC00]  }
0x521: {  	s1 =	sand.u32 $0x40, s1;
	s0 =	sadd.s32 s9, s16;
	v24 =	vadd.f32 v15, v54;
	v60 =	vld [tilespmem:s28+$0x0];
	[tilespmem:s7+$0x1AD30] =	vst v58  }
0x522: {  	s1 =	sor.u32 s1, s0;
	s17 =	spop (v2sf);
	v61 =	vadd.f32 v53, v52;
	v62 =	vld [tilespmem:s16+$0x0]  }
0x523: {  	s8 =	sor.u32 $0xEA0, s7;
	s22 =	sor.u32 $0x1D80, s7;
	s21 =	sand.u32 $0xFFFFFF80, s17;
	[tilespmem:s7+$0x1A290] =	vst v24;
	v63 =	vld [tilespmem:s1+$0xCC00]  }
0x524: {  	s6 =	sand.u32 $0x40, s17;
	s0 =	sadd.s32 s21, s22;
	v29 =	vld [tilespmem:s8+$0x0];
	[tilespmem:s7+$0x1B130] =	vst v61;
	v12 =	vadd.f32 v57, v56  }
0x525: {  	s6 =	sor.u32 s6, s0;
	v13 =	vld [tilespmem:s22+$0x0]  }
0x526: {  	v14 =	vld [tilespmem:s6+$0xCC00];
	v16 =	vadd.f32 v60, v59;
	[tilespmem:s7+$0x1A580] =	vst v12  }
0x527: {  	s25 =	sor.u32 $0x1190, s7;
	v17 =	vld [tilespmem:s4+$0xCC10]  }
0x528: {  	v18 =	vld [tilespmem:s25+$0x0];
	[tilespmem:s7+$0x1A980] =	vst v16;
	v19 =	vadd.f32 v62, v63  }
0x529: {  	s28 =	sor.u32 $0x1590, s7;
	v20 =	vld [tilespmem:s5+$0xCC10]  }
0x52a: {  	v21 =	vld [tilespmem:s28+$0x0];
	[tilespmem:s7+$0x1AD80] =	vst v19  }
0x52b: {  	s31 =	sor.u32 $0x1990, s7;
	v22 =	vadd.f32 v13, v14;
	v23 =	vld [tilespmem:s1+$0xCC10]  }
0x52c: {  	v25 =	vld [tilespmem:s31+$0x0]  }
0x52d: {  	s2 =	sor.u32 $0x1D90, s7;
	v40 =	vld [tilespmem:s3+$0xCC20];
	[tilespmem:s7+$0x1B180] =	vst v22;
	v26 =	vadd.f32 v18, v17  }
0x52e: {  	v27 =	vld [tilespmem:s2+$0x0]  }
0x52f: {  	v28 =	vld [tilespmem:s6+$0xCC10];
	v30 =	vadd.f32 v21, v20;
	[tilespmem:s7+$0x1A590] =	vst v26  }
0x530: {  	s9 =	sor.u32 $0x11A0, s7;
	v31 =	vld [tilespmem:s4+$0xCC20]  }
0x531: {  	v32 =	vld [tilespmem:s9+$0x0];
	[tilespmem:s7+$0x1A990] =	vst v30;
	v33 =	vadd.f32 v25, v23  }
0x532: {  	s16 =	sor.u32 $0x15A0, s7;
	v34 =	vld [tilespmem:s5+$0xCC20]  }
0x533: {  	v43 =	vadd.f32 v29, v40;
	v35 =	vld [tilespmem:s16+$0x0];
	[tilespmem:s7+$0x1AD90] =	vst v33  }
0x534: {  	s17 =	sor.u32 $0x19A0, s7;
	v36 =	vadd.f32 v27, v28;
	v37 =	vld [tilespmem:s1+$0xCC20]  }
0x535: {  	[tilespmem:s7+$0x1A2A0] =	vst v43;
	v38 =	vld [tilespmem:s17+$0x0]  }
0x536: {  	(v2sf) =	vpush v0, $0x4;
	s21 =	sor.u32 $0x1DA0, s7;
	v48 =	vld [tilespmem:s3+$0xCC30];
	[tilespmem:s7+$0x1B190] =	vst v36;
	v5 =	vadd.f32 v32, v31  }
0x537: {  	v1 =	vld [tilespmem:s21+$0x0]  }
0x538: {  	v39 =	vld [tilespmem:s6+$0xCC20];
	v3 =	vadd.f32 v35, v34;
	[tilespmem:s7+$0x1A5A0] =	vst v5  }
0x539: {  	s22 =	sor.u32 $0x11B0, s7;
	v5 =	vld [tilespmem:s4+$0xCC30]  }
0x53a: {  	v41 =	vld [tilespmem:s22+$0x0];
	[tilespmem:s7+$0x1A9A0] =	vst v3;
	v2 =	vadd.f32 v38, v37  }
0x53b: {  	s23 =	sor.u32 $0x15B0, s7;
	v3 =	vld [tilespmem:s5+$0xCC30]  }
0x53c: {  	v42 =	vld [tilespmem:s23+$0x0];
	[tilespmem:s7+$0x1ADA0] =	vst v2  }
0x53d: {  	s25 =	sor.u32 $0x19B0, s7;
	s28 =	sand.u32 $0xFFFFFF80, s26;
	s31 =	sor.u32 $0x1200, s7;
	v1 =	vadd.f32 v1, v39;
	v2 =	vld [tilespmem:s1+$0xCC30]  }
0x53e: {  	s0 =	sadd.s32 s28, s31;
	s28 =	sor.u32 $0xEB0, s7;
	v44 =	vld [tilespmem:s25+$0x0]  }
0x53f: {  	v61 =	vld [tilespmem:s28+$0x0];
	[tilespmem:s7+$0x1B1A0] =	vst v1;
	v45 =	vadd.f32 v41, v5  }
0x540: {  	s5 =	sor.u32 $0x1DB0, s7;
	v46 =	vld [tilespmem:s6+$0xCC30];
	s6 =	sand.u32 $0x40, s26  }
0x541: {  	s8 =	sand.u32 $0xFFFFFF80, s29;
	s9 =	sor.u32 $0x1600, s7;
	v47 =	vld [tilespmem:s5+$0x0];
	v49 =	vadd.f32 v42, v3;
	[tilespmem:s7+$0x1A5B0] =	vst v45;
	s3 =	sor.u32 s6, s0  }
0x542: {  	s16 =	sand.u32 $0x40, s29;
	s0 =	sadd.s32 s8, s9;
	v50 =	vld [tilespmem:s3+$0xCC00]  }
0x543: {  	s17 =	sand.u32 $0xFFFFFF80, s18;
	s21 =	sor.u32 $0x1A00, s7;
	v51 =	vld [tilespmem:s31+$0x0];
	[tilespmem:s7+$0x1A9B0] =	vst v49;
	s4 =	sor.u32 s16, s0;
	v52 =	vadd.f32 v44, v2  }
0x544: {  	s22 =	sand.u32 $0x40, s18;
	s0 =	sadd.s32 s17, s21;
	v53 =	vld [tilespmem:s4+$0xCC00]  }
0x545: {  	v18 =	vadd.f32 v61, v48;
	s23 =	spop (v2sf);
	v54 =	vld [tilespmem:s9+$0x0];
	s5 =	sor.u32 s22, s0;
	[tilespmem:s7+$0x1ADB0] =	vst v52  }
0x546: {  	s25 =	sand.u32 $0xFFFFFF80, s23;
	s26 =	sor.u32 $0x1E00, s7;
	v55 =	vadd.f32 v47, v46;
	v56 =	vld [tilespmem:s5+$0xCC00]  }
0x547: {  	[tilespmem:s7+$0x1A2B0] =	vst v18;
	s6 =	sand.u32 $0x40, s23;
	s8 =	sor.u32 $0xF00, s7;
	s0 =	sadd.s32 s25, s26;
	v57 =	vld [tilespmem:s21+$0x0]  }
0x548: {  	v23 =	vld [tilespmem:s8+$0x0];
	s6 =	sor.u32 s6, s0;
	[tilespmem:s7+$0x1B1B0] =	vst v55;
	v58 =	vadd.f32 v51, v50  }
0x549: {  	v59 =	vld [tilespmem:s6+$0xCC00]  }
0x54a: {  	v60 =	vld [tilespmem:s26+$0x0];
	v62 =	vadd.f32 v54, v53;
	[tilespmem:s7+$0x1A600] =	vst v58  }
0x54b: {  	s29 =	sor.u32 $0x1210, s7;
	v63 =	vld [tilespmem:s3+$0xCC10]  }
0x54c: {  	v12 =	vld [tilespmem:s29+$0x0];
	[tilespmem:s7+$0x1AA00] =	vst v62;
	v13 =	vadd.f32 v57, v56  }
0x54d: {  	s31 =	sor.u32 $0x1610, s7;
	v14 =	vld [tilespmem:s4+$0xCC10]  }
0x54e: {  	s18 =	sand.u32 $0xFFFFFF80, s24;
	s1 =	sor.u32 $0x1A10, s7;
	v15 =	vld [tilespmem:s31+$0x0];
	[tilespmem:s7+$0x1AE00] =	vst v13  }
0x54f: {  	s22 =	sand.u32 $0x40, s24;
	v16 =	vadd.f32 v60, v59;
	v19 =	vld [tilespmem:s1+$0x0];
	s1 =	sadd.s32 s18, s8  }
0x550: {  	v17 =	vld [tilespmem:s5+$0xCC10];
	s1 =	sor.u32 s22, s1  }
0x551: {  	[tilespmem:s7+$0x1B200] =	vst v16;
	v20 =	vadd.f32 v12, v63;
	v34 =	vld [tilespmem:s1+$0xCC00]  }
0x552: {  	s2 =	sor.u32 $0x1E10, s7;
	v21 =	vld [tilespmem:s6+$0xCC10]  }
0x553: {  	v22 =	vld [tilespmem:s2+$0x0];
	v24 =	vadd.f32 v15, v14;
	[tilespmem:s7+$0x1A610] =	vst v20  }
0x554: {  	s9 =	sor.u32 $0x1220, s7;
	v25 =	vld [tilespmem:s3+$0xCC20]  }
0x555: {  	v26 =	vld [tilespmem:s9+$0x0];
	[tilespmem:s7+$0x1AA10] =	vst v24;
	v27 =	vadd.f32 v19, v17  }
0x556: {  	s16 =	sor.u32 $0x1620, s7;
	v28 =	vld [tilespmem:s4+$0xCC20]  }
0x557: {  	v29 =	vld [tilespmem:s16+$0x0];
	[tilespmem:s7+$0x1AE10] =	vst v27;
	v37 =	vadd.f32 v23, v34  }
0x558: {  	s17 =	sor.u32 $0x1A20, s7;
	v30 =	vadd.f32 v22, v21;
	v31 =	vld [tilespmem:s5+$0xCC20]  }
0x559: {  	v32 =	vld [tilespmem:s17+$0x0];
	[tilespmem:s7+$0x1A300] =	vst v37  }
0x55a: {  	s21 =	sor.u32 $0x1E20, s7;
	[tilespmem:s7+$0x1B210] =	vst v30;
	v42 =	vld [tilespmem:s1+$0xCC10]  }
0x55b: {  	(v2sf) =	vpush v0, $0x5;
	v5 =	vadd.f32 v26, v25;
	v1 =	vld [tilespmem:s21+$0x0]  }
0x55c: {  	s26 =	sand.u32 $0xFFFFFF80, s20;
	s31 =	sand.u32 $0x40, s20;
	s20 =	sor.u32 $0xF10, s7;
	v33 =	vld [tilespmem:s6+$0xCC20]  }
0x55d: {  	v55 =	vld [tilespmem:s20+$0x0];
	v3 =	vadd.f32 v29, v28;
	[tilespmem:s7+$0x1A620] =	vst v5  }
0x55e: {  	s23 =	sor.u32 $0x1230, s7;
	v5 =	vld [tilespmem:s3+$0xCC30]  }
0x55f: {  	v35 =	vld [tilespmem:s23+$0x0];
	[tilespmem:s7+$0x1AA20] =	vst v3;
	v2 =	vadd.f32 v32, v31  }
0x560: {  	s24 =	sor.u32 $0x1630, s7;
	v3 =	vld [tilespmem:s4+$0xCC30]  }
0x561: {  	v36 =	vld [tilespmem:s24+$0x0];
	[tilespmem:s7+$0x1AE20] =	vst v2;
	v1 =	vadd.f32 v1, v33  }
0x562: {  	s25 =	sor.u32 $0x1A30, s7;
	v2 =	vld [tilespmem:s5+$0xCC30]  }
0x563: {  	v11 =	vadd.f32 v55, v42;
	v38 =	vld [tilespmem:s25+$0x0];
	[tilespmem:s7+$0x1B220] =	vst v1  }
0x564: {  	s28 =	sor.u32 $0x1280, s7;
	s29 =	sor.u32 $0x1E30, s7;
	v39 =	vadd.f32 v35, v5;
	v40 =	vld [tilespmem:s6+$0xCC30]  }
0x565: {  	s0 =	sadd.s32 s26, s28;
	s25 =	sor.u32 $0xF20, s7;
	[tilespmem:s7+$0x1A310] =	vst v11;
	v41 =	vld [tilespmem:s29+$0x0]  }
0x566: {  	s3 =	sor.u32 s31, s0;
	s5 =	sand.u32 $0xFFFFFF80, s10;
	v16 =	vld [tilespmem:s25+$0x0];
	v43 =	vadd.f32 v36, v3;
	s6 =	sor.u32 $0x1680, s7;
	[tilespmem:s7+$0x1A630] =	vst v39  }
0x567: {  	s8 =	sand.u32 $0x40, s10;
	s0 =	sadd.s32 s5, s6;
	v44 =	vld [tilespmem:s3+$0xCC00]  }
0x568: {  	v45 =	vld [tilespmem:s28+$0x0];
	[tilespmem:s7+$0x1AA30] =	vst v43;
	s0 =	sor.u32 s8, s0;
	v46 =	vadd.f32 v38, v2  }
0x569: {  	s9 =	sand.u32 $0xFFFFFF80, s19;
	s10 =	sor.u32 $0x1A80, s7;
	v47 =	vld [tilespmem:s0+$0xCC00]  }
0x56a: {  	s16 =	sand.u32 $0x40, s19;
	s17 =	spop (v2sf);
	s2 =	sadd.s32 s9, s10;
	v48 =	vld [tilespmem:s6+$0x0];
	[tilespmem:s7+$0x1AE30] =	vst v46;
	v49 =	vadd.f32 v41, v40  }
0x56b: {  	s19 =	sor.u32 $0x1E80, s7;
	s18 =	sand.u32 $0xFFFFFF80, s17;
	s4 =	sor.u32 s16, s2;
	v50 =	vld [tilespmem:s10+$0x0]  }
0x56c: {  	s2 =	sadd.s32 s18, s19;
	s6 =	sand.u32 $0x40, s17;
	v51 =	vld [tilespmem:s4+$0xCC00];
	[tilespmem:s7+$0x1B230] =	vst v49  }
0x56d: {  	s2 =	sor.u32 s6, s2;
	v52 =	vadd.f32 v45, v44;
	v53 =	vld [tilespmem:s19+$0x0]  }
0x56e: {  	v54 =	vld [tilespmem:s2+$0xCC00]  }
0x56f: {  	v27 =	vld [tilespmem:s1+$0xCC20];
	v56 =	vadd.f32 v48, v47;
	[tilespmem:s7+$0x1A680] =	vst v52  }
0x570: {  	s21 =	sor.u32 $0x1290, s7;
	v57 =	vld [tilespmem:s3+$0xCC10]  }
0x571: {  	v58 =	vld [tilespmem:s21+$0x0];
	[tilespmem:s7+$0x1AA80] =	vst v56;
	v59 =	vadd.f32 v50, v51  }
0x572: {  	s22 =	sor.u32 $0x1690, s7;
	v60 =	vld [tilespmem:s0+$0xCC10]  }
0x573: {  	v61 =	vld [tilespmem:s22+$0x0];
	[tilespmem:s7+$0x1AE80] =	vst v59;
	v62 =	vadd.f32 v53, v54  }
0x574: {  	s23 =	sor.u32 $0x1A90, s7;
	v63 =	vld [tilespmem:s4+$0xCC10]  }
0x575: {  	s24 =	sor.u32 $0x1E90, s7;
	v30 =	vadd.f32 v16, v27;
	v12 =	vld [tilespmem:s23+$0x0];
	[tilespmem:s7+$0x1B280] =	vst v62  }
0x576: {  	v13 =	vadd.f32 v58, v57;
	v14 =	vld [tilespmem:s24+$0x0]  }
0x577: {  	[tilespmem:s7+$0x1A320] =	vst v30;
	v15 =	vld [tilespmem:s2+$0xCC10]  }
0x578: {  	v33 =	vld [tilespmem:s1+$0xCC30];
	v17 =	vadd.f32 v61, v60;
	[tilespmem:s7+$0x1A690] =	vst v13  }
0x579: {  	s26 =	sor.u32 $0x12A0, s7;
	v18 =	vld [tilespmem:s3+$0xCC20]  }
0x57a: {  	v19 =	vld [tilespmem:s26+$0x0];
	[tilespmem:s7+$0x1AA90] =	vst v17;
	v20 =	vadd.f32 v12, v63  }
0x57b: {  	s28 =	sor.u32 $0x16A0, s7;
	v21 =	vld [tilespmem:s0+$0xCC20]  }
0x57c: {  	v22 =	vld [tilespmem:s28+$0x0];
	[tilespmem:s7+$0x1AE90] =	vst v20;
	v23 =	vadd.f32 v14, v15  }
0x57d: {  	s29 =	sor.u32 $0x1AA0, s7;
	v24 =	vld [tilespmem:s4+$0xCC20]  }
0x57e: {  	s31 =	sor.u32 $0x1EA0, s7;
	v25 =	vld [tilespmem:s29+$0x0];
	[tilespmem:s7+$0x1B290] =	vst v23  }
0x57f: {  	(v2sf) =	vpush v0, $0x6;
	v5 =	vadd.f32 v19, v18;
	v1 =	vld [tilespmem:s31+$0x0]  }
0x580: {  	s18 =	sor.u32 $0xF30, s7;
	v26 =	vld [tilespmem:s2+$0xCC20]  }
0x581: {  	v34 =	vld [tilespmem:s18+$0x0];
	v3 =	vadd.f32 v22, v21;
	[tilespmem:s7+$0x1A6A0] =	vst v5  }
0x582: {  	s6 =	sor.u32 $0x12B0, s7;
	v5 =	vld [tilespmem:s3+$0xCC30]  }
0x583: {  	v28 =	vld [tilespmem:s6+$0x0];
	[tilespmem:s7+$0x1AAA0] =	vst v3;
	v2 =	vadd.f32 v25, v24  }
0x584: {  	s8 =	sor.u32 $0x16B0, s7;
	v3 =	vld [tilespmem:s0+$0xCC30]  }
0x585: {  	v29 =	vld [tilespmem:s8+$0x0];
	[tilespmem:s7+$0x1AEA0] =	vst v2;
	v1 =	vadd.f32 v1, v26  }
0x586: {  	s9 =	sor.u32 $0x1AB0, s7;
	v2 =	vld [tilespmem:s4+$0xCC30]  }
0x587: {  	v37 =	vadd.f32 v34, v33;
	v31 =	vld [tilespmem:s9+$0x0];
	[tilespmem:s7+$0x1B2A0] =	vst v1  }
0x588: {  	s16 =	sand.u32 $0xFFFFFF80, s14;
	s17 =	sor.u32 $0x1300, s7;
	s10 =	sor.u32 $0x1EB0, s7;
	v5 =	vadd.f32 v28, v5;
	v1 =	vld [tilespmem:s2+$0xCC30]  }
0x589: {  	s25 =	sor.u32 $0xF80, s7;
	s19 =	sand.u32 $0x40, s14;
	[tilespmem:s7+$0x1A330] =	vst v37;
	v32 =	vld [tilespmem:s10+$0x0];
	s2 =	sadd.s32 s16, s17  }
0x58a: {  	s20 =	sand.u32 $0xFFFFFF80, s15;
	s21 =	sor.u32 $0x1700, s7;
	v42 =	vld [tilespmem:s25+$0x0];
	v3 =	vadd.f32 v29, v3;
	[tilespmem:s7+$0x1A6B0] =	vst v5;
	s1 =	sor.u32 s19, s2  }
0x58b: {  	s22 =	sand.u32 $0x40, s15;
	s0 =	sadd.s32 s20, s21;
	v35 =	vld [tilespmem:s1+$0xCC00]  }
0x58c: {  	s3 =	sor.u32 s22, s0;
	v5 =	vld [tilespmem:s17+$0x0];
	[tilespmem:s7+$0x1AAB0] =	vst v3;
	v2 =	vadd.f32 v31, v2  }
0x58d: {  	s23 =	sand.u32 $0xFFFFFF80, s13;
	s26 =	sand.u32 $0xFFFFFF80, s11;
	s29 =	sor.u32 $0x1B00, s7;
	v3 =	vld [tilespmem:s3+$0xCC00]  }
0x58e: {  	s28 =	sand.u32 $0x40, s11;
	s31 =	spop (v2sf);
	s2 =	sadd.s32 s26, s29;
	v36 =	vld [tilespmem:s21+$0x0];
	[tilespmem:s7+$0x1AEB0] =	vst v2;
	v1 =	vadd.f32 v32, v1  }
0x58f: {  	s11 =	sand.u32 $0xFFFFFF80, s31;
	s10 =	sor.u32 $0x1F00, s7;
	s4 =	sor.u32 s28, s2;
	v38 =	vld [tilespmem:s29+$0x0]  }
0x590: {  	s24 =	sand.u32 $0x40, s13;
	s13 =	sand.u32 $0x40, s31;
	s2 =	sadd.s32 s11, s10;
	v39 =	vld [tilespmem:s4+$0xCC00];
	[tilespmem:s7+$0x1B2B0] =	vst v1  }
0x591: {  	s0 =	sadd.s32 s23, s25;
	s5 =	sor.u32 s13, s2;
	v4 =	vadd.f32 v5, v35;
	v1 =	vld [tilespmem:s10+$0x0]  }
0x592: {  	s0 =	sor.u32 s24, s0;
	v41 =	vld [tilespmem:s5+$0xCC00]  }
0x593: {  	v40 =	vld [tilespmem:s0+$0xCC00];
	v3 =	vadd.f32 v36, v3;
	[tilespmem:s7+$0x1A700] =	vst v4  }
0x594: {  	s14 =	sor.u32 $0x1310, s7;
	v4 =	vld [tilespmem:s1+$0xCC10]  }
0x595: {  	v43 =	vld [tilespmem:s14+$0x0];
	[tilespmem:s7+$0x1AB00] =	vst v3;
	v2 =	vadd.f32 v38, v39  }
0x596: {  	s15 =	sor.u32 $0x1710, s7;
	v3 =	vld [tilespmem:s3+$0xCC10]  }
0x597: {  	v44 =	vld [tilespmem:s15+$0x0];
	[tilespmem:s7+$0x1AF00] =	vst v2;
	v1 =	vadd.f32 v1, v41  }
0x598: {  	s16 =	sor.u32 $0x1B10, s7;
	v2 =	vld [tilespmem:s4+$0xCC10]  }
0x599: {  	s17 =	sor.u32 $0x1F10, s7;
	v45 =	vadd.f32 v42, v40;
	v46 =	vld [tilespmem:s16+$0x0];
	[tilespmem:s7+$0x1B300] =	vst v1  }
0x59a: {  	v47 =	vadd.f32 v43, v4;
	v48 =	vld [tilespmem:s17+$0x0]  }
0x59b: {  	s18 =	sor.u32 $0xF90, s7;
	[tilespmem:s7+$0x1A380] =	vst v45;
	v49 =	vld [tilespmem:s5+$0xCC10]  }
0x59c: {  	v50 =	vld [tilespmem:s18+$0x0];
	v51 =	vadd.f32 v44, v3;
	[tilespmem:s7+$0x1A710] =	vst v47  }
0x59d: {  	s19 =	sor.u32 $0x1320, s7;
	v52 =	vld [tilespmem:s1+$0xCC20]  }
0x59e: {  	v53 =	vld [tilespmem:s19+$0x0];
	[tilespmem:s7+$0x1AB10] =	vst v51;
	v54 =	vadd.f32 v46, v2  }
0x59f: {  	s20 =	sor.u32 $0x1720, s7;
	v55 =	vld [tilespmem:s3+$0xCC20]  }
0x5a0: {  	v56 =	vld [tilespmem:s20+$0x0];
	[tilespmem:s7+$0x1AF10] =	vst v54;
	v57 =	vadd.f32 v48, v49  }
0x5a1: {  	s21 =	sor.u32 $0x1B20, s7;
	v58 =	vld [tilespmem:s4+$0xCC20]  }
0x5a2: {  	s22 =	sor.u32 $0x1F20, s7;
	v59 =	vld [tilespmem:s21+$0x0];
	[tilespmem:s7+$0x1B310] =	vst v57  }
0x5a3: {  	(v2sf) =	vpush v0, $0x7;
	v3 =	vadd.f32 v53, v52;
	v1 =	vld [tilespmem:s22+$0x0]  }
0x5a4: {  	v60 =	vld [tilespmem:s5+$0xCC20]  }
0x5a5: {  	v61 =	vld [tilespmem:s0+$0xCC10];
	v2 =	vadd.f32 v56, v55;
	[tilespmem:s7+$0x1A720] =	vst v3  }
0x5a6: {  	s23 =	sor.u32 $0x1330, s7;
	v3 =	vld [tilespmem:s1+$0xCC30]  }
0x5a7: {  	v62 =	vld [tilespmem:s23+$0x0];
	[tilespmem:s7+$0x1AB20] =	vst v2;
	v63 =	vadd.f32 v59, v58  }
0x5a8: {  	s24 =	sor.u32 $0x1730, s7;
	v9 =	vld [tilespmem:s3+$0xCC30]  }
0x5a9: {  	v10 =	vld [tilespmem:s24+$0x0];
	[tilespmem:s7+$0x1AF20] =	vst v63;
	v0 =	vadd.f32 v1, v60  }
0x5aa: {  	s25 =	sor.u32 $0x1B30, s7;
	s26 =	rddreg [dreg:$0x17];
	v11 =	vld [tilespmem:s4+$0xCC30]  }
0x5ab: {  	s28 =	sand.u32 $0xFFFFFF80, s26;
	s29 =	sor.u32 $0x1380, s7;
	v12 =	vadd.f32 v50, v61;
	v13 =	vld [tilespmem:s25+$0x0];
	[tilespmem:s7+$0x1B320] =	vst v0  }
0x5ac: {  	s31 =	sor.u32 $0x1F30, s7;
	s1 =	sadd.s32 s28, s29;
	s4 =	sand.u32 $0x40, s26;
	v14 =	vadd.f32 v62, v3;
	v15 =	vld [tilespmem:s5+$0xCC30]  }
0x5ad: {  	[tilespmem:s7+$0x1A390] =	vst v12;
	s1 =	sor.u32 s4, s1;
	s4 =	rddreg [dreg:$0x15];
	v16 =	vld [tilespmem:s31+$0x0]  }
0x5ae: {  	s8 =	sor.u32 $0x1780, s7;
	v17 =	vld [tilespmem:s0+$0xCC20];
	s6 =	sand.u32 $0xFFFFFF80, s4;
	v18 =	vadd.f32 v10, v9;
	[tilespmem:s7+$0x1A730] =	vst v14  }
0x5af: {  	s5 =	sand.u32 $0x40, s4;
	s3 =	sadd.s32 s6, s8;
	v19 =	vld [tilespmem:s1+$0xCC00]  }
0x5b0: {  	s3 =	sor.u32 s5, s3;
	v20 =	vld [tilespmem:s29+$0x0];
	[tilespmem:s7+$0x1AB30] =	vst v18;
	v21 =	vadd.f32 v13, v11  }
0x5b1: {  	s9 =	sand.u32 $0xFFFFFF80, s12;
	s10 =	sor.u32 $0x1B80, s7;
	v22 =	vld [tilespmem:s3+$0xCC00]  }
0x5b2: {  	s11 =	sand.u32 $0x40, s12;
	s12 =	spop (v2sf);
	s2 =	sadd.s32 s9, s10;
	v23 =	vld [tilespmem:s8+$0x0];
	[tilespmem:s7+$0x1AF30] =	vst v21;
	v24 =	vadd.f32 v16, v15  }
0x5b3: {  	s13 =	sand.u32 $0xFFFFFF80, s12;
	s14 =	sor.u32 $0x1F80, s7;
	s4 =	sor.u32 s11, s2;
	v25 =	vld [tilespmem:s10+$0x0]  }
0x5b4: {  	s6 =	sand.u32 $0x40, s12;
	s2 =	sadd.s32 s13, s14;
	v26 =	vld [tilespmem:s4+$0xCC00];
	[tilespmem:s7+$0x1B330] =	vst v24  }
0x5b5: {  	s2 =	sor.u32 s6, s2;
	v27 =	vadd.f32 v20, v19;
	v28 =	vld [tilespmem:s14+$0x0]  }
0x5b6: {  	s15 =	sor.u32 $0xFA0, s7;
	v29 =	vld [tilespmem:s2+$0xCC00]  }
0x5b7: {  	v30 =	vld [tilespmem:s15+$0x0];
	v31 =	vadd.f32 v23, v22;
	[tilespmem:s7+$0x1A780] =	vst v27  }
0x5b8: {  	s16 =	sor.u32 $0x1390, s7;
	v32 =	vld [tilespmem:s1+$0xCC10]  }
0x5b9: {  	v33 =	vld [tilespmem:s16+$0x0];
	[tilespmem:s7+$0x1AB80] =	vst v31;
	v34 =	vadd.f32 v25, v26  }
0x5ba: {  	s17 =	sor.u32 $0x1790, s7;
	v35 =	vld [tilespmem:s3+$0xCC10]  }
0x5bb: {  	v36 =	vld [tilespmem:s17+$0x0];
	[tilespmem:s7+$0x1AF80] =	vst v34;
	v37 =	vadd.f32 v28, v29  }
0x5bc: {  	s18 =	sor.u32 $0x1B90, s7;
	v38 =	vld [tilespmem:s4+$0xCC10]  }
0x5bd: {  	s19 =	sor.u32 $0x1F90, s7;
	v39 =	vadd.f32 v30, v17;
	v40 =	vld [tilespmem:s18+$0x0];
	[tilespmem:s7+$0x1B380] =	vst v37  }
0x5be: {  	v1 =	vadd.f32 v33, v32;
	v0 =	vld [tilespmem:s19+$0x0]  }
0x5bf: {  	[tilespmem:s7+$0x1A3A0] =	vst v39;
	v41 =	vld [tilespmem:s2+$0xCC10]  }
0x5c0: {  	v42 =	vld [tilespmem:s0+$0xCC30];
	v43 =	vadd.f32 v36, v35;
	[tilespmem:s7+$0x1A790] =	vst v1  }
0x5c1: {  	s20 =	sor.u32 $0x13A0, s7;
	v44 =	vld [tilespmem:s1+$0xCC20]  }
0x5c2: {  	v45 =	vld [tilespmem:s20+$0x0];
	[tilespmem:s7+$0x1AB90] =	vst v43;
	v46 =	vadd.f32 v40, v38  }
0x5c3: {  	s21 =	sor.u32 $0x17A0, s7;
	v47 =	vld [tilespmem:s3+$0xCC20]  }
0x5c4: {  	v48 =	vld [tilespmem:s21+$0x0];
	[tilespmem:s7+$0x1AF90] =	vst v46;
	v0 =	vadd.f32 v0, v41  }
0x5c5: {  	s22 =	sor.u32 $0x1BA0, s7;
	v1 =	vld [tilespmem:s4+$0xCC20]  }
0x5c6: {  	s23 =	sor.u32 $0x1FA0, s7;
	v49 =	vld [tilespmem:s22+$0x0];
	[tilespmem:s7+$0x1B390] =	vst v0  }
0x5c7: {  	v50 =	vadd.f32 v45, v44;
	v51 =	vld [tilespmem:s23+$0x0]  }
0x5c8: {  	s24 =	sor.u32 $0xFB0, s7;
	v52 =	vld [tilespmem:s2+$0xCC20]  }
0x5c9: {  	v53 =	vld [tilespmem:s24+$0x0];
	v54 =	vadd.f32 v48, v47;
	[tilespmem:s7+$0x1A7A0] =	vst v50  }
0x5ca: {  	s25 =	sor.u32 $0x13B0, s7;
	v55 =	vld [tilespmem:s1+$0xCC30]  }
0x5cb: {  	v56 =	vld [tilespmem:s25+$0x0];
	[tilespmem:s7+$0x1ABA0] =	vst v54;
	v57 =	vadd.f32 v49, v1  }
0x5cc: {  	s26 =	sor.u32 $0x17B0, s7;
	v58 =	vld [tilespmem:s3+$0xCC30]  }
0x5cd: {  	v59 =	vld [tilespmem:s26+$0x0];
	[tilespmem:s7+$0x1AFA0] =	vst v57;
	v60 =	vadd.f32 v51, v52  }
0x5ce: {  	s28 =	sor.u32 $0x1BB0, s7;
	v61 =	vld [tilespmem:s4+$0xCC30]  }
0x5cf: {  	v62 =	vld [tilespmem:s28+$0x0];
	[tilespmem:s7+$0x1B3A0] =	vst v60  }
0x5d0: {  	s29 =	sor.u32 $0x1FB0, s7;
	v0 =	vld [tilespmem:s2+$0xCC30]  }
0x5d1: {  	v63 =	vld [tilespmem:s29+$0x0]  }
0x5d2: {  	v6 =	vadd.f32 v53, v42  }
0x5d3: {  	p1 =	slt.u32 s30, $0x80;
	v4 =	vadd.f32 v56, v55  }
.Ltmp5:
0x5d4: {  	[tilespmem:s7+$0x1A3B0] =	vst v6;
	v1 =	vadd.f32 v59, v58;
	(pc) =	sbr.rel @p1 .LBB2_8-.Ltmp5, $4  }
0x5d5: {  	[tilespmem:s7+$0x1A7B0] =	vst v4;
	v2 =	vadd.f32 v62, v61  }
0x5d6: {  	[tilespmem:s7+$0x1ABB0] =	vst v1;
	v0 =	vadd.f32 v63, v0  }
0x5d7: {  	s31 =	sadd.s32 $0x40, s30;
	[tilespmem:s7+$0x1AFB0] =	vst v2  }
0x5d8: {  	s30 =	smov.u32 s31;
	[tilespmem:s7+$0x1B3B0] =	vst v0  }
0x5d9: {  	v0 =	vld [tilespmem:$0x67C0];
	_ =	sdelay $0x4  }
0x5da: {  	(v2sf) =	vpush v0, $0x0;
	_ =	sdelay $0xe  }
0x5db: {  	s0 =	spop (v2sf)  }
0x5dc: {  	v2 =	vld [tilespmem:$0x6000];
	s0 =	sand.u32 $0xFFFFFFC0, s0  }
0x5dd: {  	v1 =	vld [tilespmem:s0+$0x12C00];
	_ =	sdelay $0x4  }
0x5de: {  	v1 =	vadd.f32 v2, v1;
	_ =	sdelay $0x1  }
0x5df: {  	v32 =	vld [tilespmem:$0x6010];
	[tilespmem:$0x1F400] =	vst v1  }
0x5e0: {  	v1 =	vld [tilespmem:s0+$0x12C10];
	_ =	sdelay $0x4  }
0x5e1: {  	v1 =	vadd.f32 v32, v1;
	_ =	sdelay $0x1  }
0x5e2: {  	v33 =	vld [tilespmem:$0x6020];
	(v2sf) =	vpush v0, $0x1;
	[tilespmem:$0x1F410] =	vst v1  }
0x5e3: {  	v1 =	vld [tilespmem:s0+$0x12C20];
	_ =	sdelay $0x4  }
0x5e4: {  	v1 =	vadd.f32 v33, v1;
	_ =	sdelay $0x1  }
0x5e5: {  	v34 =	vld [tilespmem:$0x6030];
	[tilespmem:$0x1F420] =	vst v1  }
0x5e6: {  	v1 =	vld [tilespmem:s0+$0x12C30];
	_ =	sdelay $0x4  }
0x5e7: {  	v1 =	vadd.f32 v34, v1  }
0x5e8: {  	s21 =	spop (v2sf)  }
0x5e9: {  	v35 =	vld [tilespmem:$0x6080];
	s0 =	sand.u32 $0xFFFFFFC0, s21;
	[tilespmem:$0x1F430] =	vst v1  }
0x5ea: {  	v1 =	vld [tilespmem:s0+$0x12C80];
	_ =	sdelay $0x4  }
0x5eb: {  	v1 =	vadd.f32 v35, v1;
	_ =	sdelay $0x1  }
0x5ec: {  	v36 =	vld [tilespmem:$0x6090];
	[tilespmem:$0x1F480] =	vst v1  }
0x5ed: {  	v1 =	vld [tilespmem:s0+$0x12C90];
	_ =	sdelay $0x4  }
0x5ee: {  	v1 =	vadd.f32 v36, v1;
	_ =	sdelay $0x1  }
0x5ef: {  	v37 =	vld [tilespmem:$0x60A0];
	(v2sf) =	vpush v0, $0x2;
	[tilespmem:$0x1F490] =	vst v1  }
0x5f0: {  	v1 =	vld [tilespmem:s0+$0x12CA0];
	_ =	sdelay $0x4  }
0x5f1: {  	v1 =	vadd.f32 v37, v1;
	_ =	sdelay $0x1  }
0x5f2: {  	v38 =	vld [tilespmem:$0x60B0];
	[tilespmem:$0x1F4A0] =	vst v1  }
0x5f3: {  	v1 =	vld [tilespmem:s0+$0x12CB0];
	_ =	sdelay $0x4  }
0x5f4: {  	v1 =	vadd.f32 v38, v1  }
0x5f5: {  	s22 =	spop (v2sf)  }
0x5f6: {  	v39 =	vld [tilespmem:$0x6100];
	s0 =	sand.u32 $0xFFFFFFC0, s22;
	[tilespmem:$0x1F4B0] =	vst v1  }
0x5f7: {  	v1 =	vld [tilespmem:s0+$0x12D00];
	_ =	sdelay $0x4  }
0x5f8: {  	v1 =	vadd.f32 v39, v1;
	_ =	sdelay $0x1  }
0x5f9: {  	v40 =	vld [tilespmem:$0x6110];
	[tilespmem:$0x1F500] =	vst v1  }
0x5fa: {  	v1 =	vld [tilespmem:s0+$0x12D10];
	_ =	sdelay $0x4  }
0x5fb: {  	v1 =	vadd.f32 v40, v1;
	_ =	sdelay $0x1  }
0x5fc: {  	v41 =	vld [tilespmem:$0x6120];
	(v2sf) =	vpush v0, $0x3;
	[tilespmem:$0x1F510] =	vst v1  }
0x5fd: {  	v1 =	vld [tilespmem:s0+$0x12D20];
	_ =	sdelay $0x4  }
0x5fe: {  	v1 =	vadd.f32 v41, v1;
	_ =	sdelay $0x1  }
0x5ff: {  	v42 =	vld [tilespmem:$0x6130];
	[tilespmem:$0x1F520] =	vst v1  }
0x600: {  	v1 =	vld [tilespmem:s0+$0x12D30];
	_ =	sdelay $0x4  }
0x601: {  	v1 =	vadd.f32 v42, v1  }
0x602: {  	s23 =	spop (v2sf)  }
0x603: {  	v43 =	vld [tilespmem:$0x6180];
	s0 =	sand.u32 $0xFFFFFFC0, s23;
	[tilespmem:$0x1F530] =	vst v1  }
0x604: {  	v1 =	vld [tilespmem:s0+$0x12D80];
	_ =	sdelay $0x4  }
0x605: {  	v1 =	vadd.f32 v43, v1;
	_ =	sdelay $0x1  }
0x606: {  	v44 =	vld [tilespmem:$0x6190];
	[tilespmem:$0x1F580] =	vst v1  }
0x607: {  	v1 =	vld [tilespmem:s0+$0x12D90];
	_ =	sdelay $0x4  }
0x608: {  	v1 =	vadd.f32 v44, v1;
	_ =	sdelay $0x1  }
0x609: {  	v45 =	vld [tilespmem:$0x61A0];
	(v2sf) =	vpush v0, $0x4;
	[tilespmem:$0x1F590] =	vst v1  }
0x60a: {  	v1 =	vld [tilespmem:s0+$0x12DA0];
	_ =	sdelay $0x4  }
0x60b: {  	v1 =	vadd.f32 v45, v1;
	_ =	sdelay $0x1  }
0x60c: {  	v46 =	vld [tilespmem:$0x61B0];
	[tilespmem:$0x1F5A0] =	vst v1  }
0x60d: {  	v1 =	vld [tilespmem:s0+$0x12DB0];
	_ =	sdelay $0x4  }
0x60e: {  	v1 =	vadd.f32 v46, v1  }
0x60f: {  	s24 =	spop (v2sf)  }
0x610: {  	v47 =	vld [tilespmem:$0x6200];
	s0 =	sand.u32 $0xFFFFFFC0, s24;
	[tilespmem:$0x1F5B0] =	vst v1  }
0x611: {  	v1 =	vld [tilespmem:s0+$0x12E00];
	_ =	sdelay $0x4  }
0x612: {  	v1 =	vadd.f32 v47, v1;
	_ =	sdelay $0x1  }
0x613: {  	v48 =	vld [tilespmem:$0x6210];
	[tilespmem:$0x1F600] =	vst v1  }
0x614: {  	v1 =	vld [tilespmem:s0+$0x12E10];
	_ =	sdelay $0x4  }
0x615: {  	v1 =	vadd.f32 v48, v1;
	_ =	sdelay $0x1  }
0x616: {  	v49 =	vld [tilespmem:$0x6220];
	(v2sf) =	vpush v0, $0x5;
	[tilespmem:$0x1F610] =	vst v1  }
0x617: {  	v1 =	vld [tilespmem:s0+$0x12E20];
	_ =	sdelay $0x4  }
0x618: {  	v1 =	vadd.f32 v49, v1;
	_ =	sdelay $0x1  }
0x619: {  	v50 =	vld [tilespmem:$0x6230];
	[tilespmem:$0x1F620] =	vst v1  }
0x61a: {  	v1 =	vld [tilespmem:s0+$0x12E30];
	_ =	sdelay $0x4  }
0x61b: {  	v1 =	vadd.f32 v50, v1  }
0x61c: {  	s25 =	spop (v2sf)  }
0x61d: {  	v51 =	vld [tilespmem:$0x6280];
	s0 =	sand.u32 $0xFFFFFFC0, s25;
	[tilespmem:$0x1F630] =	vst v1  }
0x61e: {  	v1 =	vld [tilespmem:s0+$0x12E80];
	_ =	sdelay $0x4  }
0x61f: {  	v1 =	vadd.f32 v51, v1;
	_ =	sdelay $0x1  }
0x620: {  	v52 =	vld [tilespmem:$0x6290];
	[tilespmem:$0x1F680] =	vst v1  }
0x621: {  	v1 =	vld [tilespmem:s0+$0x12E90];
	_ =	sdelay $0x4  }
0x622: {  	v1 =	vadd.f32 v52, v1;
	_ =	sdelay $0x1  }
0x623: {  	v53 =	vld [tilespmem:$0x62A0];
	(v2sf) =	vpush v0, $0x6;
	[tilespmem:$0x1F690] =	vst v1  }
0x624: {  	v1 =	vld [tilespmem:s0+$0x12EA0];
	_ =	sdelay $0x4  }
0x625: {  	v1 =	vadd.f32 v53, v1;
	_ =	sdelay $0x1  }
0x626: {  	v54 =	vld [tilespmem:$0x62B0];
	[tilespmem:$0x1F6A0] =	vst v1  }
0x627: {  	v1 =	vld [tilespmem:s0+$0x12EB0];
	_ =	sdelay $0x4  }
0x628: {  	v1 =	vadd.f32 v54, v1  }
0x629: {  	s26 =	spop (v2sf)  }
0x62a: {  	v55 =	vld [tilespmem:$0x6300];
	s0 =	sand.u32 $0xFFFFFFC0, s26;
	[tilespmem:$0x1F6B0] =	vst v1  }
0x62b: {  	v1 =	vld [tilespmem:s0+$0x12F00];
	_ =	sdelay $0x4  }
0x62c: {  	v1 =	vadd.f32 v55, v1;
	_ =	sdelay $0x1  }
0x62d: {  	v56 =	vld [tilespmem:$0x6310];
	[tilespmem:$0x1F700] =	vst v1  }
0x62e: {  	v1 =	vld [tilespmem:s0+$0x12F10];
	_ =	sdelay $0x4  }
0x62f: {  	v1 =	vadd.f32 v56, v1;
	_ =	sdelay $0x1  }
0x630: {  	v57 =	vld [tilespmem:$0x6320];
	(v2sf) =	vpush v0, $0x7;
	[tilespmem:$0x1F710] =	vst v1  }
0x631: {  	v1 =	vld [tilespmem:s0+$0x12F20];
	_ =	sdelay $0x4  }
0x632: {  	v58 =	vadd.f32 v57, v1;
	_ =	sdelay $0x1  }
0x633: {  	v59 =	vld [tilespmem:$0x6330];
	[tilespmem:$0x1F720] =	vst v58  }
0x634: {  	v0 =	vld [tilespmem:s0+$0x12F30];
	_ =	sdelay $0x4  }
0x635: {  	v0 =	vadd.f32 v59, v0  }
0x636: {  	s28 =	spop (v2sf)  }
0x637: {  	v60 =	vld [tilespmem:$0x6380];
	s0 =	sand.u32 $0xFFFFFFC0, s28;
	[tilespmem:$0x1F730] =	vst v0  }
0x638: {  	v0 =	vld [tilespmem:s0+$0x12F80];
	_ =	sdelay $0x4  }
0x639: {  	v0 =	vadd.f32 v60, v0;
	_ =	sdelay $0x1  }
0x63a: {  	v61 =	vld [tilespmem:$0x6390];
	[tilespmem:$0x1F780] =	vst v0  }
0x63b: {  	v0 =	vld [tilespmem:s0+$0x12F90];
	_ =	sdelay $0x4  }
0x63c: {  	v0 =	vadd.f32 v61, v0;
	_ =	sdelay $0x1  }
0x63d: {  	v62 =	vld [tilespmem:$0x63A0];
	[tilespmem:$0x1F790] =	vst v0  }
0x63e: {  	v0 =	vld [tilespmem:s0+$0x12FA0];
	_ =	sdelay $0x4  }
0x63f: {  	v0 =	vadd.f32 v62, v0;
	_ =	sdelay $0x1  }
0x640: {  	v63 =	vld [tilespmem:$0x63B0];
	[tilespmem:$0x1F7A0] =	vst v0  }
0x641: {  	v0 =	vld [tilespmem:s0+$0x12FB0];
	_ =	sdelay $0x1  }
0x642: {  	s29 =	rddreg [dreg:$0x8]  }
0x643: {  	s1 =	rddreg [dreg:$0x11]  }
.Ltmp6:
0x644: {  	s0 =	sadd.s32 s29, s1;
	(pc) =	sbr.rel @p0 .LBB2_11-.Ltmp6, $4  }
0x645: {  	s0 =	smul.u32 $0xC80, s0;
	v0 =	vadd.f32 v63, v0  }
0x646: {  	s30 =	rddreg [dreg:$0x7]  }
0x647: {  	s5 =	simm.s32 $0x0;
	s31 =	simm.s32 $0x19400;
	s0 =	sadd.s32 s30, s0;
	[tilespmem:$0x1F7B0] =	vst v0  }
0x648: {  	[hbm4b:s0+s5] =	stream.linear.scatter [tilespmem:s31], [sflag:$0x4], $0x6400, $0x38;
	[tilespmem:$0x1F800] =	vst v63  }
0x649: {  	s0 =	rddreg [dreg:$0x12]  }
0x64a: {  	s0 =	smul.u32 $0xC8, s0  }
0x64b: {  	s7 =	rddreg [dreg:$0x4]  }
0x64c: {  	s0 =	sadd.s32 s7, s0  }
0x64d: {  	s1 =	rddreg [dreg:$0x3];
	s0 =	sshrl.u32 s0, $0x3  }
0x64e: {  	s26 =	simm.s32 $0x6700;
	s28 =	simm.s32 $0x6;
	s0 =	sadd.s32 s1, s0  }
0x64f: {  	[tilespmem:s26], [sflag:$0x6] =	stream.linear.gather [hbm4b:s0+s5], $0xC8, $0x38;
	[tilespmem:$0x1F800] =	vst v63  }
0x650: {  	_ =	swait.ge [sflag:s28], $0xC8  }
0x651: {  	[sflag:s28] =	ssyncset.done $0x0  }
0x652: {  	[sflag:s28] =	ssyncadd.s32 $0xFFFFFF38  }
.Ltmp7:
0x653: {  	s30 =	simm.s32 $0x6500;
	_ =	swait.ge [sflag:s28], $0xC8;
	(pc) =	sbr.rel .LBB2_2-.Ltmp7, $4  }
0x654: {  	s2 =	simm.s32 $0xC8;
	[sflag:s28] =	ssyncset.done $0x0;
	s29 =	rddreg [dreg:$0x5]  }
0x655: {  	s3 =	simm.s32 $0xCC00;
	s31 =	rddreg [dreg:$0xf];
	[sflag:s28] =	ssyncadd.s32 $0xFFFFFF38  }
0x656: {  	[tilespmem:s3], [sflag:$0x2] =	stream.indirect.gather [hbm4b:s29+s2], $0x80, s30, s2, $0xb8;
	[tilespmem:$0x1F800] =	vst v63  }
0x657: {  	s2 =	sadd.s32 $0x1, s31  }
.LBB2_12:
0x658: {  	_ =	sfence.sel $0x180000  }
0x659: {  	[bflag:$0x0] =	sbarrier.arrive $0xFFFF  }
0x65a: {  	_ =	strace $0x90000047  }
0x65b: {  	s0 =	stileid.u32;
	[bflag:$0x2] =	sbarrier.arrive $0xFFFF  }
0x65c: {  	p0 =	sne.s32 s0, $0x0;
	s0 =	rddreg [dreg:$0x2]  }
0x65d: {  	s0 =	sadd.s32 @!p0 $0x100000, s0  }
0x65e: {  	[sflag:s0] =	ssyncadd.tile.s32 @!p0 $0x1;
	_ =	shalt  }
.Lfunc_end2:
_tile_overlayer_lowered:
.L_overlay_start_2:
0x65f: {  	(tag) =	ssettag $0x2  }
0x660: {  	s0 =	rddreg [dreg:$0x0];
	s2 =	stileid.u32  }
0x661: {  	s1 =	rddreg [dreg:$0x1];
	p0 =	sne.s32 s2, $0x0  }
0x662: {  	s3 =	rddreg [dreg:$0x2];
	[bflag:$0x3] =	sbarrier.arrive $0xFFFF;
	s2 =	simm.s32 @!p0 $0x1C07  }
0x663: {  	[timem:s3], [sflag:s2] =	dma.local @!p0 [hbm:s0], s1  }
0x664: {  	s0 =	simm.s32 @!p0 $0x7  }
0x665: {  	_ =	swait.ge @!p0 [sflag:s0], s1  }
0x666: {  	s1 =	ssub.s32 @!p0 $0x0, s1;
	[sflag:s0] =	ssyncset.done @!p0 $0x0  }
0x667: {  	[sflag:s0] =	ssyncadd.s32 @!p0 s1  }
0x668: {  	[bflag:$0x3] =	sbarrier.arrive $0xFFFF  }
0x669: {  	_ =	shalt  }

</sc_bundles>
